<compile_context>
chip_gen: v7x
topology: tpu7x:2x2x1
jax: 0.10.2.dev20260603
libtpu: 0.0.44.dev20260713+nightly
codegen_flags: <defaults>
</compile_context>

<pallas_src>
import functools

import jax
import jax.numpy as jnp
from jax import lax
from jax.experimental import pallas as pl
from jax.experimental.pallas import tpu as pltpu
from jax.experimental.pallas import tpu_sc as plsc

N = 100000
E = 1600000
IN_DIM, HID_DIM, OUT_DIM = 32, 64, 128

NPAD = 100096
RPT = NPAD // 16
K = 128
EPAD = 1622016
EHALF = EPAD // 2

RB = 1024
NBLK = (NPAD + RB - 1) // RB

_MESH = plsc.VectorSubcoreMesh(core_axis_name="c", subcore_axis_name="s")


def _fill(ref, rows, value):
    def body(i, carry):
        ref[i] = jnp.full((16,), value, jnp.float32)
        return carry
    lax.fori_loop(0, rows, body, 0)


_ZCH = RPT // K + 1


def _zero_acc(acc, zeros, idxv, s):
    def chunk(i, carry):
        base = jnp.minimum(s * RPT + i * K, NPAD - K)

        def zidx(j, carry2):
            idxv[pl.ds(j * 16, 16)] = lax.iota(jnp.int32, 16) + (base + j * 16)
            return carry2

        lax.fori_loop(0, K // 16, zidx, 0)
        pltpu.sync_copy(zeros, acc.at[idxv])
        return carry

    lax.fori_loop(0, _ZCH, chunk, 0)


SUP_D = 12
NSUP_D = 33
SUP_P = 12
NSUP_P = 66


@functools.partial(
    pl.kernel,
    out_type=jax.ShapeDtypeStruct((NPAD, 32), jnp.float32),
    mesh=_MESH,
    compiler_params=pltpu.CompilerParams(use_tc_tiling_on_sc=False),
    scratch_types=[
        pltpu.VMEM((K, 16), jnp.float32),
        pltpu.VMEM((SUP_D, K), jnp.int32),
        pltpu.VMEM_SHARED((NPAD, 16), jnp.float32),
    ],
)
def _deg_kernel(dst2d_hbm, out_hbm, ones, dstb, acc):
    c = lax.axis_index("c")
    s = lax.axis_index("s")
    _fill(ones, K, 0.0)
    _zero_acc(acc, ones, dstb.at[0], s)
    plsc.subcore_barrier()
    _fill(ones, K, 1.0)
    cpt = EHALF // 16 // K

    def body(t, carry):
        rowbase = c * (EHALF // K) + s * cpt + t * SUP_D
        pltpu.sync_copy(dst2d_hbm.at[pl.ds(rowbase, SUP_D)], dstb)
        for u in range(SUP_D):
            pltpu.sync_copy(ones, acc.at[dstb.at[u]], add=True)
        return carry

    lax.fori_loop(0, NSUP_D, body, 0)
    plsc.subcore_barrier()
    pltpu.sync_copy(acc.at[pl.ds(s * RPT, RPT)],
                    out_hbm.at[pl.ds(s * RPT, RPT), pl.ds(c * 16, 16)])


HP = SUP_P // 2
NH = NSUP_P * 2


def _fill_bf16(ref, rows, value):
    def body(i, carry):
        ref[i] = jnp.full((32,), value, jnp.bfloat16)
        return carry
    lax.fori_loop(0, rows, body, 0)


def _make_prop(split_edges):
    cpt = EPAD // K // 16 // (2 if split_edges else 1)
    nh = cpt // HP
    nsup = nh // 2
    out_ty = (jax.ShapeDtypeStruct((2 * NPAD, 32), jnp.bfloat16)
              if split_edges
              else jax.ShapeDtypeStruct((NPAD, 64), jnp.bfloat16))

    @functools.partial(
        pl.kernel,
        out_type=out_ty,
        mesh=_MESH,
        compiler_params=pltpu.CompilerParams(use_tc_tiling_on_sc=False),
        scratch_types=[
            pltpu.VMEM((SUP_P, K), jnp.int32),
            pltpu.VMEM((SUP_P, K), jnp.int32),
            pltpu.VMEM((SUP_P, K, 32), jnp.bfloat16),
            pltpu.VMEM_SHARED((NPAD, 32), jnp.bfloat16),
            pltpu.SemaphoreType.DMA,
            pltpu.SemaphoreType.DMA,
        ],
    )
    def prop(table, src2d_hbm, dst2d_hbm, out_hbm,
             gidxb, dstb, rows, acc, sem0, sem1):
        c = lax.axis_index("c")
        s = lax.axis_index("s")
        edgebase = c * (EPAD // K // 2) if split_edges else 0

        def load_and_fire(h, sb, sem):
            rowbase = edgebase + s * cpt + h * HP
            pltpu.sync_copy(src2d_hbm.at[pl.ds(rowbase, HP)],
                            gidxb.at[pl.ds(sb, HP)])
            pltpu.sync_copy(dst2d_hbm.at[pl.ds(rowbase, HP)],
                            dstb.at[pl.ds(sb, HP)])

            def off(u, cu):
                if not split_edges:
                    def off16(j2, c2):
                        gidxb[sb + u, pl.ds(j2 * 16, 16)] = (
                            gidxb[sb + u, pl.ds(j2 * 16, 16)] * 2 + c)
                        return c2
                    lax.fori_loop(0, K // 16, off16, 0)
                pltpu.async_copy(table.at[gidxb.at[sb + u]],
                                 rows.at[sb + u], sem)
                return cu

            lax.fori_loop(0, HP, off, 0)

        def drain_scatter(sb, sem):
            def drain(u, cu):
                pltpu.make_async_copy(
                    table.at[gidxb.at[sb + u]], rows.at[sb + u], sem).wait()
                return cu

            lax.fori_loop(0, HP, drain, 0)

            def scat(u, cu):
                pltpu.sync_copy(rows.at[sb + u],
                                acc.at[dstb.at[sb + u]], add=True)
                return cu

            lax.fori_loop(0, HP, scat, 0)

        _fill_bf16(rows.at[0], K, 0.0)
        _zero_acc(acc, rows.at[0], dstb.at[0], s)
        plsc.subcore_barrier()

        load_and_fire(0, 0, sem0)

        def body(t, carry):
            load_and_fire(2 * t + 1, HP, sem1)
            drain_scatter(0, sem0)

            @pl.when(t < nsup - 1)
            def _():
                load_and_fire(2 * t + 2, 0, sem0)

            drain_scatter(HP, sem1)
            return carry

        lax.fori_loop(0, nsup, body, 0)
        plsc.subcore_barrier()
        if split_edges:
            pltpu.sync_copy(acc.at[pl.ds(s * RPT, RPT)],
                            out_hbm.at[pl.ds(c * NPAD + s * RPT, RPT)])
        else:
            pltpu.sync_copy(acc.at[pl.ds(s * RPT, RPT)],
                            out_hbm.at[pl.ds(s * RPT, RPT),
                                       pl.ds(c * 32, 32)])
    return prop


_prop_l1 = _make_prop(True)
_prop_l2 = _make_prop(False)


def _tc_prep(deg16, x):
    def body(deg_ref, x_ref, tab_ref, dis_ref, inv_ref):
        deg = deg_ref[:, 0:1] + deg_ref[:, 16:17] + 1.0
        d = lax.rsqrt(deg)
        tab_ref[...] = (x_ref[...] * d).astype(jnp.bfloat16)
        dis_ref[...] = d
        inv_ref[...] = 1.0 / deg

    return pl.pallas_call(
        body,
        grid=(NBLK,),
        in_specs=[
            pl.BlockSpec((RB, 32), lambda i: (i, 0)),
            pl.BlockSpec((RB, IN_DIM), lambda i: (i, 0)),
        ],
        out_specs=[
            pl.BlockSpec((RB, IN_DIM), lambda i: (i, 0)),
            pl.BlockSpec((RB, 1), lambda i: (i, 0)),
            pl.BlockSpec((RB, 1), lambda i: (i, 0)),
        ],
        out_shape=[
            jax.ShapeDtypeStruct((NPAD, IN_DIM), jnp.bfloat16),
            jax.ShapeDtypeStruct((NPAD, 1), jnp.float32),
            jax.ShapeDtypeStruct((NPAD, 1), jnp.float32),
        ],
    )(deg16, x)


def _tc_layer1(acc1, x, dis, inv, W1, b1):
    def body(acc_ref, x_ref, dis_ref, inv_ref, w_ref, b_ref, tab_ref, hsl_ref):
        d = dis_ref[...]
        iv = inv_ref[...]
        accs = (acc_ref[0].astype(jnp.float32)
                + acc_ref[1].astype(jnp.float32))
        p1 = d * accs + iv * x_ref[...]
        h = jnp.dot(p1, w_ref[...], preferred_element_type=jnp.float32)
        h = jnp.maximum(h + b_ref[...], 0.0)
        tab_ref[...] = (h * d).astype(jnp.bfloat16)
        hsl_ref[...] = h * iv

    return pl.pallas_call(
        body,
        grid=(NBLK,),
        in_specs=[
            pl.BlockSpec((2, RB, IN_DIM), lambda i: (0, i, 0)),
            pl.BlockSpec((RB, IN_DIM), lambda i: (i, 0)),
            pl.BlockSpec((RB, 1), lambda i: (i, 0)),
            pl.BlockSpec((RB, 1), lambda i: (i, 0)),
            pl.BlockSpec((IN_DIM, HID_DIM), lambda i: (0, 0)),
            pl.BlockSpec((1, HID_DIM), lambda i: (0, 0)),
        ],
        out_specs=[
            pl.BlockSpec((RB, HID_DIM), lambda i: (i, 0)),
            pl.BlockSpec((RB, HID_DIM), lambda i: (i, 0)),
        ],
        out_shape=[
            jax.ShapeDtypeStruct((NPAD, HID_DIM), jnp.bfloat16),
            jax.ShapeDtypeStruct((NPAD, HID_DIM), jnp.float32),
        ],
    )(acc1, x, dis, inv, W1, b1)


def _tc_layer2(acc2, hsl, dis, W2, b2):
    def body(acc_ref, hsl_ref, dis_ref, w_ref, b_ref, out_ref):
        p2 = (dis_ref[...] * acc_ref[...].astype(jnp.float32)
              + hsl_ref[...])
        o = jnp.dot(p2, w_ref[...], preferred_element_type=jnp.float32)
        out_ref[...] = o + b_ref[...]

    return pl.pallas_call(
        body,
        grid=(NBLK,),
        in_specs=[
            pl.BlockSpec((RB, HID_DIM), lambda i: (i, 0)),
            pl.BlockSpec((RB, HID_DIM), lambda i: (i, 0)),
            pl.BlockSpec((RB, 1), lambda i: (i, 0)),
            pl.BlockSpec((HID_DIM, OUT_DIM), lambda i: (0, 0)),
            pl.BlockSpec((1, OUT_DIM), lambda i: (0, 0)),
        ],
        out_specs=pl.BlockSpec((RB, OUT_DIM), lambda i: (i, 0)),
        out_shape=jax.ShapeDtypeStruct((N, OUT_DIM), jnp.float32),
    )(acc2, hsl, dis, W2, b2)


def kernel(x, edge_index, W1, b1, W2, b2):
    src = edge_index[0].astype(jnp.int32)
    dst = edge_index[1].astype(jnp.int32)
    pad = jnp.full((EPAD - E,), N, jnp.int32)
    src_p = jnp.concatenate([src, pad])
    dst_p = jnp.concatenate([dst, pad])

    src2d = src_p.reshape(EPAD // K, K)
    dst2d = dst_p.reshape(EPAD // K, K)
    deg16 = _deg_kernel(dst2d)
    tab1, dis, inv = _tc_prep(deg16, x)
    acc1 = _prop_l1(tab1, src2d, dst2d)
    tab2, hsl = _tc_layer1(acc1.reshape(2, NPAD, IN_DIM), x, dis, inv,
                           W1, b1.reshape(1, HID_DIM))
    acc2 = _prop_l2(tab2.reshape(2 * NPAD, 32), src2d, dst2d)
    return _tc_layer2(acc2, hsl, dis, W2, b2.reshape(1, OUT_DIM))

# --- scband reference (transcript-rebuilt; emitter-appended) ---
"""Pipeline reference for scband-gcn-65317862637616 (READ-ONLY COPY).

The authoritative reference and input builder live on the scoring server;
editing this copy changes nothing except your own understanding.
"""

import jax, jax.numpy as jnp
import numpy as np

NUM_NODES = 100000
NUM_EDGES = 1600000
IN_DIM = 32
HID_DIM = 64
OUT_DIM = 128


def setup_inputs(seed: int = 0) -> dict:
    key = jax.random.key(seed)
    k_x, k_e, k_w1, k_b1, k_w2, k_b2 = jax.random.split(key, 6)
    x = jax.random.uniform(k_x, (NUM_NODES, IN_DIM), dtype=jnp.float32)
    edge_index = jax.random.randint(k_e, (2, NUM_EDGES), 0, NUM_NODES, dtype=jnp.int64)
    # Glorot-style init for GCNConv weights, zeros for bias (PyG default)
    s1 = float(np.sqrt(6.0 / (IN_DIM + HID_DIM)))
    W1 = jax.random.uniform(k_w1, (IN_DIM, HID_DIM), minval=-s1, maxval=s1, dtype=jnp.float32)
    b1 = jnp.zeros((HID_DIM,), dtype=jnp.float32)
    s2 = float(np.sqrt(6.0 / (HID_DIM + OUT_DIM)))
    W2 = jax.random.uniform(k_w2, (HID_DIM, OUT_DIM), minval=-s2, maxval=s2, dtype=jnp.float32)
    b2 = jnp.zeros((OUT_DIM,), dtype=jnp.float32)
    return {"x": x, "edge_index": edge_index, "W1": W1, "b1": b1, "W2": W2, "b2": b2}


def _gcn_conv(x, src, dst, W, b, num_nodes):
    # x' = D^{-1/2} (A + I) D^{-1/2} (x W) + b   (GCNConv with add_self_loops=True)
    h = x @ W
    deg = jnp.zeros((num_nodes,), dtype=h.dtype).at[dst].add(1.0)
    deg_inv_sqrt = jnp.where(deg > 0, jax.lax.rsqrt(jnp.maximum(deg, 1e-12)), 0.0)
    norm = deg_inv_sqrt[src] * deg_inv_sqrt[dst]
    msgs = h[src] * norm[:, None]
    out = jnp.zeros((num_nodes, h.shape[1]), dtype=h.dtype).at[dst].add(msgs)
    return out + b


def reference(x, edge_index, W1, b1, W2, b2):
    num_nodes = x.shape[0]
    loops = jnp.arange(num_nodes, dtype=edge_index.dtype)
    src = jnp.concatenate([edge_index[0], loops])
    dst = jnp.concatenate([edge_index[1], loops])
    h = _gcn_conv(x, src, dst, W1, b1, num_nodes)
    h = jax.nn.relu(h)
    out = _gcn_conv(h, src, dst, W2, b2, num_nodes)
    return out

if __name__ == "__main__":
    import jax
    _d = setup_inputs()
    print(jax.jit(kernel)(*tuple(_d.values())))

</pallas_src>

<mosaic_0001>
#map = affine_map<(d0, d1) -> (0, 0)>
module attributes {stable_mosaic.version = 14 : i64} {
  func.func @prop(%arg0: i32, %arg1: i32, %arg2: memref<100096x32xbf16, #tpu.memory_space<hbm>>, %arg3: memref<12672x128xi32, #tpu.memory_space<hbm>>, %arg4: memref<12672x128xi32, #tpu.memory_space<hbm>>, %arg5: memref<200192x32xbf16, #tpu.memory_space<hbm>>, %arg6: memref<12x128xi32, #tpu.memory_space<vmem>>, %arg7: memref<12x128xi32, #tpu.memory_space<vmem>>, %arg8: memref<12x128x32xbf16, #tpu.memory_space<vmem>>, %arg9: memref<100096x32xbf16, #tpu.memory_space<vmem_shared>>, %arg10: memref<!tpu.dma_semaphore, #tpu.memory_space<semaphore_mem>>, %arg11: memref<!tpu.dma_semaphore, #tpu.memory_space<semaphore_mem>>) attributes {dimension_semantics = [#tpu.dimension_semantics<core_parallel>, #tpu.dimension_semantics<subcore_parallel>], iteration_bounds = array<i64: 2, 16>, scalar_prefetch = 0 : i64, scratch_operands = 6 : i64, tpu.core_type = #tpu.core_type<sc_vector_subcore>, window_params = [{transform_indices = #map}, {transform_indices = #map}, {transform_indices = #map}, {transform_indices = #map}]} {
    %mul3A = arith.constant 6336 : i32
    %mul3A_0 = arith.muli %arg0, %mul3A : i32
    %scan3A = arith.constant 0 : i32
    %scan3A_1 = arith.constant 0 : i32
    %scan3A_2 = arith.constant 0 : i32
    %scan3A_3 = arith.constant 128 : i32
    %scan3A_4 = arith.addi %scan3A_2, %scan3A_3 : i32
    %scan3A_5 = arith.constant 1 : i32
    scf.for %scan3A_39 = %scan3A_2 to %scan3A_4 step %scan3A_5  : i32 {
      %broadcast_in_dim3A = arith.constant 0.000000e+00 : bf16
      %broadcast_in_dim3A_40 = vector.broadcast %broadcast_in_dim3A : bf16 to vector<32xbf16>
      %swap3A = arith.constant 0 : i32
      %swap3A_41 = arith.constant 0 : i32
      %swap3A_42 = tpu.memref_slice %arg8[%scan3A_1, %swap3A, %swap3A_41] : memref<12x128x32xbf16, #tpu.memory_space<vmem>> -> memref<1x128x32xbf16, #tpu.memory_space<vmem>>
      %swap3A_43 = tpu.memref_squeeze %swap3A_42 : memref<1x128x32xbf16, #tpu.memory_space<vmem>> -> memref<128x32xbf16, #tpu.memory_space<vmem>>
      %swap3A_44 = arith.index_cast %scan3A_39 : i32 to index
      %swap3A_45 = arith.constant 0 : index
      %swap3A_46 = tpu.vector_load %swap3A_43[%swap3A_44, %swap3A_45] {strides = array<i32>} : memref<128x32xbf16, #tpu.memory_space<vmem>>, vector<1x32xbf16>,
      %swap3A_47 = vector.shape_cast %swap3A_46 : vector<1x32xbf16> to vector<32xbf16>
      %swap3A_48 = vector.shape_cast %broadcast_in_dim3A_40 : vector<32xbf16> to vector<1x32xbf16>
      tpu.vector_store %swap3A_43[%swap3A_44, %swap3A_45], %swap3A_48 {strides = array<i32>} : memref<128x32xbf16, #tpu.memory_space<vmem>>, vector<1x32xbf16>,
    }
    %scan3A_6 = arith.constant 128 : i32
    %scan3A_7 = arith.constant 0 : i32
    %scan3A_8 = arith.constant 0 : i32
    %scan3A_9 = arith.constant 0 : i32
    %scan3A_10 = arith.constant 0 : i32
    %scan3A_11 = arith.constant 49 : i32
    %scan3A_12 = arith.addi %scan3A_10, %scan3A_11 : i32
    %scan3A_13 = arith.constant 1 : i32
    scf.for %scan3A_39 = %scan3A_10 to %scan3A_12 step %scan3A_13  : i32 {
      %mul3A_40 = arith.constant 6256 : i32
      %mul3A_41 = arith.muli %arg1, %mul3A_40 : i32
      %mul3A_42 = arith.constant 128 : i32
      %mul3A_43 = arith.muli %scan3A_39, %mul3A_42 : i32
      %add3A_44 = arith.addi %mul3A_41, %mul3A_43 : i32
      %min3A = arith.constant 99968 : i32
      %min3A_45 = arith.minsi %add3A_44, %min3A : i32
      %scan3A_46 = arith.constant 0 : i32
      %scan3A_47 = arith.constant 0 : i32
      %scan3A_48 = arith.constant 8 : i32
      %scan3A_49 = arith.addi %scan3A_47, %scan3A_48 : i32
      %scan3A_50 = arith.constant 1 : i32
      scf.for %scan3A_52 = %scan3A_47 to %scan3A_49 step %scan3A_50  : i32 {
        %iota3A = tpu.iota {dimensions = array<i32: 0>} : vector<16xi32>
        %mul3A_53 = arith.constant 16 : i32
        %mul3A_54 = arith.muli %scan3A_52, %mul3A_53 : i32
        %add3A_55 = arith.addi %min3A_45, %mul3A_54 : i32
        %add3A_56 = vector.broadcast %add3A_55 : i32 to vector<16xi32>
        %add3A_57 = arith.addi %iota3A, %add3A_56 : vector<16xi32>
        %mul3A_58 = arith.constant 16 : i32
        %mul3A_59 = arith.muli %scan3A_52, %mul3A_58 : i32
        %swap3A = arith.constant 0 : i32
        %swap3A_60 = tpu.memref_slice %arg7[%scan3A_8, %swap3A] : memref<12x128xi32, #tpu.memory_space<vmem>> -> memref<1x128xi32, #tpu.memory_space<vmem>>
        %swap3A_61 = tpu.memref_squeeze %swap3A_60 : memref<1x128xi32, #tpu.memory_space<vmem>> -> memref<128xi32, #tpu.memory_space<vmem>>
        %swap3A_62 = arith.index_cast %mul3A_59 : i32 to index
        %swap3A_63 = tpu.vector_load %swap3A_61[%swap3A_62] {strides = array<i32>} : memref<128xi32, #tpu.memory_space<vmem>>, vector<16xi32>,
        %swap3A_64 = vector.shape_cast %swap3A_63 : vector<16xi32> to vector<16xi32>
        %swap3A_65 = vector.shape_cast %add3A_57 : vector<16xi32> to vector<16xi32>
        tpu.vector_store %swap3A_61[%swap3A_62], %swap3A_65 {strides = array<i32>} : memref<128xi32, #tpu.memory_space<vmem>>, vector<16xi32>,
      }
      %scan3A_51 = arith.constant 8 : i32
      "tpu.region"() ({
        %run_scoped3A = tpu.sem_alloc : memref<!tpu.dma_semaphore, #tpu.memory_space<semaphore_mem>>
        %dma_start3A = arith.constant 0 : i32
        %dma_start3A_52 = arith.constant 0 : i32
        %dma_start3A_53 = tpu.memref_slice %arg8[%scan3A_9, %dma_start3A, %dma_start3A_52] : memref<12x128x32xbf16, #tpu.memory_space<vmem>> -> memref<1x128x32xbf16, #tpu.memory_space<vmem>>
        %dma_start3A_54 = tpu.memref_squeeze %dma_start3A_53 : memref<1x128x32xbf16, #tpu.memory_space<vmem>> -> memref<128x32xbf16, #tpu.memory_space<vmem>>
        %dma_start3A_55 = arith.constant 0 : i32
        %dma_start3A_56 = tpu.memref_slice %arg7[%scan3A_8, %dma_start3A_55] : memref<12x128xi32, #tpu.memory_space<vmem>> -> memref<1x128xi32, #tpu.memory_space<vmem>>
        %dma_start3A_57 = tpu.memref_squeeze %dma_start3A_56 : memref<1x128xi32, #tpu.memory_space<vmem>> -> memref<128xi32, #tpu.memory_space<vmem>>
        %dma_start3A_58 = arith.constant 0 : i32
        %dma_start3A_59 = arith.constant 0 : i32
        %dma_start3A_60 = tpu.memref_slice %arg9[%dma_start3A_58, %dma_start3A_59] : memref<100096x32xbf16, #tpu.memory_space<vmem_shared>> -> memref<100096x32xbf16, #tpu.memory_space<vmem_shared>>
        tpu.enqueue_indirect_dma source(%dma_start3A_54 : memref<128x32xbf16, #tpu.memory_space<vmem>>) target(%dma_start3A_60 : memref<100096x32xbf16, #tpu.memory_space<vmem_shared>>) offsets(%dma_start3A_57 : memref<128xi32, #tpu.memory_space<vmem>>) semaphore(%run_scoped3A : memref<!tpu.dma_semaphore, #tpu.memory_space<semaphore_mem>>)
        %dma_wait3A = arith.constant 0 : i32
        %dma_wait3A_61 = arith.constant 0 : i32
        %dma_wait3A_62 = tpu.memref_slice %arg8[%scan3A_9, %dma_wait3A, %dma_wait3A_61] : memref<12x128x32xbf16, #tpu.memory_space<vmem>> -> memref<1x128x32xbf16, #tpu.memory_space<vmem>>
        %dma_wait3A_63 = tpu.memref_squeeze %dma_wait3A_62 : memref<1x128x32xbf16, #tpu.memory_space<vmem>> -> memref<128x32xbf16, #tpu.memory_space<vmem>>
        %dma_wait3A_64 = arith.constant 0 : i32
        %dma_wait3A_65 = tpu.memref_slice %arg7[%scan3A_8, %dma_wait3A_64] : memref<12x128xi32, #tpu.memory_space<vmem>> -> memref<1x128xi32, #tpu.memory_space<vmem>>
        %dma_wait3A_66 = tpu.memref_squeeze %dma_wait3A_65 : memref<1x128xi32, #tpu.memory_space<vmem>> -> memref<128xi32, #tpu.memory_space<vmem>>
        %dma_wait3A_67 = arith.constant 0 : i32
        %dma_wait3A_68 = arith.constant 0 : i32
        %dma_wait3A_69 = tpu.memref_slice %arg9[%dma_wait3A_67, %dma_wait3A_68] : memref<100096x32xbf16, #tpu.memory_space<vmem_shared>> -> memref<100096x32xbf16, #tpu.memory_space<vmem_shared>>
        tpu.wait_indirect_dma semaphore(%run_scoped3A : memref<!tpu.dma_semaphore, #tpu.memory_space<semaphore_mem>>) src(%dma_wait3A_63 : memref<128x32xbf16, #tpu.memory_space<vmem>>) dst(%dma_wait3A_69 : memref<100096x32xbf16, #tpu.memory_space<vmem_shared>>)
        tpu.yield
      }) : () -> ()
    }
    %scan3A_14 = arith.constant 49 : i32
    %barrier3A = arith.constant 0 : index
    tpu.barrier barrier_id(%barrier3A)
    %mul3A_15 = arith.constant 396 : i32
    %mul3A_16 = arith.muli %arg1, %mul3A_15 : i32
    %add3A = arith.addi %mul3A_0, %mul3A_16 : i32
    %add3A_17 = arith.constant 0 : i32
    %add3A_18 = arith.addi %add3A, %add3A_17 : i32
    "tpu.region"() ({
      %run_scoped3A = tpu.sem_alloc : memref<!tpu.dma_semaphore, #tpu.memory_space<semaphore_mem>>
      %dma_start3A = arith.constant 0 : i32
      %dma_start3A_39 = arith.constant 0 : i32
      %dma_start3A_40 = tpu.memref_slice %arg6[%dma_start3A, %dma_start3A_39] : memref<12x128xi32, #tpu.memory_space<vmem>> -> memref<6x128xi32, #tpu.memory_space<vmem>>
      %dma_start3A_41 = arith.constant 0 : i32
      %dma_start3A_42 = tpu.memref_slice %arg3[%add3A_18, %dma_start3A_41] : memref<12672x128xi32, #tpu.memory_space<hbm>> -> memref<6x128xi32, #tpu.memory_space<hbm>>
      %dma_start3A_43 = arith.constant 0 : i32
      %dma_start3A_44 = arith.constant 0 : i32
      %dma_start3A_45 = tpu.memref_slice %arg6[%dma_start3A_43, %dma_start3A_44] : memref<12x128xi32, #tpu.memory_space<vmem>> -> memref<6x128xi32, #tpu.memory_space<vmem>>
      %dma_start3A_46 = arith.constant 0 : i32
      %dma_start3A_47 = tpu.memref_slice %arg3[%add3A_18, %dma_start3A_46] : memref<12672x128xi32, #tpu.memory_space<hbm>> -> memref<6x128xi32, #tpu.memory_space<hbm>>
      tpu.enqueue_dma source(%dma_start3A_47 : memref<6x128xi32, #tpu.memory_space<hbm>>) target(%dma_start3A_45 : memref<6x128xi32, #tpu.memory_space<vmem>>) target_semaphore(%run_scoped3A : memref<!tpu.dma_semaphore, #tpu.memory_space<semaphore_mem>>)
      %dma_wait3A = arith.constant 0 : i32
      %dma_wait3A_48 = arith.constant 0 : i32
      %dma_wait3A_49 = tpu.memref_slice %arg6[%dma_wait3A, %dma_wait3A_48] : memref<12x128xi32, #tpu.memory_space<vmem>> -> memref<6x128xi32, #tpu.memory_space<vmem>>
      %dma_wait3A_50 = arith.constant 0 : i32
      %dma_wait3A_51 = tpu.memref_slice %arg3[%add3A_18, %dma_wait3A_50] : memref<12672x128xi32, #tpu.memory_space<hbm>> -> memref<6x128xi32, #tpu.memory_space<hbm>>
      %dma_wait3A_52 = arith.constant 0 : i32
      %dma_wait3A_53 = arith.constant 0 : i32
      %dma_wait3A_54 = tpu.memref_slice %arg6[%dma_wait3A_52, %dma_wait3A_53] : memref<12x128xi32, #tpu.memory_space<vmem>> -> memref<6x128xi32, #tpu.memory_space<vmem>>
      %dma_wait3A_55 = arith.constant 0 : i32
      %dma_wait3A_56 = tpu.memref_slice %arg3[%add3A_18, %dma_wait3A_55] : memref<12672x128xi32, #tpu.memory_space<hbm>> -> memref<6x128xi32, #tpu.memory_space<hbm>>
      tpu.wait_dma2 semaphore(%run_scoped3A : memref<!tpu.dma_semaphore, #tpu.memory_space<semaphore_mem>>) src(%dma_wait3A_56 : memref<6x128xi32, #tpu.memory_space<hbm>>) dst(%dma_wait3A_54 : memref<6x128xi32, #tpu.memory_space<vmem>>)
      tpu.yield
    }) : () -> ()
    "tpu.region"() ({
      %run_scoped3A = tpu.sem_alloc : memref<!tpu.dma_semaphore, #tpu.memory_space<semaphore_mem>>
      %dma_start3A = arith.constant 0 : i32
      %dma_start3A_39 = arith.constant 0 : i32
      %dma_start3A_40 = tpu.memref_slice %arg7[%dma_start3A, %dma_start3A_39] : memref<12x128xi32, #tpu.memory_space<vmem>> -> memref<6x128xi32, #tpu.memory_space<vmem>>
      %dma_start3A_41 = arith.constant 0 : i32
      %dma_start3A_42 = tpu.memref_slice %arg4[%add3A_18, %dma_start3A_41] : memref<12672x128xi32, #tpu.memory_space<hbm>> -> memref<6x128xi32, #tpu.memory_space<hbm>>
      %dma_start3A_43 = arith.constant 0 : i32
      %dma_start3A_44 = arith.constant 0 : i32
      %dma_start3A_45 = tpu.memref_slice %arg7[%dma_start3A_43, %dma_start3A_44] : memref<12x128xi32, #tpu.memory_space<vmem>> -> memref<6x128xi32, #tpu.memory_space<vmem>>
      %dma_start3A_46 = arith.constant 0 : i32
      %dma_start3A_47 = tpu.memref_slice %arg4[%add3A_18, %dma_start3A_46] : memref<12672x128xi32, #tpu.memory_space<hbm>> -> memref<6x128xi32, #tpu.memory_space<hbm>>
      tpu.enqueue_dma source(%dma_start3A_47 : memref<6x128xi32, #tpu.memory_space<hbm>>) target(%dma_start3A_45 : memref<6x128xi32, #tpu.memory_space<vmem>>) target_semaphore(%run_scoped3A : memref<!tpu.dma_semaphore, #tpu.memory_space<semaphore_mem>>)
      %dma_wait3A = arith.constant 0 : i32
      %dma_wait3A_48 = arith.constant 0 : i32
      %dma_wait3A_49 = tpu.memref_slice %arg7[%dma_wait3A, %dma_wait3A_48] : memref<12x128xi32, #tpu.memory_space<vmem>> -> memref<6x128xi32, #tpu.memory_space<vmem>>
      %dma_wait3A_50 = arith.constant 0 : i32
      %dma_wait3A_51 = tpu.memref_slice %arg4[%add3A_18, %dma_wait3A_50] : memref<12672x128xi32, #tpu.memory_space<hbm>> -> memref<6x128xi32, #tpu.memory_space<hbm>>
      %dma_wait3A_52 = arith.constant 0 : i32
      %dma_wait3A_53 = arith.constant 0 : i32
      %dma_wait3A_54 = tpu.memref_slice %arg7[%dma_wait3A_52, %dma_wait3A_53] : memref<12x128xi32, #tpu.memory_space<vmem>> -> memref<6x128xi32, #tpu.memory_space<vmem>>
      %dma_wait3A_55 = arith.constant 0 : i32
      %dma_wait3A_56 = tpu.memref_slice %arg4[%add3A_18, %dma_wait3A_55] : memref<12672x128xi32, #tpu.memory_space<hbm>> -> memref<6x128xi32, #tpu.memory_space<hbm>>
      tpu.wait_dma2 semaphore(%run_scoped3A : memref<!tpu.dma_semaphore, #tpu.memory_space<semaphore_mem>>) src(%dma_wait3A_56 : memref<6x128xi32, #tpu.memory_space<hbm>>) dst(%dma_wait3A_54 : memref<6x128xi32, #tpu.memory_space<vmem>>)
      tpu.yield
    }) : () -> ()
    %scan3A_19 = arith.constant 0 : i32
    %scan3A_20 = arith.constant 0 : i32
    %scan3A_21 = arith.constant 6 : i32
    %scan3A_22 = arith.addi %scan3A_20, %scan3A_21 : i32
    %scan3A_23 = arith.constant 1 : i32
    scf.for %scan3A_39 = %scan3A_20 to %scan3A_22 step %scan3A_23  : i32 {
      %add3A_40 = arith.constant 0 : i32
      %add3A_41 = arith.addi %add3A_40, %scan3A_39 : i32
      %add3A_42 = arith.constant 0 : i32
      %add3A_43 = arith.addi %add3A_42, %scan3A_39 : i32
      %dma_start3A = arith.constant 0 : i32
      %dma_start3A_44 = arith.constant 0 : i32
      %dma_start3A_45 = tpu.memref_slice %arg8[%add3A_43, %dma_start3A, %dma_start3A_44] : memref<12x128x32xbf16, #tpu.memory_space<vmem>> -> memref<1x128x32xbf16, #tpu.memory_space<vmem>>
      %dma_start3A_46 = tpu.memref_squeeze %dma_start3A_45 : memref<1x128x32xbf16, #tpu.memory_space<vmem>> -> memref<128x32xbf16, #tpu.memory_space<vmem>>
      %dma_start3A_47 = arith.constant 0 : i32
      %dma_start3A_48 = tpu.memref_slice %arg6[%add3A_41, %dma_start3A_47] : memref<12x128xi32, #tpu.memory_space<vmem>> -> memref<1x128xi32, #tpu.memory_space<vmem>>
      %dma_start3A_49 = tpu.memref_squeeze %dma_start3A_48 : memref<1x128xi32, #tpu.memory_space<vmem>> -> memref<128xi32, #tpu.memory_space<vmem>>
      %dma_start3A_50 = arith.constant 0 : i32
      %dma_start3A_51 = arith.constant 0 : i32
      %dma_start3A_52 = tpu.memref_slice %arg2[%dma_start3A_50, %dma_start3A_51] : memref<100096x32xbf16, #tpu.memory_space<hbm>> -> memref<100096x32xbf16, #tpu.memory_space<hbm>>
      tpu.enqueue_indirect_dma source(%dma_start3A_52 : memref<100096x32xbf16, #tpu.memory_space<hbm>>) target(%dma_start3A_46 : memref<128x32xbf16, #tpu.memory_space<vmem>>) offsets(%dma_start3A_49 : memref<128xi32, #tpu.memory_space<vmem>>) semaphore(%arg10 : memref<!tpu.dma_semaphore, #tpu.memory_space<semaphore_mem>>)
    }
    %scan3A_24 = arith.constant 6 : i32
    %scan3A_25 = arith.constant 0 : i32
    %scan3A_26 = arith.constant 0 : i32
    %scan3A_27 = arith.constant 33 : i32
    %scan3A_28 = arith.addi %scan3A_26, %scan3A_27 : i32
    %scan3A_29 = arith.constant 1 : i32
    scf.for %scan3A_39 = %scan3A_26 to %scan3A_28 step %scan3A_29  : i32 {
      %mul3A_40 = arith.constant 2 : i32
      %mul3A_41 = arith.muli %mul3A_40, %scan3A_39 : i32
      %add3A_42 = arith.constant 1 : i32
      %add3A_43 = arith.addi %mul3A_41, %add3A_42 : i32
      %mul3A_44 = arith.constant 396 : i32
      %mul3A_45 = arith.muli %arg1, %mul3A_44 : i32
      %add3A_46 = arith.addi %mul3A_0, %mul3A_45 : i32
      %mul3A_47 = arith.constant 6 : i32
      %mul3A_48 = arith.muli %add3A_43, %mul3A_47 : i32
      %add3A_49 = arith.addi %add3A_46, %mul3A_48 : i32
      "tpu.region"() ({
        %run_scoped3A = tpu.sem_alloc : memref<!tpu.dma_semaphore, #tpu.memory_space<semaphore_mem>>
        %dma_start3A = arith.constant 6 : i32
        %dma_start3A_82 = arith.constant 0 : i32
        %dma_start3A_83 = tpu.memref_slice %arg6[%dma_start3A, %dma_start3A_82] : memref<12x128xi32, #tpu.memory_space<vmem>> -> memref<6x128xi32, #tpu.memory_space<vmem>>
        %dma_start3A_84 = arith.constant 0 : i32
        %dma_start3A_85 = tpu.memref_slice %arg3[%add3A_49, %dma_start3A_84] : memref<12672x128xi32, #tpu.memory_space<hbm>> -> memref<6x128xi32, #tpu.memory_space<hbm>>
        %dma_start3A_86 = arith.constant 6 : i32
        %dma_start3A_87 = arith.constant 0 : i32
        %dma_start3A_88 = tpu.memref_slice %arg6[%dma_start3A_86, %dma_start3A_87] : memref<12x128xi32, #tpu.memory_space<vmem>> -> memref<6x128xi32, #tpu.memory_space<vmem>>
        %dma_start3A_89 = arith.constant 0 : i32
        %dma_start3A_90 = tpu.memref_slice %arg3[%add3A_49, %dma_start3A_89] : memref<12672x128xi32, #tpu.memory_space<hbm>> -> memref<6x128xi32, #tpu.memory_space<hbm>>
        tpu.enqueue_dma source(%dma_start3A_90 : memref<6x128xi32, #tpu.memory_space<hbm>>) target(%dma_start3A_88 : memref<6x128xi32, #tpu.memory_space<vmem>>) target_semaphore(%run_scoped3A : memref<!tpu.dma_semaphore, #tpu.memory_space<semaphore_mem>>)
        %dma_wait3A = arith.constant 6 : i32
        %dma_wait3A_91 = arith.constant 0 : i32
        %dma_wait3A_92 = tpu.memref_slice %arg6[%dma_wait3A, %dma_wait3A_91] : memref<12x128xi32, #tpu.memory_space<vmem>> -> memref<6x128xi32, #tpu.memory_space<vmem>>
        %dma_wait3A_93 = arith.constant 0 : i32
        %dma_wait3A_94 = tpu.memref_slice %arg3[%add3A_49, %dma_wait3A_93] : memref<12672x128xi32, #tpu.memory_space<hbm>> -> memref<6x128xi32, #tpu.memory_space<hbm>>
        %dma_wait3A_95 = arith.constant 6 : i32
        %dma_wait3A_96 = arith.constant 0 : i32
        %dma_wait3A_97 = tpu.memref_slice %arg6[%dma_wait3A_95, %dma_wait3A_96] : memref<12x128xi32, #tpu.memory_space<vmem>> -> memref<6x128xi32, #tpu.memory_space<vmem>>
        %dma_wait3A_98 = arith.constant 0 : i32
        %dma_wait3A_99 = tpu.memref_slice %arg3[%add3A_49, %dma_wait3A_98] : memref<12672x128xi32, #tpu.memory_space<hbm>> -> memref<6x128xi32, #tpu.memory_space<hbm>>
        tpu.wait_dma2 semaphore(%run_scoped3A : memref<!tpu.dma_semaphore, #tpu.memory_space<semaphore_mem>>) src(%dma_wait3A_99 : memref<6x128xi32, #tpu.memory_space<hbm>>) dst(%dma_wait3A_97 : memref<6x128xi32, #tpu.memory_space<vmem>>)
        tpu.yield
      }) : () -> ()
      "tpu.region"() ({
        %run_scoped3A = tpu.sem_alloc : memref<!tpu.dma_semaphore, #tpu.memory_space<semaphore_mem>>
        %dma_start3A = arith.constant 6 : i32
        %dma_start3A_82 = arith.constant 0 : i32
        %dma_start3A_83 = tpu.memref_slice %arg7[%dma_start3A, %dma_start3A_82] : memref<12x128xi32, #tpu.memory_space<vmem>> -> memref<6x128xi32, #tpu.memory_space<vmem>>
        %dma_start3A_84 = arith.constant 0 : i32
        %dma_start3A_85 = tpu.memref_slice %arg4[%add3A_49, %dma_start3A_84] : memref<12672x128xi32, #tpu.memory_space<hbm>> -> memref<6x128xi32, #tpu.memory_space<hbm>>
        %dma_start3A_86 = arith.constant 6 : i32
        %dma_start3A_87 = arith.constant 0 : i32
        %dma_start3A_88 = tpu.memref_slice %arg7[%dma_start3A_86, %dma_start3A_87] : memref<12x128xi32, #tpu.memory_space<vmem>> -> memref<6x128xi32, #tpu.memory_space<vmem>>
        %dma_start3A_89 = arith.constant 0 : i32
        %dma_start3A_90 = tpu.memref_slice %arg4[%add3A_49, %dma_start3A_89] : memref<12672x128xi32, #tpu.memory_space<hbm>> -> memref<6x128xi32, #tpu.memory_space<hbm>>
        tpu.enqueue_dma source(%dma_start3A_90 : memref<6x128xi32, #tpu.memory_space<hbm>>) target(%dma_start3A_88 : memref<6x128xi32, #tpu.memory_space<vmem>>) target_semaphore(%run_scoped3A : memref<!tpu.dma_semaphore, #tpu.memory_space<semaphore_mem>>)
        %dma_wait3A = arith.constant 6 : i32
        %dma_wait3A_91 = arith.constant 0 : i32
        %dma_wait3A_92 = tpu.memref_slice %arg7[%dma_wait3A, %dma_wait3A_91] : memref<12x128xi32, #tpu.memory_space<vmem>> -> memref<6x128xi32, #tpu.memory_space<vmem>>
        %dma_wait3A_93 = arith.constant 0 : i32
        %dma_wait3A_94 = tpu.memref_slice %arg4[%add3A_49, %dma_wait3A_93] : memref<12672x128xi32, #tpu.memory_space<hbm>> -> memref<6x128xi32, #tpu.memory_space<hbm>>
        %dma_wait3A_95 = arith.constant 6 : i32
        %dma_wait3A_96 = arith.constant 0 : i32
        %dma_wait3A_97 = tpu.memref_slice %arg7[%dma_wait3A_95, %dma_wait3A_96] : memref<12x128xi32, #tpu.memory_space<vmem>> -> memref<6x128xi32, #tpu.memory_space<vmem>>
        %dma_wait3A_98 = arith.constant 0 : i32
        %dma_wait3A_99 = tpu.memref_slice %arg4[%add3A_49, %dma_wait3A_98] : memref<12672x128xi32, #tpu.memory_space<hbm>> -> memref<6x128xi32, #tpu.memory_space<hbm>>
        tpu.wait_dma2 semaphore(%run_scoped3A : memref<!tpu.dma_semaphore, #tpu.memory_space<semaphore_mem>>) src(%dma_wait3A_99 : memref<6x128xi32, #tpu.memory_space<hbm>>) dst(%dma_wait3A_97 : memref<6x128xi32, #tpu.memory_space<vmem>>)
        tpu.yield
      }) : () -> ()
      %scan3A_50 = arith.constant 0 : i32
      %scan3A_51 = arith.constant 0 : i32
      %scan3A_52 = arith.constant 6 : i32
      %scan3A_53 = arith.addi %scan3A_51, %scan3A_52 : i32
      %scan3A_54 = arith.constant 1 : i32
      scf.for %scan3A_82 = %scan3A_51 to %scan3A_53 step %scan3A_54  : i32 {
        %add3A_83 = arith.constant 6 : i32
        %add3A_84 = arith.addi %add3A_83, %scan3A_82 : i32
        %add3A_85 = arith.constant 6 : i32
        %add3A_86 = arith.addi %add3A_85, %scan3A_82 : i32
        %dma_start3A = arith.constant 0 : i32
        %dma_start3A_87 = arith.constant 0 : i32
        %dma_start3A_88 = tpu.memref_slice %arg8[%add3A_86, %dma_start3A, %dma_start3A_87] : memref<12x128x32xbf16, #tpu.memory_space<vmem>> -> memref<1x128x32xbf16, #tpu.memory_space<vmem>>
        %dma_start3A_89 = tpu.memref_squeeze %dma_start3A_88 : memref<1x128x32xbf16, #tpu.memory_space<vmem>> -> memref<128x32xbf16, #tpu.memory_space<vmem>>
        %dma_start3A_90 = arith.constant 0 : i32
        %dma_start3A_91 = tpu.memref_slice %arg6[%add3A_84, %dma_start3A_90] : memref<12x128xi32, #tpu.memory_space<vmem>> -> memref<1x128xi32, #tpu.memory_space<vmem>>
        %dma_start3A_92 = tpu.memref_squeeze %dma_start3A_91 : memref<1x128xi32, #tpu.memory_space<vmem>> -> memref<128xi32, #tpu.memory_space<vmem>>
        %dma_start3A_93 = arith.constant 0 : i32
        %dma_start3A_94 = arith.constant 0 : i32
        %dma_start3A_95 = tpu.memref_slice %arg2[%dma_start3A_93, %dma_start3A_94] : memref<100096x32xbf16, #tpu.memory_space<hbm>> -> memref<100096x32xbf16, #tpu.memory_space<hbm>>
        tpu.enqueue_indirect_dma source(%dma_start3A_95 : memref<100096x32xbf16, #tpu.memory_space<hbm>>) target(%dma_start3A_89 : memref<128x32xbf16, #tpu.memory_space<vmem>>) offsets(%dma_start3A_92 : memref<128xi32, #tpu.memory_space<vmem>>) semaphore(%arg11 : memref<!tpu.dma_semaphore, #tpu.memory_space<semaphore_mem>>)
      }
      %scan3A_55 = arith.constant 6 : i32
      %scan3A_56 = arith.constant 0 : i32
      %scan3A_57 = arith.constant 0 : i32
      %scan3A_58 = arith.constant 6 : i32
      %scan3A_59 = arith.addi %scan3A_57, %scan3A_58 : i32
      %scan3A_60 = arith.constant 1 : i32
      scf.for %scan3A_82 = %scan3A_57 to %scan3A_59 step %scan3A_60  : i32 {
        %add3A_83 = arith.constant 0 : i32
        %add3A_84 = arith.addi %add3A_83, %scan3A_82 : i32
        %add3A_85 = arith.constant 0 : i32
        %add3A_86 = arith.addi %add3A_85, %scan3A_82 : i32
        %dma_wait3A = arith.constant 0 : i32
        %dma_wait3A_87 = arith.constant 0 : i32
        %dma_wait3A_88 = tpu.memref_slice %arg8[%add3A_86, %dma_wait3A, %dma_wait3A_87] : memref<12x128x32xbf16, #tpu.memory_space<vmem>> -> memref<1x128x32xbf16, #tpu.memory_space<vmem>>
        %dma_wait3A_89 = tpu.memref_squeeze %dma_wait3A_88 : memref<1x128x32xbf16, #tpu.memory_space<vmem>> -> memref<128x32xbf16, #tpu.memory_space<vmem>>
        %dma_wait3A_90 = arith.constant 0 : i32
        %dma_wait3A_91 = tpu.memref_slice %arg6[%add3A_84, %dma_wait3A_90] : memref<12x128xi32, #tpu.memory_space<vmem>> -> memref<1x128xi32, #tpu.memory_space<vmem>>
        %dma_wait3A_92 = tpu.memref_squeeze %dma_wait3A_91 : memref<1x128xi32, #tpu.memory_space<vmem>> -> memref<128xi32, #tpu.memory_space<vmem>>
        %dma_wait3A_93 = arith.constant 0 : i32
        %dma_wait3A_94 = arith.constant 0 : i32
        %dma_wait3A_95 = tpu.memref_slice %arg2[%dma_wait3A_93, %dma_wait3A_94] : memref<100096x32xbf16, #tpu.memory_space<hbm>> -> memref<100096x32xbf16, #tpu.memory_space<hbm>>
        tpu.wait_indirect_dma semaphore(%arg10 : memref<!tpu.dma_semaphore, #tpu.memory_space<semaphore_mem>>) src(%dma_wait3A_95 : memref<100096x32xbf16, #tpu.memory_space<hbm>>) dst(%dma_wait3A_89 : memref<128x32xbf16, #tpu.memory_space<vmem>>)
      }
      %scan3A_61 = arith.constant 6 : i32
      %scan3A_62 = arith.constant 0 : i32
      %scan3A_63 = arith.constant 0 : i32
      %scan3A_64 = arith.constant 6 : i32
      %scan3A_65 = arith.addi %scan3A_63, %scan3A_64 : i32
      %scan3A_66 = arith.constant 1 : i32
      scf.for %scan3A_82 = %scan3A_63 to %scan3A_65 step %scan3A_66  : i32 {
        %add3A_83 = arith.constant 0 : i32
        %add3A_84 = arith.addi %add3A_83, %scan3A_82 : i32
        %add3A_85 = arith.constant 0 : i32
        %add3A_86 = arith.addi %add3A_85, %scan3A_82 : i32
        "tpu.region"() ({
          %run_scoped3A = tpu.sem_alloc : memref<!tpu.dma_semaphore, #tpu.memory_space<semaphore_mem>>
          %dma_start3A = arith.constant 0 : i32
          %dma_start3A_87 = arith.constant 0 : i32
          %dma_start3A_88 = tpu.memref_slice %arg8[%add3A_84, %dma_start3A, %dma_start3A_87] : memref<12x128x32xbf16, #tpu.memory_space<vmem>> -> memref<1x128x32xbf16, #tpu.memory_space<vmem>>
          %dma_start3A_89 = tpu.memref_squeeze %dma_start3A_88 : memref<1x128x32xbf16, #tpu.memory_space<vmem>> -> memref<128x32xbf16, #tpu.memory_space<vmem>>
          %dma_start3A_90 = arith.constant 0 : i32
          %dma_start3A_91 = tpu.memref_slice %arg7[%add3A_86, %dma_start3A_90] : memref<12x128xi32, #tpu.memory_space<vmem>> -> memref<1x128xi32, #tpu.memory_space<vmem>>
          %dma_start3A_92 = tpu.memref_squeeze %dma_start3A_91 : memref<1x128xi32, #tpu.memory_space<vmem>> -> memref<128xi32, #tpu.memory_space<vmem>>
          %dma_start3A_93 = arith.constant 0 : i32
          %dma_start3A_94 = arith.constant 0 : i32
          %dma_start3A_95 = tpu.memref_slice %arg9[%dma_start3A_93, %dma_start3A_94] : memref<100096x32xbf16, #tpu.memory_space<vmem_shared>> -> memref<100096x32xbf16, #tpu.memory_space<vmem_shared>>
          tpu.enqueue_indirect_dma source(%dma_start3A_89 : memref<128x32xbf16, #tpu.memory_space<vmem>>) target(%dma_start3A_95 : memref<100096x32xbf16, #tpu.memory_space<vmem_shared>>) offsets(%dma_start3A_92 : memref<128xi32, #tpu.memory_space<vmem>>) semaphore(%run_scoped3A : memref<!tpu.dma_semaphore, #tpu.memory_space<semaphore_mem>>) {add = true}
          %dma_wait3A = arith.constant 0 : i32
          %dma_wait3A_96 = arith.constant 0 : i32
          %dma_wait3A_97 = tpu.memref_slice %arg8[%add3A_84, %dma_wait3A, %dma_wait3A_96] : memref<12x128x32xbf16, #tpu.memory_space<vmem>> -> memref<1x128x32xbf16, #tpu.memory_space<vmem>>
          %dma_wait3A_98 = tpu.memref_squeeze %dma_wait3A_97 : memref<1x128x32xbf16, #tpu.memory_space<vmem>> -> memref<128x32xbf16, #tpu.memory_space<vmem>>
          %dma_wait3A_99 = arith.constant 0 : i32
          %dma_wait3A_100 = tpu.memref_slice %arg7[%add3A_86, %dma_wait3A_99] : memref<12x128xi32, #tpu.memory_space<vmem>> -> memref<1x128xi32, #tpu.memory_space<vmem>>
          %dma_wait3A_101 = tpu.memref_squeeze %dma_wait3A_100 : memref<1x128xi32, #tpu.memory_space<vmem>> -> memref<128xi32, #tpu.memory_space<vmem>>
          %dma_wait3A_102 = arith.constant 0 : i32
          %dma_wait3A_103 = arith.constant 0 : i32
          %dma_wait3A_104 = tpu.memref_slice %arg9[%dma_wait3A_102, %dma_wait3A_103] : memref<100096x32xbf16, #tpu.memory_space<vmem_shared>> -> memref<100096x32xbf16, #tpu.memory_space<vmem_shared>>
          tpu.wait_indirect_dma semaphore(%run_scoped3A : memref<!tpu.dma_semaphore, #tpu.memory_space<semaphore_mem>>) src(%dma_wait3A_98 : memref<128x32xbf16, #tpu.memory_space<vmem>>) dst(%dma_wait3A_104 : memref<100096x32xbf16, #tpu.memory_space<vmem_shared>>)
          tpu.yield
        }) : () -> ()
      }
      %scan3A_67 = arith.constant 6 : i32
      %lt3A = arith.constant 32 : i32
      %lt3A_68 = arith.cmpi slt, %scan3A_39, %lt3A : i32
      %convert_element_type3A = arith.extui %lt3A_68 : i1 to i32
      %cond3A = arith.constant 0 : i32
      %cond3A_69 = arith.cmpi ne, %convert_element_type3A, %cond3A : i32
      scf.if %cond3A_69 {
        %mul3A_82 = arith.constant 2 : i32
        %mul3A_83 = arith.muli %mul3A_82, %scan3A_39 : i32
        %add3A_84 = arith.constant 2 : i32
        %add3A_85 = arith.addi %mul3A_83, %add3A_84 : i32
        %mul3A_86 = arith.constant 396 : i32
        %mul3A_87 = arith.muli %arg1, %mul3A_86 : i32
        %add3A_88 = arith.addi %mul3A_0, %mul3A_87 : i32
        %mul3A_89 = arith.constant 6 : i32
        %mul3A_90 = arith.muli %add3A_85, %mul3A_89 : i32
        %add3A_91 = arith.addi %add3A_88, %mul3A_90 : i32
        "tpu.region"() ({
          %run_scoped3A = tpu.sem_alloc : memref<!tpu.dma_semaphore, #tpu.memory_space<semaphore_mem>>
          %dma_start3A = arith.constant 0 : i32
          %dma_start3A_98 = arith.constant 0 : i32
          %dma_start3A_99 = tpu.memref_slice %arg6[%dma_start3A, %dma_start3A_98] : memref<12x128xi32, #tpu.memory_space<vmem>> -> memref<6x128xi32, #tpu.memory_space<vmem>>
          %dma_start3A_100 = arith.constant 0 : i32
          %dma_start3A_101 = tpu.memref_slice %arg3[%add3A_91, %dma_start3A_100] : memref<12672x128xi32, #tpu.memory_space<hbm>> -> memref<6x128xi32, #tpu.memory_space<hbm>>
          %dma_start3A_102 = arith.constant 0 : i32
          %dma_start3A_103 = arith.constant 0 : i32
          %dma_start3A_104 = tpu.memref_slice %arg6[%dma_start3A_102, %dma_start3A_103] : memref<12x128xi32, #tpu.memory_space<vmem>> -> memref<6x128xi32, #tpu.memory_space<vmem>>
          %dma_start3A_105 = arith.constant 0 : i32
          %dma_start3A_106 = tpu.memref_slice %arg3[%add3A_91, %dma_start3A_105] : memref<12672x128xi32, #tpu.memory_space<hbm>> -> memref<6x128xi32, #tpu.memory_space<hbm>>
          tpu.enqueue_dma source(%dma_start3A_106 : memref<6x128xi32, #tpu.memory_space<hbm>>) target(%dma_start3A_104 : memref<6x128xi32, #tpu.memory_space<vmem>>) target_semaphore(%run_scoped3A : memref<!tpu.dma_semaphore, #tpu.memory_space<semaphore_mem>>)
          %dma_wait3A = arith.constant 0 : i32
          %dma_wait3A_107 = arith.constant 0 : i32
          %dma_wait3A_108 = tpu.memref_slice %arg6[%dma_wait3A, %dma_wait3A_107] : memref<12x128xi32, #tpu.memory_space<vmem>> -> memref<6x128xi32, #tpu.memory_space<vmem>>
          %dma_wait3A_109 = arith.constant 0 : i32
          %dma_wait3A_110 = tpu.memref_slice %arg3[%add3A_91, %dma_wait3A_109] : memref<12672x128xi32, #tpu.memory_space<hbm>> -> memref<6x128xi32, #tpu.memory_space<hbm>>
          %dma_wait3A_111 = arith.constant 0 : i32
          %dma_wait3A_112 = arith.constant 0 : i32
          %dma_wait3A_113 = tpu.memref_slice %arg6[%dma_wait3A_111, %dma_wait3A_112] : memref<12x128xi32, #tpu.memory_space<vmem>> -> memref<6x128xi32, #tpu.memory_space<vmem>>
          %dma_wait3A_114 = arith.constant 0 : i32
          %dma_wait3A_115 = tpu.memref_slice %arg3[%add3A_91, %dma_wait3A_114] : memref<12672x128xi32, #tpu.memory_space<hbm>> -> memref<6x128xi32, #tpu.memory_space<hbm>>
          tpu.wait_dma2 semaphore(%run_scoped3A : memref<!tpu.dma_semaphore, #tpu.memory_space<semaphore_mem>>) src(%dma_wait3A_115 : memref<6x128xi32, #tpu.memory_space<hbm>>) dst(%dma_wait3A_113 : memref<6x128xi32, #tpu.memory_space<vmem>>)
          tpu.yield
        }) : () -> ()
        "tpu.region"() ({
          %run_scoped3A = tpu.sem_alloc : memref<!tpu.dma_semaphore, #tpu.memory_space<semaphore_mem>>
          %dma_start3A = arith.constant 0 : i32
          %dma_start3A_98 = arith.constant 0 : i32
          %dma_start3A_99 = tpu.memref_slice %arg7[%dma_start3A, %dma_start3A_98] : memref<12x128xi32, #tpu.memory_space<vmem>> -> memref<6x128xi32, #tpu.memory_space<vmem>>
          %dma_start3A_100 = arith.constant 0 : i32
          %dma_start3A_101 = tpu.memref_slice %arg4[%add3A_91, %dma_start3A_100] : memref<12672x128xi32, #tpu.memory_space<hbm>> -> memref<6x128xi32, #tpu.memory_space<hbm>>
          %dma_start3A_102 = arith.constant 0 : i32
          %dma_start3A_103 = arith.constant 0 : i32
          %dma_start3A_104 = tpu.memref_slice %arg7[%dma_start3A_102, %dma_start3A_103] : memref<12x128xi32, #tpu.memory_space<vmem>> -> memref<6x128xi32, #tpu.memory_space<vmem>>
          %dma_start3A_105 = arith.constant 0 : i32
          %dma_start3A_106 = tpu.memref_slice %arg4[%add3A_91, %dma_start3A_105] : memref<12672x128xi32, #tpu.memory_space<hbm>> -> memref<6x128xi32, #tpu.memory_space<hbm>>
          tpu.enqueue_dma source(%dma_start3A_106 : memref<6x128xi32, #tpu.memory_space<hbm>>) target(%dma_start3A_104 : memref<6x128xi32, #tpu.memory_space<vmem>>) target_semaphore(%run_scoped3A : memref<!tpu.dma_semaphore, #tpu.memory_space<semaphore_mem>>)
          %dma_wait3A = arith.constant 0 : i32
          %dma_wait3A_107 = arith.constant 0 : i32
          %dma_wait3A_108 = tpu.memref_slice %arg7[%dma_wait3A, %dma_wait3A_107] : memref<12x128xi32, #tpu.memory_space<vmem>> -> memref<6x128xi32, #tpu.memory_space<vmem>>
          %dma_wait3A_109 = arith.constant 0 : i32
          %dma_wait3A_110 = tpu.memref_slice %arg4[%add3A_91, %dma_wait3A_109] : memref<12672x128xi32, #tpu.memory_space<hbm>> -> memref<6x128xi32, #tpu.memory_space<hbm>>
          %dma_wait3A_111 = arith.constant 0 : i32
          %dma_wait3A_112 = arith.constant 0 : i32
          %dma_wait3A_113 = tpu.memref_slice %arg7[%dma_wait3A_111, %dma_wait3A_112] : memref<12x128xi32, #tpu.memory_space<vmem>> -> memref<6x128xi32, #tpu.memory_space<vmem>>
          %dma_wait3A_114 = arith.constant 0 : i32
          %dma_wait3A_115 = tpu.memref_slice %arg4[%add3A_91, %dma_wait3A_114] : memref<12672x128xi32, #tpu.memory_space<hbm>> -> memref<6x128xi32, #tpu.memory_space<hbm>>
          tpu.wait_dma2 semaphore(%run_scoped3A : memref<!tpu.dma_semaphore, #tpu.memory_space<semaphore_mem>>) src(%dma_wait3A_115 : memref<6x128xi32, #tpu.memory_space<hbm>>) dst(%dma_wait3A_113 : memref<6x128xi32, #tpu.memory_space<vmem>>)
          tpu.yield
        }) : () -> ()
        %scan3A_92 = arith.constant 0 : i32
        %scan3A_93 = arith.constant 0 : i32
        %scan3A_94 = arith.constant 6 : i32
        %scan3A_95 = arith.addi %scan3A_93, %scan3A_94 : i32
        %scan3A_96 = arith.constant 1 : i32
        scf.for %scan3A_98 = %scan3A_93 to %scan3A_95 step %scan3A_96  : i32 {
          %add3A_99 = arith.constant 0 : i32
          %add3A_100 = arith.addi %add3A_99, %scan3A_98 : i32
          %add3A_101 = arith.constant 0 : i32
          %add3A_102 = arith.addi %add3A_101, %scan3A_98 : i32
          %dma_start3A = arith.constant 0 : i32
          %dma_start3A_103 = arith.constant 0 : i32
          %dma_start3A_104 = tpu.memref_slice %arg8[%add3A_102, %dma_start3A, %dma_start3A_103] : memref<12x128x32xbf16, #tpu.memory_space<vmem>> -> memref<1x128x32xbf16, #tpu.memory_space<vmem>>
          %dma_start3A_105 = tpu.memref_squeeze %dma_start3A_104 : memref<1x128x32xbf16, #tpu.memory_space<vmem>> -> memref<128x32xbf16, #tpu.memory_space<vmem>>
          %dma_start3A_106 = arith.constant 0 : i32
          %dma_start3A_107 = tpu.memref_slice %arg6[%add3A_100, %dma_start3A_106] : memref<12x128xi32, #tpu.memory_space<vmem>> -> memref<1x128xi32, #tpu.memory_space<vmem>>
          %dma_start3A_108 = tpu.memref_squeeze %dma_start3A_107 : memref<1x128xi32, #tpu.memory_space<vmem>> -> memref<128xi32, #tpu.memory_space<vmem>>
          %dma_start3A_109 = arith.constant 0 : i32
          %dma_start3A_110 = arith.constant 0 : i32
          %dma_start3A_111 = tpu.memref_slice %arg2[%dma_start3A_109, %dma_start3A_110] : memref<100096x32xbf16, #tpu.memory_space<hbm>> -> memref<100096x32xbf16, #tpu.memory_space<hbm>>
          tpu.enqueue_indirect_dma source(%dma_start3A_111 : memref<100096x32xbf16, #tpu.memory_space<hbm>>) target(%dma_start3A_105 : memref<128x32xbf16, #tpu.memory_space<vmem>>) offsets(%dma_start3A_108 : memref<128xi32, #tpu.memory_space<vmem>>) semaphore(%arg10 : memref<!tpu.dma_semaphore, #tpu.memory_space<semaphore_mem>>)
        }
        %scan3A_97 = arith.constant 6 : i32
      } else {
      }
      %scan3A_70 = arith.constant 0 : i32
      %scan3A_71 = arith.constant 0 : i32
      %scan3A_72 = arith.constant 6 : i32
      %scan3A_73 = arith.addi %scan3A_71, %scan3A_72 : i32
      %scan3A_74 = arith.constant 1 : i32
      scf.for %scan3A_82 = %scan3A_71 to %scan3A_73 step %scan3A_74  : i32 {
        %add3A_83 = arith.constant 6 : i32
        %add3A_84 = arith.addi %add3A_83, %scan3A_82 : i32
        %add3A_85 = arith.constant 6 : i32
        %add3A_86 = arith.addi %add3A_85, %scan3A_82 : i32
        %dma_wait3A = arith.constant 0 : i32
        %dma_wait3A_87 = arith.constant 0 : i32
        %dma_wait3A_88 = tpu.memref_slice %arg8[%add3A_86, %dma_wait3A, %dma_wait3A_87] : memref<12x128x32xbf16, #tpu.memory_space<vmem>> -> memref<1x128x32xbf16, #tpu.memory_space<vmem>>
        %dma_wait3A_89 = tpu.memref_squeeze %dma_wait3A_88 : memref<1x128x32xbf16, #tpu.memory_space<vmem>> -> memref<128x32xbf16, #tpu.memory_space<vmem>>
        %dma_wait3A_90 = arith.constant 0 : i32
        %dma_wait3A_91 = tpu.memref_slice %arg6[%add3A_84, %dma_wait3A_90] : memref<12x128xi32, #tpu.memory_space<vmem>> -> memref<1x128xi32, #tpu.memory_space<vmem>>
        %dma_wait3A_92 = tpu.memref_squeeze %dma_wait3A_91 : memref<1x128xi32, #tpu.memory_space<vmem>> -> memref<128xi32, #tpu.memory_space<vmem>>
        %dma_wait3A_93 = arith.constant 0 : i32
        %dma_wait3A_94 = arith.constant 0 : i32
        %dma_wait3A_95 = tpu.memref_slice %arg2[%dma_wait3A_93, %dma_wait3A_94] : memref<100096x32xbf16, #tpu.memory_space<hbm>> -> memref<100096x32xbf16, #tpu.memory_space<hbm>>
        tpu.wait_indirect_dma semaphore(%arg11 : memref<!tpu.dma_semaphore, #tpu.memory_space<semaphore_mem>>) src(%dma_wait3A_95 : memref<100096x32xbf16, #tpu.memory_space<hbm>>) dst(%dma_wait3A_89 : memref<128x32xbf16, #tpu.memory_space<vmem>>)
      }
      %scan3A_75 = arith.constant 6 : i32
      %scan3A_76 = arith.constant 0 : i32
      %scan3A_77 = arith.constant 0 : i32
      %scan3A_78 = arith.constant 6 : i32
      %scan3A_79 = arith.addi %scan3A_77, %scan3A_78 : i32
      %scan3A_80 = arith.constant 1 : i32
      scf.for %scan3A_82 = %scan3A_77 to %scan3A_79 step %scan3A_80  : i32 {
        %add3A_83 = arith.constant 6 : i32
        %add3A_84 = arith.addi %add3A_83, %scan3A_82 : i32
        %add3A_85 = arith.constant 6 : i32
        %add3A_86 = arith.addi %add3A_85, %scan3A_82 : i32
        "tpu.region"() ({
          %run_scoped3A = tpu.sem_alloc : memref<!tpu.dma_semaphore, #tpu.memory_space<semaphore_mem>>
          %dma_start3A = arith.constant 0 : i32
          %dma_start3A_87 = arith.constant 0 : i32
          %dma_start3A_88 = tpu.memref_slice %arg8[%add3A_84, %dma_start3A, %dma_start3A_87] : memref<12x128x32xbf16, #tpu.memory_space<vmem>> -> memref<1x128x32xbf16, #tpu.memory_space<vmem>>
          %dma_start3A_89 = tpu.memref_squeeze %dma_start3A_88 : memref<1x128x32xbf16, #tpu.memory_space<vmem>> -> memref<128x32xbf16, #tpu.memory_space<vmem>>
          %dma_start3A_90 = arith.constant 0 : i32
          %dma_start3A_91 = tpu.memref_slice %arg7[%add3A_86, %dma_start3A_90] : memref<12x128xi32, #tpu.memory_space<vmem>> -> memref<1x128xi32, #tpu.memory_space<vmem>>
          %dma_start3A_92 = tpu.memref_squeeze %dma_start3A_91 : memref<1x128xi32, #tpu.memory_space<vmem>> -> memref<128xi32, #tpu.memory_space<vmem>>
          %dma_start3A_93 = arith.constant 0 : i32
          %dma_start3A_94 = arith.constant 0 : i32
          %dma_start3A_95 = tpu.memref_slice %arg9[%dma_start3A_93, %dma_start3A_94] : memref<100096x32xbf16, #tpu.memory_space<vmem_shared>> -> memref<100096x32xbf16, #tpu.memory_space<vmem_shared>>
          tpu.enqueue_indirect_dma source(%dma_start3A_89 : memref<128x32xbf16, #tpu.memory_space<vmem>>) target(%dma_start3A_95 : memref<100096x32xbf16, #tpu.memory_space<vmem_shared>>) offsets(%dma_start3A_92 : memref<128xi32, #tpu.memory_space<vmem>>) semaphore(%run_scoped3A : memref<!tpu.dma_semaphore, #tpu.memory_space<semaphore_mem>>) {add = true}
          %dma_wait3A = arith.constant 0 : i32
          %dma_wait3A_96 = arith.constant 0 : i32
          %dma_wait3A_97 = tpu.memref_slice %arg8[%add3A_84, %dma_wait3A, %dma_wait3A_96] : memref<12x128x32xbf16, #tpu.memory_space<vmem>> -> memref<1x128x32xbf16, #tpu.memory_space<vmem>>
          %dma_wait3A_98 = tpu.memref_squeeze %dma_wait3A_97 : memref<1x128x32xbf16, #tpu.memory_space<vmem>> -> memref<128x32xbf16, #tpu.memory_space<vmem>>
          %dma_wait3A_99 = arith.constant 0 : i32
          %dma_wait3A_100 = tpu.memref_slice %arg7[%add3A_86, %dma_wait3A_99] : memref<12x128xi32, #tpu.memory_space<vmem>> -> memref<1x128xi32, #tpu.memory_space<vmem>>
          %dma_wait3A_101 = tpu.memref_squeeze %dma_wait3A_100 : memref<1x128xi32, #tpu.memory_space<vmem>> -> memref<128xi32, #tpu.memory_space<vmem>>
          %dma_wait3A_102 = arith.constant 0 : i32
          %dma_wait3A_103 = arith.constant 0 : i32
          %dma_wait3A_104 = tpu.memref_slice %arg9[%dma_wait3A_102, %dma_wait3A_103] : memref<100096x32xbf16, #tpu.memory_space<vmem_shared>> -> memref<100096x32xbf16, #tpu.memory_space<vmem_shared>>
          tpu.wait_indirect_dma semaphore(%run_scoped3A : memref<!tpu.dma_semaphore, #tpu.memory_space<semaphore_mem>>) src(%dma_wait3A_98 : memref<128x32xbf16, #tpu.memory_space<vmem>>) dst(%dma_wait3A_104 : memref<100096x32xbf16, #tpu.memory_space<vmem_shared>>)
          tpu.yield
        }) : () -> ()
      }
      %scan3A_81 = arith.constant 6 : i32
    }
    %scan3A_30 = arith.constant 33 : i32
    %barrier3A_31 = arith.constant 0 : index
    tpu.barrier barrier_id(%barrier3A_31)
    %mul3A_32 = arith.constant 6256 : i32
    %mul3A_33 = arith.muli %arg1, %mul3A_32 : i32
    %mul3A_34 = arith.constant 100096 : i32
    %mul3A_35 = arith.muli %arg0, %mul3A_34 : i32
    %mul3A_36 = arith.constant 6256 : i32
    %mul3A_37 = arith.muli %arg1, %mul3A_36 : i32
    %add3A_38 = arith.addi %mul3A_35, %mul3A_37 : i32
    "tpu.region"() ({
      %run_scoped3A = tpu.sem_alloc : memref<!tpu.dma_semaphore, #tpu.memory_space<semaphore_mem>>
      %dma_start3A = arith.constant 0 : i32
      %dma_start3A_39 = tpu.memref_slice %arg5[%add3A_38, %dma_start3A] : memref<200192x32xbf16, #tpu.memory_space<hbm>> -> memref<6256x32xbf16, #tpu.memory_space<hbm>>
      %dma_start3A_40 = arith.constant 0 : i32
      %dma_start3A_41 = tpu.memref_slice %arg9[%mul3A_33, %dma_start3A_40] : memref<100096x32xbf16, #tpu.memory_space<vmem_shared>> -> memref<6256x32xbf16, #tpu.memory_space<vmem_shared>>
      tpu.enqueue_dma source(%dma_start3A_41 : memref<6256x32xbf16, #tpu.memory_space<vmem_shared>>) target(%dma_start3A_39 : memref<6256x32xbf16, #tpu.memory_space<hbm>>) target_semaphore(%run_scoped3A : memref<!tpu.dma_semaphore, #tpu.memory_space<semaphore_mem>>)
      %dma_wait3A = arith.constant 0 : i32
      %dma_wait3A_42 = tpu.memref_slice %arg5[%add3A_38, %dma_wait3A] : memref<200192x32xbf16, #tpu.memory_space<hbm>> -> memref<6256x32xbf16, #tpu.memory_space<hbm>>
      %dma_wait3A_43 = arith.constant 0 : i32
      %dma_wait3A_44 = tpu.memref_slice %arg9[%mul3A_33, %dma_wait3A_43] : memref<100096x32xbf16, #tpu.memory_space<vmem_shared>> -> memref<6256x32xbf16, #tpu.memory_space<vmem_shared>>
      tpu.wait_dma2 semaphore(%run_scoped3A : memref<!tpu.dma_semaphore, #tpu.memory_space<semaphore_mem>>) src(%dma_wait3A_44 : memref<6256x32xbf16, #tpu.memory_space<vmem_shared>>) dst(%dma_wait3A_42 : memref<6256x32xbf16, #tpu.memory_space<hbm>>)
      tpu.yield
    }) : () -> ()
    return
  }
}

#map = affine_map<(d0, d1) -> (0, 0)>
module attributes {stable_mosaic.version = 14 : i64} {
  func.func @prop(%arg0: i32, %arg1: i32, %arg2: memref<200192x32xbf16, #tpu.memory_space<hbm>>, %arg3: memref<12672x128xi32, #tpu.memory_space<hbm>>, %arg4: memref<12672x128xi32, #tpu.memory_space<hbm>>, %arg5: memref<100096x64xbf16, #tpu.memory_space<hbm>>, %arg6: memref<12x128xi32, #tpu.memory_space<vmem>>, %arg7: memref<12x128xi32, #tpu.memory_space<vmem>>, %arg8: memref<12x128x32xbf16, #tpu.memory_space<vmem>>, %arg9: memref<100096x32xbf16, #tpu.memory_space<vmem_shared>>, %arg10: memref<!tpu.dma_semaphore, #tpu.memory_space<semaphore_mem>>, %arg11: memref<!tpu.dma_semaphore, #tpu.memory_space<semaphore_mem>>) attributes {dimension_semantics = [#tpu.dimension_semantics<core_parallel>, #tpu.dimension_semantics<subcore_parallel>], iteration_bounds = array<i64: 2, 16>, scalar_prefetch = 0 : i64, scratch_operands = 6 : i64, tpu.core_type = #tpu.core_type<sc_vector_subcore>, window_params = [{transform_indices = #map}, {transform_indices = #map}, {transform_indices = #map}, {transform_indices = #map}]} {
    %scan3A = arith.constant 0 : i32
    %scan3A_0 = arith.constant 0 : i32
    %scan3A_1 = arith.constant 0 : i32
    %scan3A_2 = arith.constant 128 : i32
    %scan3A_3 = arith.addi %scan3A_1, %scan3A_2 : i32
    %scan3A_4 = arith.constant 1 : i32
    scf.for %scan3A_37 = %scan3A_1 to %scan3A_3 step %scan3A_4  : i32 {
      %broadcast_in_dim3A = arith.constant 0.000000e+00 : bf16
      %broadcast_in_dim3A_38 = vector.broadcast %broadcast_in_dim3A : bf16 to vector<32xbf16>
      %swap3A = arith.constant 0 : i32
      %swap3A_39 = arith.constant 0 : i32
      %swap3A_40 = tpu.memref_slice %arg8[%scan3A_0, %swap3A, %swap3A_39] : memref<12x128x32xbf16, #tpu.memory_space<vmem>> -> memref<1x128x32xbf16, #tpu.memory_space<vmem>>
      %swap3A_41 = tpu.memref_squeeze %swap3A_40 : memref<1x128x32xbf16, #tpu.memory_space<vmem>> -> memref<128x32xbf16, #tpu.memory_space<vmem>>
      %swap3A_42 = arith.index_cast %scan3A_37 : i32 to index
      %swap3A_43 = arith.constant 0 : index
      %swap3A_44 = tpu.vector_load %swap3A_41[%swap3A_42, %swap3A_43] {strides = array<i32>} : memref<128x32xbf16, #tpu.memory_space<vmem>>, vector<1x32xbf16>,
      %swap3A_45 = vector.shape_cast %swap3A_44 : vector<1x32xbf16> to vector<32xbf16>
      %swap3A_46 = vector.shape_cast %broadcast_in_dim3A_38 : vector<32xbf16> to vector<1x32xbf16>
      tpu.vector_store %swap3A_41[%swap3A_42, %swap3A_43], %swap3A_46 {strides = array<i32>} : memref<128x32xbf16, #tpu.memory_space<vmem>>, vector<1x32xbf16>,
    }
    %scan3A_5 = arith.constant 128 : i32
    %scan3A_6 = arith.constant 0 : i32
    %scan3A_7 = arith.constant 0 : i32
    %scan3A_8 = arith.constant 0 : i32
    %scan3A_9 = arith.constant 0 : i32
    %scan3A_10 = arith.constant 49 : i32
    %scan3A_11 = arith.addi %scan3A_9, %scan3A_10 : i32
    %scan3A_12 = arith.constant 1 : i32
    scf.for %scan3A_37 = %scan3A_9 to %scan3A_11 step %scan3A_12  : i32 {
      %mul3A_38 = arith.constant 6256 : i32
      %mul3A_39 = arith.muli %arg1, %mul3A_38 : i32
      %mul3A_40 = arith.constant 128 : i32
      %mul3A_41 = arith.muli %scan3A_37, %mul3A_40 : i32
      %add3A_42 = arith.addi %mul3A_39, %mul3A_41 : i32
      %min3A = arith.constant 99968 : i32
      %min3A_43 = arith.minsi %add3A_42, %min3A : i32
      %scan3A_44 = arith.constant 0 : i32
      %scan3A_45 = arith.constant 0 : i32
      %scan3A_46 = arith.constant 8 : i32
      %scan3A_47 = arith.addi %scan3A_45, %scan3A_46 : i32
      %scan3A_48 = arith.constant 1 : i32
      scf.for %scan3A_50 = %scan3A_45 to %scan3A_47 step %scan3A_48  : i32 {
        %iota3A = tpu.iota {dimensions = array<i32: 0>} : vector<16xi32>
        %mul3A_51 = arith.constant 16 : i32
        %mul3A_52 = arith.muli %scan3A_50, %mul3A_51 : i32
        %add3A_53 = arith.addi %min3A_43, %mul3A_52 : i32
        %add3A_54 = vector.broadcast %add3A_53 : i32 to vector<16xi32>
        %add3A_55 = arith.addi %iota3A, %add3A_54 : vector<16xi32>
        %mul3A_56 = arith.constant 16 : i32
        %mul3A_57 = arith.muli %scan3A_50, %mul3A_56 : i32
        %swap3A = arith.constant 0 : i32
        %swap3A_58 = tpu.memref_slice %arg7[%scan3A_7, %swap3A] : memref<12x128xi32, #tpu.memory_space<vmem>> -> memref<1x128xi32, #tpu.memory_space<vmem>>
        %swap3A_59 = tpu.memref_squeeze %swap3A_58 : memref<1x128xi32, #tpu.memory_space<vmem>> -> memref<128xi32, #tpu.memory_space<vmem>>
        %swap3A_60 = arith.index_cast %mul3A_57 : i32 to index
        %swap3A_61 = tpu.vector_load %swap3A_59[%swap3A_60] {strides = array<i32>} : memref<128xi32, #tpu.memory_space<vmem>>, vector<16xi32>,
        %swap3A_62 = vector.shape_cast %swap3A_61 : vector<16xi32> to vector<16xi32>
        %swap3A_63 = vector.shape_cast %add3A_55 : vector<16xi32> to vector<16xi32>
        tpu.vector_store %swap3A_59[%swap3A_60], %swap3A_63 {strides = array<i32>} : memref<128xi32, #tpu.memory_space<vmem>>, vector<16xi32>,
      }
      %scan3A_49 = arith.constant 8 : i32
      "tpu.region"() ({
        %run_scoped3A = tpu.sem_alloc : memref<!tpu.dma_semaphore, #tpu.memory_space<semaphore_mem>>
        %dma_start3A = arith.constant 0 : i32
        %dma_start3A_50 = arith.constant 0 : i32
        %dma_start3A_51 = tpu.memref_slice %arg8[%scan3A_8, %dma_start3A, %dma_start3A_50] : memref<12x128x32xbf16, #tpu.memory_space<vmem>> -> memref<1x128x32xbf16, #tpu.memory_space<vmem>>
        %dma_start3A_52 = tpu.memref_squeeze %dma_start3A_51 : memref<1x128x32xbf16, #tpu.memory_space<vmem>> -> memref<128x32xbf16, #tpu.memory_space<vmem>>
        %dma_start3A_53 = arith.constant 0 : i32
        %dma_start3A_54 = tpu.memref_slice %arg7[%scan3A_7, %dma_start3A_53] : memref<12x128xi32, #tpu.memory_space<vmem>> -> memref<1x128xi32, #tpu.memory_space<vmem>>
        %dma_start3A_55 = tpu.memref_squeeze %dma_start3A_54 : memref<1x128xi32, #tpu.memory_space<vmem>> -> memref<128xi32, #tpu.memory_space<vmem>>
        %dma_start3A_56 = arith.constant 0 : i32
        %dma_start3A_57 = arith.constant 0 : i32
        %dma_start3A_58 = tpu.memref_slice %arg9[%dma_start3A_56, %dma_start3A_57] : memref<100096x32xbf16, #tpu.memory_space<vmem_shared>> -> memref<100096x32xbf16, #tpu.memory_space<vmem_shared>>
        tpu.enqueue_indirect_dma source(%dma_start3A_52 : memref<128x32xbf16, #tpu.memory_space<vmem>>) target(%dma_start3A_58 : memref<100096x32xbf16, #tpu.memory_space<vmem_shared>>) offsets(%dma_start3A_55 : memref<128xi32, #tpu.memory_space<vmem>>) semaphore(%run_scoped3A : memref<!tpu.dma_semaphore, #tpu.memory_space<semaphore_mem>>)
        %dma_wait3A = arith.constant 0 : i32
        %dma_wait3A_59 = arith.constant 0 : i32
        %dma_wait3A_60 = tpu.memref_slice %arg8[%scan3A_8, %dma_wait3A, %dma_wait3A_59] : memref<12x128x32xbf16, #tpu.memory_space<vmem>> -> memref<1x128x32xbf16, #tpu.memory_space<vmem>>
        %dma_wait3A_61 = tpu.memref_squeeze %dma_wait3A_60 : memref<1x128x32xbf16, #tpu.memory_space<vmem>> -> memref<128x32xbf16, #tpu.memory_space<vmem>>
        %dma_wait3A_62 = arith.constant 0 : i32
        %dma_wait3A_63 = tpu.memref_slice %arg7[%scan3A_7, %dma_wait3A_62] : memref<12x128xi32, #tpu.memory_space<vmem>> -> memref<1x128xi32, #tpu.memory_space<vmem>>
        %dma_wait3A_64 = tpu.memref_squeeze %dma_wait3A_63 : memref<1x128xi32, #tpu.memory_space<vmem>> -> memref<128xi32, #tpu.memory_space<vmem>>
        %dma_wait3A_65 = arith.constant 0 : i32
        %dma_wait3A_66 = arith.constant 0 : i32
        %dma_wait3A_67 = tpu.memref_slice %arg9[%dma_wait3A_65, %dma_wait3A_66] : memref<100096x32xbf16, #tpu.memory_space<vmem_shared>> -> memref<100096x32xbf16, #tpu.memory_space<vmem_shared>>
        tpu.wait_indirect_dma semaphore(%run_scoped3A : memref<!tpu.dma_semaphore, #tpu.memory_space<semaphore_mem>>) src(%dma_wait3A_61 : memref<128x32xbf16, #tpu.memory_space<vmem>>) dst(%dma_wait3A_67 : memref<100096x32xbf16, #tpu.memory_space<vmem_shared>>)
        tpu.yield
      }) : () -> ()
    }
    %scan3A_13 = arith.constant 49 : i32
    %barrier3A = arith.constant 0 : index
    tpu.barrier barrier_id(%barrier3A)
    %mul3A = arith.constant 792 : i32
    %mul3A_14 = arith.muli %arg1, %mul3A : i32
    %add3A = arith.constant 0 : i32
    %add3A_15 = arith.addi %add3A, %mul3A_14 : i32
    %add3A_16 = arith.constant 0 : i32
    %add3A_17 = arith.addi %add3A_15, %add3A_16 : i32
    "tpu.region"() ({
      %run_scoped3A = tpu.sem_alloc : memref<!tpu.dma_semaphore, #tpu.memory_space<semaphore_mem>>
      %dma_start3A = arith.constant 0 : i32
      %dma_start3A_37 = arith.constant 0 : i32
      %dma_start3A_38 = tpu.memref_slice %arg6[%dma_start3A, %dma_start3A_37] : memref<12x128xi32, #tpu.memory_space<vmem>> -> memref<6x128xi32, #tpu.memory_space<vmem>>
      %dma_start3A_39 = arith.constant 0 : i32
      %dma_start3A_40 = tpu.memref_slice %arg3[%add3A_17, %dma_start3A_39] : memref<12672x128xi32, #tpu.memory_space<hbm>> -> memref<6x128xi32, #tpu.memory_space<hbm>>
      %dma_start3A_41 = arith.constant 0 : i32
      %dma_start3A_42 = arith.constant 0 : i32
      %dma_start3A_43 = tpu.memref_slice %arg6[%dma_start3A_41, %dma_start3A_42] : memref<12x128xi32, #tpu.memory_space<vmem>> -> memref<6x128xi32, #tpu.memory_space<vmem>>
      %dma_start3A_44 = arith.constant 0 : i32
      %dma_start3A_45 = tpu.memref_slice %arg3[%add3A_17, %dma_start3A_44] : memref<12672x128xi32, #tpu.memory_space<hbm>> -> memref<6x128xi32, #tpu.memory_space<hbm>>
      tpu.enqueue_dma source(%dma_start3A_45 : memref<6x128xi32, #tpu.memory_space<hbm>>) target(%dma_start3A_43 : memref<6x128xi32, #tpu.memory_space<vmem>>) target_semaphore(%run_scoped3A : memref<!tpu.dma_semaphore, #tpu.memory_space<semaphore_mem>>)
      %dma_wait3A = arith.constant 0 : i32
      %dma_wait3A_46 = arith.constant 0 : i32
      %dma_wait3A_47 = tpu.memref_slice %arg6[%dma_wait3A, %dma_wait3A_46] : memref<12x128xi32, #tpu.memory_space<vmem>> -> memref<6x128xi32, #tpu.memory_space<vmem>>
      %dma_wait3A_48 = arith.constant 0 : i32
      %dma_wait3A_49 = tpu.memref_slice %arg3[%add3A_17, %dma_wait3A_48] : memref<12672x128xi32, #tpu.memory_space<hbm>> -> memref<6x128xi32, #tpu.memory_space<hbm>>
      %dma_wait3A_50 = arith.constant 0 : i32
      %dma_wait3A_51 = arith.constant 0 : i32
      %dma_wait3A_52 = tpu.memref_slice %arg6[%dma_wait3A_50, %dma_wait3A_51] : memref<12x128xi32, #tpu.memory_space<vmem>> -> memref<6x128xi32, #tpu.memory_space<vmem>>
      %dma_wait3A_53 = arith.constant 0 : i32
      %dma_wait3A_54 = tpu.memref_slice %arg3[%add3A_17, %dma_wait3A_53] : memref<12672x128xi32, #tpu.memory_space<hbm>> -> memref<6x128xi32, #tpu.memory_space<hbm>>
      tpu.wait_dma2 semaphore(%run_scoped3A : memref<!tpu.dma_semaphore, #tpu.memory_space<semaphore_mem>>) src(%dma_wait3A_54 : memref<6x128xi32, #tpu.memory_space<hbm>>) dst(%dma_wait3A_52 : memref<6x128xi32, #tpu.memory_space<vmem>>)
      tpu.yield
    }) : () -> ()
    "tpu.region"() ({
      %run_scoped3A = tpu.sem_alloc : memref<!tpu.dma_semaphore, #tpu.memory_space<semaphore_mem>>
      %dma_start3A = arith.constant 0 : i32
      %dma_start3A_37 = arith.constant 0 : i32
      %dma_start3A_38 = tpu.memref_slice %arg7[%dma_start3A, %dma_start3A_37] : memref<12x128xi32, #tpu.memory_space<vmem>> -> memref<6x128xi32, #tpu.memory_space<vmem>>
      %dma_start3A_39 = arith.constant 0 : i32
      %dma_start3A_40 = tpu.memref_slice %arg4[%add3A_17, %dma_start3A_39] : memref<12672x128xi32, #tpu.memory_space<hbm>> -> memref<6x128xi32, #tpu.memory_space<hbm>>
      %dma_start3A_41 = arith.constant 0 : i32
      %dma_start3A_42 = arith.constant 0 : i32
      %dma_start3A_43 = tpu.memref_slice %arg7[%dma_start3A_41, %dma_start3A_42] : memref<12x128xi32, #tpu.memory_space<vmem>> -> memref<6x128xi32, #tpu.memory_space<vmem>>
      %dma_start3A_44 = arith.constant 0 : i32
      %dma_start3A_45 = tpu.memref_slice %arg4[%add3A_17, %dma_start3A_44] : memref<12672x128xi32, #tpu.memory_space<hbm>> -> memref<6x128xi32, #tpu.memory_space<hbm>>
      tpu.enqueue_dma source(%dma_start3A_45 : memref<6x128xi32, #tpu.memory_space<hbm>>) target(%dma_start3A_43 : memref<6x128xi32, #tpu.memory_space<vmem>>) target_semaphore(%run_scoped3A : memref<!tpu.dma_semaphore, #tpu.memory_space<semaphore_mem>>)
      %dma_wait3A = arith.constant 0 : i32
      %dma_wait3A_46 = arith.constant 0 : i32
      %dma_wait3A_47 = tpu.memref_slice %arg7[%dma_wait3A, %dma_wait3A_46] : memref<12x128xi32, #tpu.memory_space<vmem>> -> memref<6x128xi32, #tpu.memory_space<vmem>>
      %dma_wait3A_48 = arith.constant 0 : i32
      %dma_wait3A_49 = tpu.memref_slice %arg4[%add3A_17, %dma_wait3A_48] : memref<12672x128xi32, #tpu.memory_space<hbm>> -> memref<6x128xi32, #tpu.memory_space<hbm>>
      %dma_wait3A_50 = arith.constant 0 : i32
      %dma_wait3A_51 = arith.constant 0 : i32
      %dma_wait3A_52 = tpu.memref_slice %arg7[%dma_wait3A_50, %dma_wait3A_51] : memref<12x128xi32, #tpu.memory_space<vmem>> -> memref<6x128xi32, #tpu.memory_space<vmem>>
      %dma_wait3A_53 = arith.constant 0 : i32
      %dma_wait3A_54 = tpu.memref_slice %arg4[%add3A_17, %dma_wait3A_53] : memref<12672x128xi32, #tpu.memory_space<hbm>> -> memref<6x128xi32, #tpu.memory_space<hbm>>
      tpu.wait_dma2 semaphore(%run_scoped3A : memref<!tpu.dma_semaphore, #tpu.memory_space<semaphore_mem>>) src(%dma_wait3A_54 : memref<6x128xi32, #tpu.memory_space<hbm>>) dst(%dma_wait3A_52 : memref<6x128xi32, #tpu.memory_space<vmem>>)
      tpu.yield
    }) : () -> ()
    %scan3A_18 = arith.constant 0 : i32
    %scan3A_19 = arith.constant 0 : i32
    %scan3A_20 = arith.constant 6 : i32
    %scan3A_21 = arith.addi %scan3A_19, %scan3A_20 : i32
    %scan3A_22 = arith.constant 1 : i32
    scf.for %scan3A_37 = %scan3A_19 to %scan3A_21 step %scan3A_22  : i32 {
      %scan3A_38 = arith.constant 0 : i32
      %scan3A_39 = arith.constant 0 : i32
      %scan3A_40 = arith.constant 8 : i32
      %scan3A_41 = arith.addi %scan3A_39, %scan3A_40 : i32
      %scan3A_42 = arith.constant 1 : i32
      scf.for %scan3A_57 = %scan3A_39 to %scan3A_41 step %scan3A_42  : i32 {
        %add3A_58 = arith.constant 0 : i32
        %add3A_59 = arith.addi %add3A_58, %scan3A_37 : i32
        %mul3A_60 = arith.constant 16 : i32
        %mul3A_61 = arith.muli %scan3A_57, %mul3A_60 : i32
        %get3A = arith.index_cast %add3A_59 : i32 to index
        %get3A_62 = arith.index_cast %mul3A_61 : i32 to index
        %get3A_63 = tpu.vector_load %arg6[%get3A, %get3A_62] {strides = array<i32>} : memref<12x128xi32, #tpu.memory_space<vmem>>, vector<1x16xi32>,
        %get3A_64 = vector.shape_cast %get3A_63 : vector<1x16xi32> to vector<16xi32>
        %mul3A_65 = arith.constant 2 : i32
        %mul3A_66 = vector.broadcast %mul3A_65 : i32 to vector<16xi32>
        %mul3A_67 = arith.muli %get3A_64, %mul3A_66 : vector<16xi32>
        %add3A_68 = vector.broadcast %arg0 : i32 to vector<16xi32>
        %add3A_69 = arith.addi %mul3A_67, %add3A_68 : vector<16xi32>
        %add3A_70 = arith.constant 0 : i32
        %add3A_71 = arith.addi %add3A_70, %scan3A_37 : i32
        %mul3A_72 = arith.constant 16 : i32
        %mul3A_73 = arith.muli %scan3A_57, %mul3A_72 : i32
        %swap3A = arith.index_cast %add3A_71 : i32 to index
        %swap3A_74 = arith.index_cast %mul3A_73 : i32 to index
        %swap3A_75 = tpu.vector_load %arg6[%swap3A, %swap3A_74] {strides = array<i32>} : memref<12x128xi32, #tpu.memory_space<vmem>>, vector<1x16xi32>,
        %swap3A_76 = vector.shape_cast %swap3A_75 : vector<1x16xi32> to vector<16xi32>
        %swap3A_77 = vector.shape_cast %add3A_69 : vector<16xi32> to vector<1x16xi32>
        tpu.vector_store %arg6[%swap3A, %swap3A_74], %swap3A_77 {strides = array<i32>} : memref<12x128xi32, #tpu.memory_space<vmem>>, vector<1x16xi32>,
      }
      %scan3A_43 = arith.constant 8 : i32
      %add3A_44 = arith.constant 0 : i32
      %add3A_45 = arith.addi %add3A_44, %scan3A_37 : i32
      %add3A_46 = arith.constant 0 : i32
      %add3A_47 = arith.addi %add3A_46, %scan3A_37 : i32
      %dma_start3A = arith.constant 0 : i32
      %dma_start3A_48 = arith.constant 0 : i32
      %dma_start3A_49 = tpu.memref_slice %arg8[%add3A_47, %dma_start3A, %dma_start3A_48] : memref<12x128x32xbf16, #tpu.memory_space<vmem>> -> memref<1x128x32xbf16, #tpu.memory_space<vmem>>
      %dma_start3A_50 = tpu.memref_squeeze %dma_start3A_49 : memref<1x128x32xbf16, #tpu.memory_space<vmem>> -> memref<128x32xbf16, #tpu.memory_space<vmem>>
      %dma_start3A_51 = arith.constant 0 : i32
      %dma_start3A_52 = tpu.memref_slice %arg6[%add3A_45, %dma_start3A_51] : memref<12x128xi32, #tpu.memory_space<vmem>> -> memref<1x128xi32, #tpu.memory_space<vmem>>
      %dma_start3A_53 = tpu.memref_squeeze %dma_start3A_52 : memref<1x128xi32, #tpu.memory_space<vmem>> -> memref<128xi32, #tpu.memory_space<vmem>>
      %dma_start3A_54 = arith.constant 0 : i32
      %dma_start3A_55 = arith.constant 0 : i32
      %dma_start3A_56 = tpu.memref_slice %arg2[%dma_start3A_54, %dma_start3A_55] : memref<200192x32xbf16, #tpu.memory_space<hbm>> -> memref<200192x32xbf16, #tpu.memory_space<hbm>>
      tpu.enqueue_indirect_dma source(%dma_start3A_56 : memref<200192x32xbf16, #tpu.memory_space<hbm>>) target(%dma_start3A_50 : memref<128x32xbf16, #tpu.memory_space<vmem>>) offsets(%dma_start3A_53 : memref<128xi32, #tpu.memory_space<vmem>>) semaphore(%arg10 : memref<!tpu.dma_semaphore, #tpu.memory_space<semaphore_mem>>)
    }
    %scan3A_23 = arith.constant 6 : i32
    %scan3A_24 = arith.constant 0 : i32
    %scan3A_25 = arith.constant 0 : i32
    %scan3A_26 = arith.constant 66 : i32
    %scan3A_27 = arith.addi %scan3A_25, %scan3A_26 : i32
    %scan3A_28 = arith.constant 1 : i32
    scf.for %scan3A_37 = %scan3A_25 to %scan3A_27 step %scan3A_28  : i32 {
      %mul3A_38 = arith.constant 2 : i32
      %mul3A_39 = arith.muli %mul3A_38, %scan3A_37 : i32
      %add3A_40 = arith.constant 1 : i32
      %add3A_41 = arith.addi %mul3A_39, %add3A_40 : i32
      %mul3A_42 = arith.constant 792 : i32
      %mul3A_43 = arith.muli %arg1, %mul3A_42 : i32
      %add3A_44 = arith.constant 0 : i32
      %add3A_45 = arith.addi %add3A_44, %mul3A_43 : i32
      %mul3A_46 = arith.constant 6 : i32
      %mul3A_47 = arith.muli %add3A_41, %mul3A_46 : i32
      %add3A_48 = arith.addi %add3A_45, %mul3A_47 : i32
      "tpu.region"() ({
        %run_scoped3A = tpu.sem_alloc : memref<!tpu.dma_semaphore, #tpu.memory_space<semaphore_mem>>
        %dma_start3A = arith.constant 6 : i32
        %dma_start3A_81 = arith.constant 0 : i32
        %dma_start3A_82 = tpu.memref_slice %arg6[%dma_start3A, %dma_start3A_81] : memref<12x128xi32, #tpu.memory_space<vmem>> -> memref<6x128xi32, #tpu.memory_space<vmem>>
        %dma_start3A_83 = arith.constant 0 : i32
        %dma_start3A_84 = tpu.memref_slice %arg3[%add3A_48, %dma_start3A_83] : memref<12672x128xi32, #tpu.memory_space<hbm>> -> memref<6x128xi32, #tpu.memory_space<hbm>>
        %dma_start3A_85 = arith.constant 6 : i32
        %dma_start3A_86 = arith.constant 0 : i32
        %dma_start3A_87 = tpu.memref_slice %arg6[%dma_start3A_85, %dma_start3A_86] : memref<12x128xi32, #tpu.memory_space<vmem>> -> memref<6x128xi32, #tpu.memory_space<vmem>>
        %dma_start3A_88 = arith.constant 0 : i32
        %dma_start3A_89 = tpu.memref_slice %arg3[%add3A_48, %dma_start3A_88] : memref<12672x128xi32, #tpu.memory_space<hbm>> -> memref<6x128xi32, #tpu.memory_space<hbm>>
        tpu.enqueue_dma source(%dma_start3A_89 : memref<6x128xi32, #tpu.memory_space<hbm>>) target(%dma_start3A_87 : memref<6x128xi32, #tpu.memory_space<vmem>>) target_semaphore(%run_scoped3A : memref<!tpu.dma_semaphore, #tpu.memory_space<semaphore_mem>>)
        %dma_wait3A = arith.constant 6 : i32
        %dma_wait3A_90 = arith.constant 0 : i32
        %dma_wait3A_91 = tpu.memref_slice %arg6[%dma_wait3A, %dma_wait3A_90] : memref<12x128xi32, #tpu.memory_space<vmem>> -> memref<6x128xi32, #tpu.memory_space<vmem>>
        %dma_wait3A_92 = arith.constant 0 : i32
        %dma_wait3A_93 = tpu.memref_slice %arg3[%add3A_48, %dma_wait3A_92] : memref<12672x128xi32, #tpu.memory_space<hbm>> -> memref<6x128xi32, #tpu.memory_space<hbm>>
        %dma_wait3A_94 = arith.constant 6 : i32
        %dma_wait3A_95 = arith.constant 0 : i32
        %dma_wait3A_96 = tpu.memref_slice %arg6[%dma_wait3A_94, %dma_wait3A_95] : memref<12x128xi32, #tpu.memory_space<vmem>> -> memref<6x128xi32, #tpu.memory_space<vmem>>
        %dma_wait3A_97 = arith.constant 0 : i32
        %dma_wait3A_98 = tpu.memref_slice %arg3[%add3A_48, %dma_wait3A_97] : memref<12672x128xi32, #tpu.memory_space<hbm>> -> memref<6x128xi32, #tpu.memory_space<hbm>>
        tpu.wait_dma2 semaphore(%run_scoped3A : memref<!tpu.dma_semaphore, #tpu.memory_space<semaphore_mem>>) src(%dma_wait3A_98 : memref<6x128xi32, #tpu.memory_space<hbm>>) dst(%dma_wait3A_96 : memref<6x128xi32, #tpu.memory_space<vmem>>)
        tpu.yield
      }) : () -> ()
      "tpu.region"() ({
        %run_scoped3A = tpu.sem_alloc : memref<!tpu.dma_semaphore, #tpu.memory_space<semaphore_mem>>
        %dma_start3A = arith.constant 6 : i32
        %dma_start3A_81 = arith.constant 0 : i32
        %dma_start3A_82 = tpu.memref_slice %arg7[%dma_start3A, %dma_start3A_81] : memref<12x128xi32, #tpu.memory_space<vmem>> -> memref<6x128xi32, #tpu.memory_space<vmem>>
        %dma_start3A_83 = arith.constant 0 : i32
        %dma_start3A_84 = tpu.memref_slice %arg4[%add3A_48, %dma_start3A_83] : memref<12672x128xi32, #tpu.memory_space<hbm>> -> memref<6x128xi32, #tpu.memory_space<hbm>>
        %dma_start3A_85 = arith.constant 6 : i32
        %dma_start3A_86 = arith.constant 0 : i32
        %dma_start3A_87 = tpu.memref_slice %arg7[%dma_start3A_85, %dma_start3A_86] : memref<12x128xi32, #tpu.memory_space<vmem>> -> memref<6x128xi32, #tpu.memory_space<vmem>>
        %dma_start3A_88 = arith.constant 0 : i32
        %dma_start3A_89 = tpu.memref_slice %arg4[%add3A_48, %dma_start3A_88] : memref<12672x128xi32, #tpu.memory_space<hbm>> -> memref<6x128xi32, #tpu.memory_space<hbm>>
        tpu.enqueue_dma source(%dma_start3A_89 : memref<6x128xi32, #tpu.memory_space<hbm>>) target(%dma_start3A_87 : memref<6x128xi32, #tpu.memory_space<vmem>>) target_semaphore(%run_scoped3A : memref<!tpu.dma_semaphore, #tpu.memory_space<semaphore_mem>>)
        %dma_wait3A = arith.constant 6 : i32
        %dma_wait3A_90 = arith.constant 0 : i32
        %dma_wait3A_91 = tpu.memref_slice %arg7[%dma_wait3A, %dma_wait3A_90] : memref<12x128xi32, #tpu.memory_space<vmem>> -> memref<6x128xi32, #tpu.memory_space<vmem>>
        %dma_wait3A_92 = arith.constant 0 : i32
        %dma_wait3A_93 = tpu.memref_slice %arg4[%add3A_48, %dma_wait3A_92] : memref<12672x128xi32, #tpu.memory_space<hbm>> -> memref<6x128xi32, #tpu.memory_space<hbm>>
        %dma_wait3A_94 = arith.constant 6 : i32
        %dma_wait3A_95 = arith.constant 0 : i32
        %dma_wait3A_96 = tpu.memref_slice %arg7[%dma_wait3A_94, %dma_wait3A_95] : memref<12x128xi32, #tpu.memory_space<vmem>> -> memref<6x128xi32, #tpu.memory_space<vmem>>
        %dma_wait3A_97 = arith.constant 0 : i32
        %dma_wait3A_98 = tpu.memref_slice %arg4[%add3A_48, %dma_wait3A_97] : memref<12672x128xi32, #tpu.memory_space<hbm>> -> memref<6x128xi32, #tpu.memory_space<hbm>>
        tpu.wait_dma2 semaphore(%run_scoped3A : memref<!tpu.dma_semaphore, #tpu.memory_space<semaphore_mem>>) src(%dma_wait3A_98 : memref<6x128xi32, #tpu.memory_space<hbm>>) dst(%dma_wait3A_96 : memref<6x128xi32, #tpu.memory_space<vmem>>)
        tpu.yield
      }) : () -> ()
      %scan3A_49 = arith.constant 0 : i32
      %scan3A_50 = arith.constant 0 : i32
      %scan3A_51 = arith.constant 6 : i32
      %scan3A_52 = arith.addi %scan3A_50, %scan3A_51 : i32
      %scan3A_53 = arith.constant 1 : i32
      scf.for %scan3A_81 = %scan3A_50 to %scan3A_52 step %scan3A_53  : i32 {
        %scan3A_82 = arith.constant 0 : i32
        %scan3A_83 = arith.constant 0 : i32
        %scan3A_84 = arith.constant 8 : i32
        %scan3A_85 = arith.addi %scan3A_83, %scan3A_84 : i32
        %scan3A_86 = arith.constant 1 : i32
        scf.for %scan3A_101 = %scan3A_83 to %scan3A_85 step %scan3A_86  : i32 {
          %add3A_102 = arith.constant 6 : i32
          %add3A_103 = arith.addi %add3A_102, %scan3A_81 : i32
          %mul3A_104 = arith.constant 16 : i32
          %mul3A_105 = arith.muli %scan3A_101, %mul3A_104 : i32
          %get3A = arith.index_cast %add3A_103 : i32 to index
          %get3A_106 = arith.index_cast %mul3A_105 : i32 to index
          %get3A_107 = tpu.vector_load %arg6[%get3A, %get3A_106] {strides = array<i32>} : memref<12x128xi32, #tpu.memory_space<vmem>>, vector<1x16xi32>,
          %get3A_108 = vector.shape_cast %get3A_107 : vector<1x16xi32> to vector<16xi32>
          %mul3A_109 = arith.constant 2 : i32
          %mul3A_110 = vector.broadcast %mul3A_109 : i32 to vector<16xi32>
          %mul3A_111 = arith.muli %get3A_108, %mul3A_110 : vector<16xi32>
          %add3A_112 = vector.broadcast %arg0 : i32 to vector<16xi32>
          %add3A_113 = arith.addi %mul3A_111, %add3A_112 : vector<16xi32>
          %add3A_114 = arith.constant 6 : i32
          %add3A_115 = arith.addi %add3A_114, %scan3A_81 : i32
          %mul3A_116 = arith.constant 16 : i32
          %mul3A_117 = arith.muli %scan3A_101, %mul3A_116 : i32
          %swap3A = arith.index_cast %add3A_115 : i32 to index
          %swap3A_118 = arith.index_cast %mul3A_117 : i32 to index
          %swap3A_119 = tpu.vector_load %arg6[%swap3A, %swap3A_118] {strides = array<i32>} : memref<12x128xi32, #tpu.memory_space<vmem>>, vector<1x16xi32>,
          %swap3A_120 = vector.shape_cast %swap3A_119 : vector<1x16xi32> to vector<16xi32>
          %swap3A_121 = vector.shape_cast %add3A_113 : vector<16xi32> to vector<1x16xi32>
          tpu.vector_store %arg6[%swap3A, %swap3A_118], %swap3A_121 {strides = array<i32>} : memref<12x128xi32, #tpu.memory_space<vmem>>, vector<1x16xi32>,
        }
        %scan3A_87 = arith.constant 8 : i32
        %add3A_88 = arith.constant 6 : i32
        %add3A_89 = arith.addi %add3A_88, %scan3A_81 : i32
        %add3A_90 = arith.constant 6 : i32
        %add3A_91 = arith.addi %add3A_90, %scan3A_81 : i32
        %dma_start3A = arith.constant 0 : i32
        %dma_start3A_92 = arith.constant 0 : i32
        %dma_start3A_93 = tpu.memref_slice %arg8[%add3A_91, %dma_start3A, %dma_start3A_92] : memref<12x128x32xbf16, #tpu.memory_space<vmem>> -> memref<1x128x32xbf16, #tpu.memory_space<vmem>>
        %dma_start3A_94 = tpu.memref_squeeze %dma_start3A_93 : memref<1x128x32xbf16, #tpu.memory_space<vmem>> -> memref<128x32xbf16, #tpu.memory_space<vmem>>
        %dma_start3A_95 = arith.constant 0 : i32
        %dma_start3A_96 = tpu.memref_slice %arg6[%add3A_89, %dma_start3A_95] : memref<12x128xi32, #tpu.memory_space<vmem>> -> memref<1x128xi32, #tpu.memory_space<vmem>>
        %dma_start3A_97 = tpu.memref_squeeze %dma_start3A_96 : memref<1x128xi32, #tpu.memory_space<vmem>> -> memref<128xi32, #tpu.memory_space<vmem>>
        %dma_start3A_98 = arith.constant 0 : i32
        %dma_start3A_99 = arith.constant 0 : i32
        %dma_start3A_100 = tpu.memref_slice %arg2[%dma_start3A_98, %dma_start3A_99] : memref<200192x32xbf16, #tpu.memory_space<hbm>> -> memref<200192x32xbf16, #tpu.memory_space<hbm>>
        tpu.enqueue_indirect_dma source(%dma_start3A_100 : memref<200192x32xbf16, #tpu.memory_space<hbm>>) target(%dma_start3A_94 : memref<128x32xbf16, #tpu.memory_space<vmem>>) offsets(%dma_start3A_97 : memref<128xi32, #tpu.memory_space<vmem>>) semaphore(%arg11 : memref<!tpu.dma_semaphore, #tpu.memory_space<semaphore_mem>>)
      }
      %scan3A_54 = arith.constant 6 : i32
      %scan3A_55 = arith.constant 0 : i32
      %scan3A_56 = arith.constant 0 : i32
      %scan3A_57 = arith.constant 6 : i32
      %scan3A_58 = arith.addi %scan3A_56, %scan3A_57 : i32
      %scan3A_59 = arith.constant 1 : i32
      scf.for %scan3A_81 = %scan3A_56 to %scan3A_58 step %scan3A_59  : i32 {
        %add3A_82 = arith.constant 0 : i32
        %add3A_83 = arith.addi %add3A_82, %scan3A_81 : i32
        %add3A_84 = arith.constant 0 : i32
        %add3A_85 = arith.addi %add3A_84, %scan3A_81 : i32
        %dma_wait3A = arith.constant 0 : i32
        %dma_wait3A_86 = arith.constant 0 : i32
        %dma_wait3A_87 = tpu.memref_slice %arg8[%add3A_85, %dma_wait3A, %dma_wait3A_86] : memref<12x128x32xbf16, #tpu.memory_space<vmem>> -> memref<1x128x32xbf16, #tpu.memory_space<vmem>>
        %dma_wait3A_88 = tpu.memref_squeeze %dma_wait3A_87 : memref<1x128x32xbf16, #tpu.memory_space<vmem>> -> memref<128x32xbf16, #tpu.memory_space<vmem>>
        %dma_wait3A_89 = arith.constant 0 : i32
        %dma_wait3A_90 = tpu.memref_slice %arg6[%add3A_83, %dma_wait3A_89] : memref<12x128xi32, #tpu.memory_space<vmem>> -> memref<1x128xi32, #tpu.memory_space<vmem>>
        %dma_wait3A_91 = tpu.memref_squeeze %dma_wait3A_90 : memref<1x128xi32, #tpu.memory_space<vmem>> -> memref<128xi32, #tpu.memory_space<vmem>>
        %dma_wait3A_92 = arith.constant 0 : i32
        %dma_wait3A_93 = arith.constant 0 : i32
        %dma_wait3A_94 = tpu.memref_slice %arg2[%dma_wait3A_92, %dma_wait3A_93] : memref<200192x32xbf16, #tpu.memory_space<hbm>> -> memref<200192x32xbf16, #tpu.memory_space<hbm>>
        tpu.wait_indirect_dma semaphore(%arg10 : memref<!tpu.dma_semaphore, #tpu.memory_space<semaphore_mem>>) src(%dma_wait3A_94 : memref<200192x32xbf16, #tpu.memory_space<hbm>>) dst(%dma_wait3A_88 : memref<128x32xbf16, #tpu.memory_space<vmem>>)
      }
      %scan3A_60 = arith.constant 6 : i32
      %scan3A_61 = arith.constant 0 : i32
      %scan3A_62 = arith.constant 0 : i32
      %scan3A_63 = arith.constant 6 : i32
      %scan3A_64 = arith.addi %scan3A_62, %scan3A_63 : i32
      %scan3A_65 = arith.constant 1 : i32
      scf.for %scan3A_81 = %scan3A_62 to %scan3A_64 step %scan3A_65  : i32 {
        %add3A_82 = arith.constant 0 : i32
        %add3A_83 = arith.addi %add3A_82, %scan3A_81 : i32
        %add3A_84 = arith.constant 0 : i32
        %add3A_85 = arith.addi %add3A_84, %scan3A_81 : i32
        "tpu.region"() ({
          %run_scoped3A = tpu.sem_alloc : memref<!tpu.dma_semaphore, #tpu.memory_space<semaphore_mem>>
          %dma_start3A = arith.constant 0 : i32
          %dma_start3A_86 = arith.constant 0 : i32
          %dma_start3A_87 = tpu.memref_slice %arg8[%add3A_83, %dma_start3A, %dma_start3A_86] : memref<12x128x32xbf16, #tpu.memory_space<vmem>> -> memref<1x128x32xbf16, #tpu.memory_space<vmem>>
          %dma_start3A_88 = tpu.memref_squeeze %dma_start3A_87 : memref<1x128x32xbf16, #tpu.memory_space<vmem>> -> memref<128x32xbf16, #tpu.memory_space<vmem>>
          %dma_start3A_89 = arith.constant 0 : i32
          %dma_start3A_90 = tpu.memref_slice %arg7[%add3A_85, %dma_start3A_89] : memref<12x128xi32, #tpu.memory_space<vmem>> -> memref<1x128xi32, #tpu.memory_space<vmem>>
          %dma_start3A_91 = tpu.memref_squeeze %dma_start3A_90 : memref<1x128xi32, #tpu.memory_space<vmem>> -> memref<128xi32, #tpu.memory_space<vmem>>
          %dma_start3A_92 = arith.constant 0 : i32
          %dma_start3A_93 = arith.constant 0 : i32
          %dma_start3A_94 = tpu.memref_slice %arg9[%dma_start3A_92, %dma_start3A_93] : memref<100096x32xbf16, #tpu.memory_space<vmem_shared>> -> memref<100096x32xbf16, #tpu.memory_space<vmem_shared>>
          tpu.enqueue_indirect_dma source(%dma_start3A_88 : memref<128x32xbf16, #tpu.memory_space<vmem>>) target(%dma_start3A_94 : memref<100096x32xbf16, #tpu.memory_space<vmem_shared>>) offsets(%dma_start3A_91 : memref<128xi32, #tpu.memory_space<vmem>>) semaphore(%run_scoped3A : memref<!tpu.dma_semaphore, #tpu.memory_space<semaphore_mem>>) {add = true}
          %dma_wait3A = arith.constant 0 : i32
          %dma_wait3A_95 = arith.constant 0 : i32
          %dma_wait3A_96 = tpu.memref_slice %arg8[%add3A_83, %dma_wait3A, %dma_wait3A_95] : memref<12x128x32xbf16, #tpu.memory_space<vmem>> -> memref<1x128x32xbf16, #tpu.memory_space<vmem>>
          %dma_wait3A_97 = tpu.memref_squeeze %dma_wait3A_96 : memref<1x128x32xbf16, #tpu.memory_space<vmem>> -> memref<128x32xbf16, #tpu.memory_space<vmem>>
          %dma_wait3A_98 = arith.constant 0 : i32
          %dma_wait3A_99 = tpu.memref_slice %arg7[%add3A_85, %dma_wait3A_98] : memref<12x128xi32, #tpu.memory_space<vmem>> -> memref<1x128xi32, #tpu.memory_space<vmem>>
          %dma_wait3A_100 = tpu.memref_squeeze %dma_wait3A_99 : memref<1x128xi32, #tpu.memory_space<vmem>> -> memref<128xi32, #tpu.memory_space<vmem>>
          %dma_wait3A_101 = arith.constant 0 : i32
          %dma_wait3A_102 = arith.constant 0 : i32
          %dma_wait3A_103 = tpu.memref_slice %arg9[%dma_wait3A_101, %dma_wait3A_102] : memref<100096x32xbf16, #tpu.memory_space<vmem_shared>> -> memref<100096x32xbf16, #tpu.memory_space<vmem_shared>>
          tpu.wait_indirect_dma semaphore(%run_scoped3A : memref<!tpu.dma_semaphore, #tpu.memory_space<semaphore_mem>>) src(%dma_wait3A_97 : memref<128x32xbf16, #tpu.memory_space<vmem>>) dst(%dma_wait3A_103 : memref<100096x32xbf16, #tpu.memory_space<vmem_shared>>)
          tpu.yield
        }) : () -> ()
      }
      %scan3A_66 = arith.constant 6 : i32
      %lt3A = arith.constant 65 : i32
      %lt3A_67 = arith.cmpi slt, %scan3A_37, %lt3A : i32
      %convert_element_type3A = arith.extui %lt3A_67 : i1 to i32
      %cond3A = arith.constant 0 : i32
      %cond3A_68 = arith.cmpi ne, %convert_element_type3A, %cond3A : i32
      scf.if %cond3A_68 {
        %mul3A_81 = arith.constant 2 : i32
        %mul3A_82 = arith.muli %mul3A_81, %scan3A_37 : i32
        %add3A_83 = arith.constant 2 : i32
        %add3A_84 = arith.addi %mul3A_82, %add3A_83 : i32
        %mul3A_85 = arith.constant 792 : i32
        %mul3A_86 = arith.muli %arg1, %mul3A_85 : i32
        %add3A_87 = arith.constant 0 : i32
        %add3A_88 = arith.addi %add3A_87, %mul3A_86 : i32
        %mul3A_89 = arith.constant 6 : i32
        %mul3A_90 = arith.muli %add3A_84, %mul3A_89 : i32
        %add3A_91 = arith.addi %add3A_88, %mul3A_90 : i32
        "tpu.region"() ({
          %run_scoped3A = tpu.sem_alloc : memref<!tpu.dma_semaphore, #tpu.memory_space<semaphore_mem>>
          %dma_start3A = arith.constant 0 : i32
          %dma_start3A_98 = arith.constant 0 : i32
          %dma_start3A_99 = tpu.memref_slice %arg6[%dma_start3A, %dma_start3A_98] : memref<12x128xi32, #tpu.memory_space<vmem>> -> memref<6x128xi32, #tpu.memory_space<vmem>>
          %dma_start3A_100 = arith.constant 0 : i32
          %dma_start3A_101 = tpu.memref_slice %arg3[%add3A_91, %dma_start3A_100] : memref<12672x128xi32, #tpu.memory_space<hbm>> -> memref<6x128xi32, #tpu.memory_space<hbm>>
          %dma_start3A_102 = arith.constant 0 : i32
          %dma_start3A_103 = arith.constant 0 : i32
          %dma_start3A_104 = tpu.memref_slice %arg6[%dma_start3A_102, %dma_start3A_103] : memref<12x128xi32, #tpu.memory_space<vmem>> -> memref<6x128xi32, #tpu.memory_space<vmem>>
          %dma_start3A_105 = arith.constant 0 : i32
          %dma_start3A_106 = tpu.memref_slice %arg3[%add3A_91, %dma_start3A_105] : memref<12672x128xi32, #tpu.memory_space<hbm>> -> memref<6x128xi32, #tpu.memory_space<hbm>>
          tpu.enqueue_dma source(%dma_start3A_106 : memref<6x128xi32, #tpu.memory_space<hbm>>) target(%dma_start3A_104 : memref<6x128xi32, #tpu.memory_space<vmem>>) target_semaphore(%run_scoped3A : memref<!tpu.dma_semaphore, #tpu.memory_space<semaphore_mem>>)
          %dma_wait3A = arith.constant 0 : i32
          %dma_wait3A_107 = arith.constant 0 : i32
          %dma_wait3A_108 = tpu.memref_slice %arg6[%dma_wait3A, %dma_wait3A_107] : memref<12x128xi32, #tpu.memory_space<vmem>> -> memref<6x128xi32, #tpu.memory_space<vmem>>
          %dma_wait3A_109 = arith.constant 0 : i32
          %dma_wait3A_110 = tpu.memref_slice %arg3[%add3A_91, %dma_wait3A_109] : memref<12672x128xi32, #tpu.memory_space<hbm>> -> memref<6x128xi32, #tpu.memory_space<hbm>>
          %dma_wait3A_111 = arith.constant 0 : i32
          %dma_wait3A_112 = arith.constant 0 : i32
          %dma_wait3A_113 = tpu.memref_slice %arg6[%dma_wait3A_111, %dma_wait3A_112] : memref<12x128xi32, #tpu.memory_space<vmem>> -> memref<6x128xi32, #tpu.memory_space<vmem>>
          %dma_wait3A_114 = arith.constant 0 : i32
          %dma_wait3A_115 = tpu.memref_slice %arg3[%add3A_91, %dma_wait3A_114] : memref<12672x128xi32, #tpu.memory_space<hbm>> -> memref<6x128xi32, #tpu.memory_space<hbm>>
          tpu.wait_dma2 semaphore(%run_scoped3A : memref<!tpu.dma_semaphore, #tpu.memory_space<semaphore_mem>>) src(%dma_wait3A_115 : memref<6x128xi32, #tpu.memory_space<hbm>>) dst(%dma_wait3A_113 : memref<6x128xi32, #tpu.memory_space<vmem>>)
          tpu.yield
        }) : () -> ()
        "tpu.region"() ({
          %run_scoped3A = tpu.sem_alloc : memref<!tpu.dma_semaphore, #tpu.memory_space<semaphore_mem>>
          %dma_start3A = arith.constant 0 : i32
          %dma_start3A_98 = arith.constant 0 : i32
          %dma_start3A_99 = tpu.memref_slice %arg7[%dma_start3A, %dma_start3A_98] : memref<12x128xi32, #tpu.memory_space<vmem>> -> memref<6x128xi32, #tpu.memory_space<vmem>>
          %dma_start3A_100 = arith.constant 0 : i32
          %dma_start3A_101 = tpu.memref_slice %arg4[%add3A_91, %dma_start3A_100] : memref<12672x128xi32, #tpu.memory_space<hbm>> -> memref<6x128xi32, #tpu.memory_space<hbm>>
          %dma_start3A_102 = arith.constant 0 : i32
          %dma_start3A_103 = arith.constant 0 : i32
          %dma_start3A_104 = tpu.memref_slice %arg7[%dma_start3A_102, %dma_start3A_103] : memref<12x128xi32, #tpu.memory_space<vmem>> -> memref<6x128xi32, #tpu.memory_space<vmem>>
          %dma_start3A_105 = arith.constant 0 : i32
          %dma_start3A_106 = tpu.memref_slice %arg4[%add3A_91, %dma_start3A_105] : memref<12672x128xi32, #tpu.memory_space<hbm>> -> memref<6x128xi32, #tpu.memory_space<hbm>>
          tpu.enqueue_dma source(%dma_start3A_106 : memref<6x128xi32, #tpu.memory_space<hbm>>) target(%dma_start3A_104 : memref<6x128xi32, #tpu.memory_space<vmem>>) target_semaphore(%run_scoped3A : memref<!tpu.dma_semaphore, #tpu.memory_space<semaphore_mem>>)
          %dma_wait3A = arith.constant 0 : i32
          %dma_wait3A_107 = arith.constant 0 : i32
          %dma_wait3A_108 = tpu.memref_slice %arg7[%dma_wait3A, %dma_wait3A_107] : memref<12x128xi32, #tpu.memory_space<vmem>> -> memref<6x128xi32, #tpu.memory_space<vmem>>
          %dma_wait3A_109 = arith.constant 0 : i32
          %dma_wait3A_110 = tpu.memref_slice %arg4[%add3A_91, %dma_wait3A_109] : memref<12672x128xi32, #tpu.memory_space<hbm>> -> memref<6x128xi32, #tpu.memory_space<hbm>>
          %dma_wait3A_111 = arith.constant 0 : i32
          %dma_wait3A_112 = arith.constant 0 : i32
          %dma_wait3A_113 = tpu.memref_slice %arg7[%dma_wait3A_111, %dma_wait3A_112] : memref<12x128xi32, #tpu.memory_space<vmem>> -> memref<6x128xi32, #tpu.memory_space<vmem>>
          %dma_wait3A_114 = arith.constant 0 : i32
          %dma_wait3A_115 = tpu.memref_slice %arg4[%add3A_91, %dma_wait3A_114] : memref<12672x128xi32, #tpu.memory_space<hbm>> -> memref<6x128xi32, #tpu.memory_space<hbm>>
          tpu.wait_dma2 semaphore(%run_scoped3A : memref<!tpu.dma_semaphore, #tpu.memory_space<semaphore_mem>>) src(%dma_wait3A_115 : memref<6x128xi32, #tpu.memory_space<hbm>>) dst(%dma_wait3A_113 : memref<6x128xi32, #tpu.memory_space<vmem>>)
          tpu.yield
        }) : () -> ()
        %scan3A_92 = arith.constant 0 : i32
        %scan3A_93 = arith.constant 0 : i32
        %scan3A_94 = arith.constant 6 : i32
        %scan3A_95 = arith.addi %scan3A_93, %scan3A_94 : i32
        %scan3A_96 = arith.constant 1 : i32
        scf.for %scan3A_98 = %scan3A_93 to %scan3A_95 step %scan3A_96  : i32 {
          %scan3A_99 = arith.constant 0 : i32
          %scan3A_100 = arith.constant 0 : i32
          %scan3A_101 = arith.constant 8 : i32
          %scan3A_102 = arith.addi %scan3A_100, %scan3A_101 : i32
          %scan3A_103 = arith.constant 1 : i32
          scf.for %scan3A_118 = %scan3A_100 to %scan3A_102 step %scan3A_103  : i32 {
            %add3A_119 = arith.constant 0 : i32
            %add3A_120 = arith.addi %add3A_119, %scan3A_98 : i32
            %mul3A_121 = arith.constant 16 : i32
            %mul3A_122 = arith.muli %scan3A_118, %mul3A_121 : i32
            %get3A = arith.index_cast %add3A_120 : i32 to index
            %get3A_123 = arith.index_cast %mul3A_122 : i32 to index
            %get3A_124 = tpu.vector_load %arg6[%get3A, %get3A_123] {strides = array<i32>} : memref<12x128xi32, #tpu.memory_space<vmem>>, vector<1x16xi32>,
            %get3A_125 = vector.shape_cast %get3A_124 : vector<1x16xi32> to vector<16xi32>
            %mul3A_126 = arith.constant 2 : i32
            %mul3A_127 = vector.broadcast %mul3A_126 : i32 to vector<16xi32>
            %mul3A_128 = arith.muli %get3A_125, %mul3A_127 : vector<16xi32>
            %add3A_129 = vector.broadcast %arg0 : i32 to vector<16xi32>
            %add3A_130 = arith.addi %mul3A_128, %add3A_129 : vector<16xi32>
            %add3A_131 = arith.constant 0 : i32
            %add3A_132 = arith.addi %add3A_131, %scan3A_98 : i32
            %mul3A_133 = arith.constant 16 : i32
            %mul3A_134 = arith.muli %scan3A_118, %mul3A_133 : i32
            %swap3A = arith.index_cast %add3A_132 : i32 to index
            %swap3A_135 = arith.index_cast %mul3A_134 : i32 to index
            %swap3A_136 = tpu.vector_load %arg6[%swap3A, %swap3A_135] {strides = array<i32>} : memref<12x128xi32, #tpu.memory_space<vmem>>, vector<1x16xi32>,
            %swap3A_137 = vector.shape_cast %swap3A_136 : vector<1x16xi32> to vector<16xi32>
            %swap3A_138 = vector.shape_cast %add3A_130 : vector<16xi32> to vector<1x16xi32>
            tpu.vector_store %arg6[%swap3A, %swap3A_135], %swap3A_138 {strides = array<i32>} : memref<12x128xi32, #tpu.memory_space<vmem>>, vector<1x16xi32>,
          }
          %scan3A_104 = arith.constant 8 : i32
          %add3A_105 = arith.constant 0 : i32
          %add3A_106 = arith.addi %add3A_105, %scan3A_98 : i32
          %add3A_107 = arith.constant 0 : i32
          %add3A_108 = arith.addi %add3A_107, %scan3A_98 : i32
          %dma_start3A = arith.constant 0 : i32
          %dma_start3A_109 = arith.constant 0 : i32
          %dma_start3A_110 = tpu.memref_slice %arg8[%add3A_108, %dma_start3A, %dma_start3A_109] : memref<12x128x32xbf16, #tpu.memory_space<vmem>> -> memref<1x128x32xbf16, #tpu.memory_space<vmem>>
          %dma_start3A_111 = tpu.memref_squeeze %dma_start3A_110 : memref<1x128x32xbf16, #tpu.memory_space<vmem>> -> memref<128x32xbf16, #tpu.memory_space<vmem>>
          %dma_start3A_112 = arith.constant 0 : i32
          %dma_start3A_113 = tpu.memref_slice %arg6[%add3A_106, %dma_start3A_112] : memref<12x128xi32, #tpu.memory_space<vmem>> -> memref<1x128xi32, #tpu.memory_space<vmem>>
          %dma_start3A_114 = tpu.memref_squeeze %dma_start3A_113 : memref<1x128xi32, #tpu.memory_space<vmem>> -> memref<128xi32, #tpu.memory_space<vmem>>
          %dma_start3A_115 = arith.constant 0 : i32
          %dma_start3A_116 = arith.constant 0 : i32
          %dma_start3A_117 = tpu.memref_slice %arg2[%dma_start3A_115, %dma_start3A_116] : memref<200192x32xbf16, #tpu.memory_space<hbm>> -> memref<200192x32xbf16, #tpu.memory_space<hbm>>
          tpu.enqueue_indirect_dma source(%dma_start3A_117 : memref<200192x32xbf16, #tpu.memory_space<hbm>>) target(%dma_start3A_111 : memref<128x32xbf16, #tpu.memory_space<vmem>>) offsets(%dma_start3A_114 : memref<128xi32, #tpu.memory_space<vmem>>) semaphore(%arg10 : memref<!tpu.dma_semaphore, #tpu.memory_space<semaphore_mem>>)
        }
        %scan3A_97 = arith.constant 6 : i32
      } else {
      }
      %scan3A_69 = arith.constant 0 : i32
      %scan3A_70 = arith.constant 0 : i32
      %scan3A_71 = arith.constant 6 : i32
      %scan3A_72 = arith.addi %scan3A_70, %scan3A_71 : i32
      %scan3A_73 = arith.constant 1 : i32
      scf.for %scan3A_81 = %scan3A_70 to %scan3A_72 step %scan3A_73  : i32 {
        %add3A_82 = arith.constant 6 : i32
        %add3A_83 = arith.addi %add3A_82, %scan3A_81 : i32
        %add3A_84 = arith.constant 6 : i32
        %add3A_85 = arith.addi %add3A_84, %scan3A_81 : i32
        %dma_wait3A = arith.constant 0 : i32
        %dma_wait3A_86 = arith.constant 0 : i32
        %dma_wait3A_87 = tpu.memref_slice %arg8[%add3A_85, %dma_wait3A, %dma_wait3A_86] : memref<12x128x32xbf16, #tpu.memory_space<vmem>> -> memref<1x128x32xbf16, #tpu.memory_space<vmem>>
        %dma_wait3A_88 = tpu.memref_squeeze %dma_wait3A_87 : memref<1x128x32xbf16, #tpu.memory_space<vmem>> -> memref<128x32xbf16, #tpu.memory_space<vmem>>
        %dma_wait3A_89 = arith.constant 0 : i32
        %dma_wait3A_90 = tpu.memref_slice %arg6[%add3A_83, %dma_wait3A_89] : memref<12x128xi32, #tpu.memory_space<vmem>> -> memref<1x128xi32, #tpu.memory_space<vmem>>
        %dma_wait3A_91 = tpu.memref_squeeze %dma_wait3A_90 : memref<1x128xi32, #tpu.memory_space<vmem>> -> memref<128xi32, #tpu.memory_space<vmem>>
        %dma_wait3A_92 = arith.constant 0 : i32
        %dma_wait3A_93 = arith.constant 0 : i32
        %dma_wait3A_94 = tpu.memref_slice %arg2[%dma_wait3A_92, %dma_wait3A_93] : memref<200192x32xbf16, #tpu.memory_space<hbm>> -> memref<200192x32xbf16, #tpu.memory_space<hbm>>
        tpu.wait_indirect_dma semaphore(%arg11 : memref<!tpu.dma_semaphore, #tpu.memory_space<semaphore_mem>>) src(%dma_wait3A_94 : memref<200192x32xbf16, #tpu.memory_space<hbm>>) dst(%dma_wait3A_88 : memref<128x32xbf16, #tpu.memory_space<vmem>>)
      }
      %scan3A_74 = arith.constant 6 : i32
      %scan3A_75 = arith.constant 0 : i32
      %scan3A_76 = arith.constant 0 : i32
      %scan3A_77 = arith.constant 6 : i32
      %scan3A_78 = arith.addi %scan3A_76, %scan3A_77 : i32
      %scan3A_79 = arith.constant 1 : i32
      scf.for %scan3A_81 = %scan3A_76 to %scan3A_78 step %scan3A_79  : i32 {
        %add3A_82 = arith.constant 6 : i32
        %add3A_83 = arith.addi %add3A_82, %scan3A_81 : i32
        %add3A_84 = arith.constant 6 : i32
        %add3A_85 = arith.addi %add3A_84, %scan3A_81 : i32
        "tpu.region"() ({
          %run_scoped3A = tpu.sem_alloc : memref<!tpu.dma_semaphore, #tpu.memory_space<semaphore_mem>>
          %dma_start3A = arith.constant 0 : i32
          %dma_start3A_86 = arith.constant 0 : i32
          %dma_start3A_87 = tpu.memref_slice %arg8[%add3A_83, %dma_start3A, %dma_start3A_86] : memref<12x128x32xbf16, #tpu.memory_space<vmem>> -> memref<1x128x32xbf16, #tpu.memory_space<vmem>>
          %dma_start3A_88 = tpu.memref_squeeze %dma_start3A_87 : memref<1x128x32xbf16, #tpu.memory_space<vmem>> -> memref<128x32xbf16, #tpu.memory_space<vmem>>
          %dma_start3A_89 = arith.constant 0 : i32
          %dma_start3A_90 = tpu.memref_slice %arg7[%add3A_85, %dma_start3A_89] : memref<12x128xi32, #tpu.memory_space<vmem>> -> memref<1x128xi32, #tpu.memory_space<vmem>>
          %dma_start3A_91 = tpu.memref_squeeze %dma_start3A_90 : memref<1x128xi32, #tpu.memory_space<vmem>> -> memref<128xi32, #tpu.memory_space<vmem>>
          %dma_start3A_92 = arith.constant 0 : i32
          %dma_start3A_93 = arith.constant 0 : i32
          %dma_start3A_94 = tpu.memref_slice %arg9[%dma_start3A_92, %dma_start3A_93] : memref<100096x32xbf16, #tpu.memory_space<vmem_shared>> -> memref<100096x32xbf16, #tpu.memory_space<vmem_shared>>
          tpu.enqueue_indirect_dma source(%dma_start3A_88 : memref<128x32xbf16, #tpu.memory_space<vmem>>) target(%dma_start3A_94 : memref<100096x32xbf16, #tpu.memory_space<vmem_shared>>) offsets(%dma_start3A_91 : memref<128xi32, #tpu.memory_space<vmem>>) semaphore(%run_scoped3A : memref<!tpu.dma_semaphore, #tpu.memory_space<semaphore_mem>>) {add = true}
          %dma_wait3A = arith.constant 0 : i32
          %dma_wait3A_95 = arith.constant 0 : i32
          %dma_wait3A_96 = tpu.memref_slice %arg8[%add3A_83, %dma_wait3A, %dma_wait3A_95] : memref<12x128x32xbf16, #tpu.memory_space<vmem>> -> memref<1x128x32xbf16, #tpu.memory_space<vmem>>
          %dma_wait3A_97 = tpu.memref_squeeze %dma_wait3A_96 : memref<1x128x32xbf16, #tpu.memory_space<vmem>> -> memref<128x32xbf16, #tpu.memory_space<vmem>>
          %dma_wait3A_98 = arith.constant 0 : i32
          %dma_wait3A_99 = tpu.memref_slice %arg7[%add3A_85, %dma_wait3A_98] : memref<12x128xi32, #tpu.memory_space<vmem>> -> memref<1x128xi32, #tpu.memory_space<vmem>>
          %dma_wait3A_100 = tpu.memref_squeeze %dma_wait3A_99 : memref<1x128xi32, #tpu.memory_space<vmem>> -> memref<128xi32, #tpu.memory_space<vmem>>
          %dma_wait3A_101 = arith.constant 0 : i32
          %dma_wait3A_102 = arith.constant 0 : i32
          %dma_wait3A_103 = tpu.memref_slice %arg9[%dma_wait3A_101, %dma_wait3A_102] : memref<100096x32xbf16, #tpu.memory_space<vmem_shared>> -> memref<100096x32xbf16, #tpu.memory_space<vmem_shared>>
          tpu.wait_indirect_dma semaphore(%run_scoped3A : memref<!tpu.dma_semaphore, #tpu.memory_space<semaphore_mem>>) src(%dma_wait3A_97 : memref<128x32xbf16, #tpu.memory_space<vmem>>) dst(%dma_wait3A_103 : memref<100096x32xbf16, #tpu.memory_space<vmem_shared>>)
          tpu.yield
        }) : () -> ()
      }
      %scan3A_80 = arith.constant 6 : i32
    }
    %scan3A_29 = arith.constant 66 : i32
    %barrier3A_30 = arith.constant 0 : index
    tpu.barrier barrier_id(%barrier3A_30)
    %mul3A_31 = arith.constant 6256 : i32
    %mul3A_32 = arith.muli %arg1, %mul3A_31 : i32
    %mul3A_33 = arith.constant 6256 : i32
    %mul3A_34 = arith.muli %arg1, %mul3A_33 : i32
    %mul3A_35 = arith.constant 32 : i32
    %mul3A_36 = arith.muli %arg0, %mul3A_35 : i32
    "tpu.region"() ({
      %run_scoped3A = tpu.sem_alloc : memref<!tpu.dma_semaphore, #tpu.memory_space<semaphore_mem>>
      %dma_start3A = tpu.memref_slice %arg5[%mul3A_34, %mul3A_36] : memref<100096x64xbf16, #tpu.memory_space<hbm>> -> memref<6256x32xbf16, #tpu.memory_space<hbm>>
      %dma_start3A_37 = arith.constant 0 : i32
      %dma_start3A_38 = tpu.memref_slice %arg9[%mul3A_32, %dma_start3A_37] : memref<100096x32xbf16, #tpu.memory_space<vmem_shared>> -> memref<6256x32xbf16, #tpu.memory_space<vmem_shared>>
      tpu.enqueue_dma source(%dma_start3A_38 : memref<6256x32xbf16, #tpu.memory_space<vmem_shared>>) target(%dma_start3A : memref<6256x32xbf16, #tpu.memory_space<hbm>>) target_semaphore(%run_scoped3A : memref<!tpu.dma_semaphore, #tpu.memory_space<semaphore_mem>>)
      %dma_wait3A = tpu.memref_slice %arg5[%mul3A_34, %mul3A_36] : memref<100096x64xbf16, #tpu.memory_space<hbm>> -> memref<6256x32xbf16, #tpu.memory_space<hbm>>
      %dma_wait3A_39 = arith.constant 0 : i32
      %dma_wait3A_40 = tpu.memref_slice %arg9[%mul3A_32, %dma_wait3A_39] : memref<100096x32xbf16, #tpu.memory_space<vmem_shared>> -> memref<6256x32xbf16, #tpu.memory_space<vmem_shared>>
      tpu.wait_dma2 semaphore(%run_scoped3A : memref<!tpu.dma_semaphore, #tpu.memory_space<semaphore_mem>>) src(%dma_wait3A_40 : memref<6256x32xbf16, #tpu.memory_space<vmem_shared>>) dst(%dma_wait3A : memref<6256x32xbf16, #tpu.memory_space<hbm>>)
      tpu.yield
    }) : () -> ()
    return
  }
}

#map = affine_map<(d0, d1) -> (0, 0)>
module attributes {stable_mosaic.version = 14 : i64} {
  func.func @_deg_kernel(%arg0: i32, %arg1: i32, %arg2: memref<12672x128xi32, #tpu.memory_space<hbm>>, %arg3: memref<100096x32xf32, #tpu.memory_space<hbm>>, %arg4: memref<128x16xf32, #tpu.memory_space<vmem>>, %arg5: memref<12x128xi32, #tpu.memory_space<vmem>>, %arg6: memref<100096x16xf32, #tpu.memory_space<vmem_shared>>) attributes {dimension_semantics = [#tpu.dimension_semantics<core_parallel>, #tpu.dimension_semantics<subcore_parallel>], iteration_bounds = array<i64: 2, 16>, scalar_prefetch = 0 : i64, scratch_operands = 3 : i64, tpu.core_type = #tpu.core_type<sc_vector_subcore>, window_params = [{transform_indices = #map}, {transform_indices = #map}]} {
    %scan3A = arith.constant 0 : i32
    %scan3A_0 = arith.constant 0 : i32
    %scan3A_1 = arith.constant 128 : i32
    %scan3A_2 = arith.addi %scan3A_0, %scan3A_1 : i32
    %scan3A_3 = arith.constant 1 : i32
    scf.for %scan3A_30 = %scan3A_0 to %scan3A_2 step %scan3A_3  : i32 {
      %broadcast_in_dim3A = arith.constant 0.000000e+00 : f32
      %broadcast_in_dim3A_31 = vector.broadcast %broadcast_in_dim3A : f32 to vector<16xf32>
      %swap3A = arith.index_cast %scan3A_30 : i32 to index
      %swap3A_32 = arith.constant 0 : index
      %swap3A_33 = tpu.vector_load %arg4[%swap3A, %swap3A_32] {strides = array<i32>} : memref<128x16xf32, #tpu.memory_space<vmem>>, vector<1x16xf32>,
      %swap3A_34 = vector.shape_cast %swap3A_33 : vector<1x16xf32> to vector<16xf32>
      %swap3A_35 = vector.shape_cast %broadcast_in_dim3A_31 : vector<16xf32> to vector<1x16xf32>
      tpu.vector_store %arg4[%swap3A, %swap3A_32], %swap3A_35 {strides = array<i32>} : memref<128x16xf32, #tpu.memory_space<vmem>>, vector<1x16xf32>,
    }
    %scan3A_4 = arith.constant 128 : i32
    %scan3A_5 = arith.constant 0 : i32
    %scan3A_6 = arith.constant 0 : i32
    %scan3A_7 = arith.constant 0 : i32
    %scan3A_8 = arith.constant 49 : i32
    %scan3A_9 = arith.addi %scan3A_7, %scan3A_8 : i32
    %scan3A_10 = arith.constant 1 : i32
    scf.for %scan3A_30 = %scan3A_7 to %scan3A_9 step %scan3A_10  : i32 {
      %mul3A_31 = arith.constant 6256 : i32
      %mul3A_32 = arith.muli %arg1, %mul3A_31 : i32
      %mul3A_33 = arith.constant 128 : i32
      %mul3A_34 = arith.muli %scan3A_30, %mul3A_33 : i32
      %add3A = arith.addi %mul3A_32, %mul3A_34 : i32
      %min3A = arith.constant 99968 : i32
      %min3A_35 = arith.minsi %add3A, %min3A : i32
      %scan3A_36 = arith.constant 0 : i32
      %scan3A_37 = arith.constant 0 : i32
      %scan3A_38 = arith.constant 8 : i32
      %scan3A_39 = arith.addi %scan3A_37, %scan3A_38 : i32
      %scan3A_40 = arith.constant 1 : i32
      scf.for %scan3A_42 = %scan3A_37 to %scan3A_39 step %scan3A_40  : i32 {
        %iota3A = tpu.iota {dimensions = array<i32: 0>} : vector<16xi32>
        %mul3A_43 = arith.constant 16 : i32
        %mul3A_44 = arith.muli %scan3A_42, %mul3A_43 : i32
        %add3A_45 = arith.addi %min3A_35, %mul3A_44 : i32
        %add3A_46 = vector.broadcast %add3A_45 : i32 to vector<16xi32>
        %add3A_47 = arith.addi %iota3A, %add3A_46 : vector<16xi32>
        %mul3A_48 = arith.constant 16 : i32
        %mul3A_49 = arith.muli %scan3A_42, %mul3A_48 : i32
        %swap3A = arith.constant 0 : i32
        %swap3A_50 = tpu.memref_slice %arg5[%scan3A_6, %swap3A] : memref<12x128xi32, #tpu.memory_space<vmem>> -> memref<1x128xi32, #tpu.memory_space<vmem>>
        %swap3A_51 = tpu.memref_squeeze %swap3A_50 : memref<1x128xi32, #tpu.memory_space<vmem>> -> memref<128xi32, #tpu.memory_space<vmem>>
        %swap3A_52 = arith.index_cast %mul3A_49 : i32 to index
        %swap3A_53 = tpu.vector_load %swap3A_51[%swap3A_52] {strides = array<i32>} : memref<128xi32, #tpu.memory_space<vmem>>, vector<16xi32>,
        %swap3A_54 = vector.shape_cast %swap3A_53 : vector<16xi32> to vector<16xi32>
        %swap3A_55 = vector.shape_cast %add3A_47 : vector<16xi32> to vector<16xi32>
        tpu.vector_store %swap3A_51[%swap3A_52], %swap3A_55 {strides = array<i32>} : memref<128xi32, #tpu.memory_space<vmem>>, vector<16xi32>,
      }
      %scan3A_41 = arith.constant 8 : i32
      "tpu.region"() ({
        %run_scoped3A = tpu.sem_alloc : memref<!tpu.dma_semaphore, #tpu.memory_space<semaphore_mem>>
        %dma_start3A = arith.constant 0 : i32
        %dma_start3A_42 = tpu.memref_slice %arg5[%scan3A_6, %dma_start3A] : memref<12x128xi32, #tpu.memory_space<vmem>> -> memref<1x128xi32, #tpu.memory_space<vmem>>
        %dma_start3A_43 = tpu.memref_squeeze %dma_start3A_42 : memref<1x128xi32, #tpu.memory_space<vmem>> -> memref<128xi32, #tpu.memory_space<vmem>>
        %dma_start3A_44 = arith.constant 0 : i32
        %dma_start3A_45 = arith.constant 0 : i32
        %dma_start3A_46 = tpu.memref_slice %arg6[%dma_start3A_44, %dma_start3A_45] : memref<100096x16xf32, #tpu.memory_space<vmem_shared>> -> memref<100096x16xf32, #tpu.memory_space<vmem_shared>>
        tpu.enqueue_indirect_dma source(%arg4 : memref<128x16xf32, #tpu.memory_space<vmem>>) target(%dma_start3A_46 : memref<100096x16xf32, #tpu.memory_space<vmem_shared>>) offsets(%dma_start3A_43 : memref<128xi32, #tpu.memory_space<vmem>>) semaphore(%run_scoped3A : memref<!tpu.dma_semaphore, #tpu.memory_space<semaphore_mem>>)
        %dma_wait3A = arith.constant 0 : i32
        %dma_wait3A_47 = tpu.memref_slice %arg5[%scan3A_6, %dma_wait3A] : memref<12x128xi32, #tpu.memory_space<vmem>> -> memref<1x128xi32, #tpu.memory_space<vmem>>
        %dma_wait3A_48 = tpu.memref_squeeze %dma_wait3A_47 : memref<1x128xi32, #tpu.memory_space<vmem>> -> memref<128xi32, #tpu.memory_space<vmem>>
        %dma_wait3A_49 = arith.constant 0 : i32
        %dma_wait3A_50 = arith.constant 0 : i32
        %dma_wait3A_51 = tpu.memref_slice %arg6[%dma_wait3A_49, %dma_wait3A_50] : memref<100096x16xf32, #tpu.memory_space<vmem_shared>> -> memref<100096x16xf32, #tpu.memory_space<vmem_shared>>
        tpu.wait_indirect_dma semaphore(%run_scoped3A : memref<!tpu.dma_semaphore, #tpu.memory_space<semaphore_mem>>) src(%arg4 : memref<128x16xf32, #tpu.memory_space<vmem>>) dst(%dma_wait3A_51 : memref<100096x16xf32, #tpu.memory_space<vmem_shared>>)
        tpu.yield
      }) : () -> ()
    }
    %scan3A_11 = arith.constant 49 : i32
    %barrier3A = arith.constant 0 : index
    tpu.barrier barrier_id(%barrier3A)
    %scan3A_12 = arith.constant 0 : i32
    %scan3A_13 = arith.constant 0 : i32
    %scan3A_14 = arith.constant 128 : i32
    %scan3A_15 = arith.addi %scan3A_13, %scan3A_14 : i32
    %scan3A_16 = arith.constant 1 : i32
    scf.for %scan3A_30 = %scan3A_13 to %scan3A_15 step %scan3A_16  : i32 {
      %broadcast_in_dim3A = arith.constant 1.000000e+00 : f32
      %broadcast_in_dim3A_31 = vector.broadcast %broadcast_in_dim3A : f32 to vector<16xf32>
      %swap3A = arith.index_cast %scan3A_30 : i32 to index
      %swap3A_32 = arith.constant 0 : index
      %swap3A_33 = tpu.vector_load %arg4[%swap3A, %swap3A_32] {strides = array<i32>} : memref<128x16xf32, #tpu.memory_space<vmem>>, vector<1x16xf32>,
      %swap3A_34 = vector.shape_cast %swap3A_33 : vector<1x16xf32> to vector<16xf32>
      %swap3A_35 = vector.shape_cast %broadcast_in_dim3A_31 : vector<16xf32> to vector<1x16xf32>
      tpu.vector_store %arg4[%swap3A, %swap3A_32], %swap3A_35 {strides = array<i32>} : memref<128x16xf32, #tpu.memory_space<vmem>>, vector<1x16xf32>,
    }
    %scan3A_17 = arith.constant 128 : i32
    %scan3A_18 = arith.constant 0 : i32
    %scan3A_19 = arith.constant 0 : i32
    %scan3A_20 = arith.constant 33 : i32
    %scan3A_21 = arith.addi %scan3A_19, %scan3A_20 : i32
    %scan3A_22 = arith.constant 1 : i32
    scf.for %scan3A_30 = %scan3A_19 to %scan3A_21 step %scan3A_22  : i32 {
      %mul3A_31 = arith.constant 6336 : i32
      %mul3A_32 = arith.muli %arg0, %mul3A_31 : i32
      %mul3A_33 = arith.constant 396 : i32
      %mul3A_34 = arith.muli %arg1, %mul3A_33 : i32
      %add3A = arith.addi %mul3A_32, %mul3A_34 : i32
      %mul3A_35 = arith.constant 12 : i32
      %mul3A_36 = arith.muli %scan3A_30, %mul3A_35 : i32
      %add3A_37 = arith.addi %add3A, %mul3A_36 : i32
      "tpu.region"() ({
        %run_scoped3A_49 = tpu.sem_alloc : memref<!tpu.dma_semaphore, #tpu.memory_space<semaphore_mem>>
        %dma_start3A = arith.constant 0 : i32
        %dma_start3A_50 = tpu.memref_slice %arg2[%add3A_37, %dma_start3A] : memref<12672x128xi32, #tpu.memory_space<hbm>> -> memref<12x128xi32, #tpu.memory_space<hbm>>
        %dma_start3A_51 = arith.constant 0 : i32
        %dma_start3A_52 = tpu.memref_slice %arg2[%add3A_37, %dma_start3A_51] : memref<12672x128xi32, #tpu.memory_space<hbm>> -> memref<12x128xi32, #tpu.memory_space<hbm>>
        tpu.enqueue_dma source(%dma_start3A_52 : memref<12x128xi32, #tpu.memory_space<hbm>>) target(%arg5 : memref<12x128xi32, #tpu.memory_space<vmem>>) target_semaphore(%run_scoped3A_49 : memref<!tpu.dma_semaphore, #tpu.memory_space<semaphore_mem>>)
        %dma_wait3A = arith.constant 0 : i32
        %dma_wait3A_53 = tpu.memref_slice %arg2[%add3A_37, %dma_wait3A] : memref<12672x128xi32, #tpu.memory_space<hbm>> -> memref<12x128xi32, #tpu.memory_space<hbm>>
        %dma_wait3A_54 = arith.constant 0 : i32
        %dma_wait3A_55 = tpu.memref_slice %arg2[%add3A_37, %dma_wait3A_54] : memref<12672x128xi32, #tpu.memory_space<hbm>> -> memref<12x128xi32, #tpu.memory_space<hbm>>
        tpu.wait_dma2 semaphore(%run_scoped3A_49 : memref<!tpu.dma_semaphore, #tpu.memory_space<semaphore_mem>>) src(%dma_wait3A_55 : memref<12x128xi32, #tpu.memory_space<hbm>>) dst(%arg5 : memref<12x128xi32, #tpu.memory_space<vmem>>)
        tpu.yield
      }) : () -> ()
      %run_scoped3A = arith.constant 0 : i32
      "tpu.region"() ({
        %run_scoped3A_49 = tpu.sem_alloc : memref<!tpu.dma_semaphore, #tpu.memory_space<semaphore_mem>>
        %dma_start3A = arith.constant 0 : i32
        %dma_start3A_50 = tpu.memref_slice %arg5[%run_scoped3A, %dma_start3A] : memref<12x128xi32, #tpu.memory_space<vmem>> -> memref<1x128xi32, #tpu.memory_space<vmem>>
        %dma_start3A_51 = tpu.memref_squeeze %dma_start3A_50 : memref<1x128xi32, #tpu.memory_space<vmem>> -> memref<128xi32, #tpu.memory_space<vmem>>
        %dma_start3A_52 = arith.constant 0 : i32
        %dma_start3A_53 = arith.constant 0 : i32
        %dma_start3A_54 = tpu.memref_slice %arg6[%dma_start3A_52, %dma_start3A_53] : memref<100096x16xf32, #tpu.memory_space<vmem_shared>> -> memref<100096x16xf32, #tpu.memory_space<vmem_shared>>
        tpu.enqueue_indirect_dma source(%arg4 : memref<128x16xf32, #tpu.memory_space<vmem>>) target(%dma_start3A_54 : memref<100096x16xf32, #tpu.memory_space<vmem_shared>>) offsets(%dma_start3A_51 : memref<128xi32, #tpu.memory_space<vmem>>) semaphore(%run_scoped3A_49 : memref<!tpu.dma_semaphore, #tpu.memory_space<semaphore_mem>>) {add = true}
        %dma_wait3A = arith.constant 0 : i32
        %dma_wait3A_55 = tpu.memref_slice %arg5[%run_scoped3A, %dma_wait3A] : memref<12x128xi32, #tpu.memory_space<vmem>> -> memref<1x128xi32, #tpu.memory_space<vmem>>
        %dma_wait3A_56 = tpu.memref_squeeze %dma_wait3A_55 : memref<1x128xi32, #tpu.memory_space<vmem>> -> memref<128xi32, #tpu.memory_space<vmem>>
        %dma_wait3A_57 = arith.constant 0 : i32
        %dma_wait3A_58 = arith.constant 0 : i32
        %dma_wait3A_59 = tpu.memref_slice %arg6[%dma_wait3A_57, %dma_wait3A_58] : memref<100096x16xf32, #tpu.memory_space<vmem_shared>> -> memref<100096x16xf32, #tpu.memory_space<vmem_shared>>
        tpu.wait_indirect_dma semaphore(%run_scoped3A_49 : memref<!tpu.dma_semaphore, #tpu.memory_space<semaphore_mem>>) src(%arg4 : memref<128x16xf32, #tpu.memory_space<vmem>>) dst(%dma_wait3A_59 : memref<100096x16xf32, #tpu.memory_space<vmem_shared>>)
        tpu.yield
      }) : () -> ()
      %run_scoped3A_38 = arith.constant 1 : i32
      "tpu.region"() ({
        %run_scoped3A_49 = tpu.sem_alloc : memref<!tpu.dma_semaphore, #tpu.memory_space<semaphore_mem>>
        %dma_start3A = arith.constant 0 : i32
        %dma_start3A_50 = tpu.memref_slice %arg5[%run_scoped3A_38, %dma_start3A] : memref<12x128xi32, #tpu.memory_space<vmem>> -> memref<1x128xi32, #tpu.memory_space<vmem>>
        %dma_start3A_51 = tpu.memref_squeeze %dma_start3A_50 : memref<1x128xi32, #tpu.memory_space<vmem>> -> memref<128xi32, #tpu.memory_space<vmem>>
        %dma_start3A_52 = arith.constant 0 : i32
        %dma_start3A_53 = arith.constant 0 : i32
        %dma_start3A_54 = tpu.memref_slice %arg6[%dma_start3A_52, %dma_start3A_53] : memref<100096x16xf32, #tpu.memory_space<vmem_shared>> -> memref<100096x16xf32, #tpu.memory_space<vmem_shared>>
        tpu.enqueue_indirect_dma source(%arg4 : memref<128x16xf32, #tpu.memory_space<vmem>>) target(%dma_start3A_54 : memref<100096x16xf32, #tpu.memory_space<vmem_shared>>) offsets(%dma_start3A_51 : memref<128xi32, #tpu.memory_space<vmem>>) semaphore(%run_scoped3A_49 : memref<!tpu.dma_semaphore, #tpu.memory_space<semaphore_mem>>) {add = true}
        %dma_wait3A = arith.constant 0 : i32
        %dma_wait3A_55 = tpu.memref_slice %arg5[%run_scoped3A_38, %dma_wait3A] : memref<12x128xi32, #tpu.memory_space<vmem>> -> memref<1x128xi32, #tpu.memory_space<vmem>>
        %dma_wait3A_56 = tpu.memref_squeeze %dma_wait3A_55 : memref<1x128xi32, #tpu.memory_space<vmem>> -> memref<128xi32, #tpu.memory_space<vmem>>
        %dma_wait3A_57 = arith.constant 0 : i32
        %dma_wait3A_58 = arith.constant 0 : i32
        %dma_wait3A_59 = tpu.memref_slice %arg6[%dma_wait3A_57, %dma_wait3A_58] : memref<100096x16xf32, #tpu.memory_space<vmem_shared>> -> memref<100096x16xf32, #tpu.memory_space<vmem_shared>>
        tpu.wait_indirect_dma semaphore(%run_scoped3A_49 : memref<!tpu.dma_semaphore, #tpu.memory_space<semaphore_mem>>) src(%arg4 : memref<128x16xf32, #tpu.memory_space<vmem>>) dst(%dma_wait3A_59 : memref<100096x16xf32, #tpu.memory_space<vmem_shared>>)
        tpu.yield
      }) : () -> ()
      %run_scoped3A_39 = arith.constant 2 : i32
      "tpu.region"() ({
        %run_scoped3A_49 = tpu.sem_alloc : memref<!tpu.dma_semaphore, #tpu.memory_space<semaphore_mem>>
        %dma_start3A = arith.constant 0 : i32
        %dma_start3A_50 = tpu.memref_slice %arg5[%run_scoped3A_39, %dma_start3A] : memref<12x128xi32, #tpu.memory_space<vmem>> -> memref<1x128xi32, #tpu.memory_space<vmem>>
        %dma_start3A_51 = tpu.memref_squeeze %dma_start3A_50 : memref<1x128xi32, #tpu.memory_space<vmem>> -> memref<128xi32, #tpu.memory_space<vmem>>
        %dma_start3A_52 = arith.constant 0 : i32
        %dma_start3A_53 = arith.constant 0 : i32
        %dma_start3A_54 = tpu.memref_slice %arg6[%dma_start3A_52, %dma_start3A_53] : memref<100096x16xf32, #tpu.memory_space<vmem_shared>> -> memref<100096x16xf32, #tpu.memory_space<vmem_shared>>
        tpu.enqueue_indirect_dma source(%arg4 : memref<128x16xf32, #tpu.memory_space<vmem>>) target(%dma_start3A_54 : memref<100096x16xf32, #tpu.memory_space<vmem_shared>>) offsets(%dma_start3A_51 : memref<128xi32, #tpu.memory_space<vmem>>) semaphore(%run_scoped3A_49 : memref<!tpu.dma_semaphore, #tpu.memory_space<semaphore_mem>>) {add = true}
        %dma_wait3A = arith.constant 0 : i32
        %dma_wait3A_55 = tpu.memref_slice %arg5[%run_scoped3A_39, %dma_wait3A] : memref<12x128xi32, #tpu.memory_space<vmem>> -> memref<1x128xi32, #tpu.memory_space<vmem>>
        %dma_wait3A_56 = tpu.memref_squeeze %dma_wait3A_55 : memref<1x128xi32, #tpu.memory_space<vmem>> -> memref<128xi32, #tpu.memory_space<vmem>>
        %dma_wait3A_57 = arith.constant 0 : i32
        %dma_wait3A_58 = arith.constant 0 : i32
        %dma_wait3A_59 = tpu.memref_slice %arg6[%dma_wait3A_57, %dma_wait3A_58] : memref<100096x16xf32, #tpu.memory_space<vmem_shared>> -> memref<100096x16xf32, #tpu.memory_space<vmem_shared>>
        tpu.wait_indirect_dma semaphore(%run_scoped3A_49 : memref<!tpu.dma_semaphore, #tpu.memory_space<semaphore_mem>>) src(%arg4 : memref<128x16xf32, #tpu.memory_space<vmem>>) dst(%dma_wait3A_59 : memref<100096x16xf32, #tpu.memory_space<vmem_shared>>)
        tpu.yield
      }) : () -> ()
      %run_scoped3A_40 = arith.constant 3 : i32
      "tpu.region"() ({
        %run_scoped3A_49 = tpu.sem_alloc : memref<!tpu.dma_semaphore, #tpu.memory_space<semaphore_mem>>
        %dma_start3A = arith.constant 0 : i32
        %dma_start3A_50 = tpu.memref_slice %arg5[%run_scoped3A_40, %dma_start3A] : memref<12x128xi32, #tpu.memory_space<vmem>> -> memref<1x128xi32, #tpu.memory_space<vmem>>
        %dma_start3A_51 = tpu.memref_squeeze %dma_start3A_50 : memref<1x128xi32, #tpu.memory_space<vmem>> -> memref<128xi32, #tpu.memory_space<vmem>>
        %dma_start3A_52 = arith.constant 0 : i32
        %dma_start3A_53 = arith.constant 0 : i32
        %dma_start3A_54 = tpu.memref_slice %arg6[%dma_start3A_52, %dma_start3A_53] : memref<100096x16xf32, #tpu.memory_space<vmem_shared>> -> memref<100096x16xf32, #tpu.memory_space<vmem_shared>>
        tpu.enqueue_indirect_dma source(%arg4 : memref<128x16xf32, #tpu.memory_space<vmem>>) target(%dma_start3A_54 : memref<100096x16xf32, #tpu.memory_space<vmem_shared>>) offsets(%dma_start3A_51 : memref<128xi32, #tpu.memory_space<vmem>>) semaphore(%run_scoped3A_49 : memref<!tpu.dma_semaphore, #tpu.memory_space<semaphore_mem>>) {add = true}
        %dma_wait3A = arith.constant 0 : i32
        %dma_wait3A_55 = tpu.memref_slice %arg5[%run_scoped3A_40, %dma_wait3A] : memref<12x128xi32, #tpu.memory_space<vmem>> -> memref<1x128xi32, #tpu.memory_space<vmem>>
        %dma_wait3A_56 = tpu.memref_squeeze %dma_wait3A_55 : memref<1x128xi32, #tpu.memory_space<vmem>> -> memref<128xi32, #tpu.memory_space<vmem>>
        %dma_wait3A_57 = arith.constant 0 : i32
        %dma_wait3A_58 = arith.constant 0 : i32
        %dma_wait3A_59 = tpu.memref_slice %arg6[%dma_wait3A_57, %dma_wait3A_58] : memref<100096x16xf32, #tpu.memory_space<vmem_shared>> -> memref<100096x16xf32, #tpu.memory_space<vmem_shared>>
        tpu.wait_indirect_dma semaphore(%run_scoped3A_49 : memref<!tpu.dma_semaphore, #tpu.memory_space<semaphore_mem>>) src(%arg4 : memref<128x16xf32, #tpu.memory_space<vmem>>) dst(%dma_wait3A_59 : memref<100096x16xf32, #tpu.memory_space<vmem_shared>>)
        tpu.yield
      }) : () -> ()
      %run_scoped3A_41 = arith.constant 4 : i32
      "tpu.region"() ({
        %run_scoped3A_49 = tpu.sem_alloc : memref<!tpu.dma_semaphore, #tpu.memory_space<semaphore_mem>>
        %dma_start3A = arith.constant 0 : i32
        %dma_start3A_50 = tpu.memref_slice %arg5[%run_scoped3A_41, %dma_start3A] : memref<12x128xi32, #tpu.memory_space<vmem>> -> memref<1x128xi32, #tpu.memory_space<vmem>>
        %dma_start3A_51 = tpu.memref_squeeze %dma_start3A_50 : memref<1x128xi32, #tpu.memory_space<vmem>> -> memref<128xi32, #tpu.memory_space<vmem>>
        %dma_start3A_52 = arith.constant 0 : i32
        %dma_start3A_53 = arith.constant 0 : i32
        %dma_start3A_54 = tpu.memref_slice %arg6[%dma_start3A_52, %dma_start3A_53] : memref<100096x16xf32, #tpu.memory_space<vmem_shared>> -> memref<100096x16xf32, #tpu.memory_space<vmem_shared>>
        tpu.enqueue_indirect_dma source(%arg4 : memref<128x16xf32, #tpu.memory_space<vmem>>) target(%dma_start3A_54 : memref<100096x16xf32, #tpu.memory_space<vmem_shared>>) offsets(%dma_start3A_51 : memref<128xi32, #tpu.memory_space<vmem>>) semaphore(%run_scoped3A_49 : memref<!tpu.dma_semaphore, #tpu.memory_space<semaphore_mem>>) {add = true}
        %dma_wait3A = arith.constant 0 : i32
        %dma_wait3A_55 = tpu.memref_slice %arg5[%run_scoped3A_41, %dma_wait3A] : memref<12x128xi32, #tpu.memory_space<vmem>> -> memref<1x128xi32, #tpu.memory_space<vmem>>
        %dma_wait3A_56 = tpu.memref_squeeze %dma_wait3A_55 : memref<1x128xi32, #tpu.memory_space<vmem>> -> memref<128xi32, #tpu.memory_space<vmem>>
        %dma_wait3A_57 = arith.constant 0 : i32
        %dma_wait3A_58 = arith.constant 0 : i32
        %dma_wait3A_59 = tpu.memref_slice %arg6[%dma_wait3A_57, %dma_wait3A_58] : memref<100096x16xf32, #tpu.memory_space<vmem_shared>> -> memref<100096x16xf32, #tpu.memory_space<vmem_shared>>
        tpu.wait_indirect_dma semaphore(%run_scoped3A_49 : memref<!tpu.dma_semaphore, #tpu.memory_space<semaphore_mem>>) src(%arg4 : memref<128x16xf32, #tpu.memory_space<vmem>>) dst(%dma_wait3A_59 : memref<100096x16xf32, #tpu.memory_space<vmem_shared>>)
        tpu.yield
      }) : () -> ()
      %run_scoped3A_42 = arith.constant 5 : i32
      "tpu.region"() ({
        %run_scoped3A_49 = tpu.sem_alloc : memref<!tpu.dma_semaphore, #tpu.memory_space<semaphore_mem>>
        %dma_start3A = arith.constant 0 : i32
        %dma_start3A_50 = tpu.memref_slice %arg5[%run_scoped3A_42, %dma_start3A] : memref<12x128xi32, #tpu.memory_space<vmem>> -> memref<1x128xi32, #tpu.memory_space<vmem>>
        %dma_start3A_51 = tpu.memref_squeeze %dma_start3A_50 : memref<1x128xi32, #tpu.memory_space<vmem>> -> memref<128xi32, #tpu.memory_space<vmem>>
        %dma_start3A_52 = arith.constant 0 : i32
        %dma_start3A_53 = arith.constant 0 : i32
        %dma_start3A_54 = tpu.memref_slice %arg6[%dma_start3A_52, %dma_start3A_53] : memref<100096x16xf32, #tpu.memory_space<vmem_shared>> -> memref<100096x16xf32, #tpu.memory_space<vmem_shared>>
        tpu.enqueue_indirect_dma source(%arg4 : memref<128x16xf32, #tpu.memory_space<vmem>>) target(%dma_start3A_54 : memref<100096x16xf32, #tpu.memory_space<vmem_shared>>) offsets(%dma_start3A_51 : memref<128xi32, #tpu.memory_space<vmem>>) semaphore(%run_scoped3A_49 : memref<!tpu.dma_semaphore, #tpu.memory_space<semaphore_mem>>) {add = true}
        %dma_wait3A = arith.constant 0 : i32
        %dma_wait3A_55 = tpu.memref_slice %arg5[%run_scoped3A_42, %dma_wait3A] : memref<12x128xi32, #tpu.memory_space<vmem>> -> memref<1x128xi32, #tpu.memory_space<vmem>>
        %dma_wait3A_56 = tpu.memref_squeeze %dma_wait3A_55 : memref<1x128xi32, #tpu.memory_space<vmem>> -> memref<128xi32, #tpu.memory_space<vmem>>
        %dma_wait3A_57 = arith.constant 0 : i32
        %dma_wait3A_58 = arith.constant 0 : i32
        %dma_wait3A_59 = tpu.memref_slice %arg6[%dma_wait3A_57, %dma_wait3A_58] : memref<100096x16xf32, #tpu.memory_space<vmem_shared>> -> memref<100096x16xf32, #tpu.memory_space<vmem_shared>>
        tpu.wait_indirect_dma semaphore(%run_scoped3A_49 : memref<!tpu.dma_semaphore, #tpu.memory_space<semaphore_mem>>) src(%arg4 : memref<128x16xf32, #tpu.memory_space<vmem>>) dst(%dma_wait3A_59 : memref<100096x16xf32, #tpu.memory_space<vmem_shared>>)
        tpu.yield
      }) : () -> ()
      %run_scoped3A_43 = arith.constant 6 : i32
      "tpu.region"() ({
        %run_scoped3A_49 = tpu.sem_alloc : memref<!tpu.dma_semaphore, #tpu.memory_space<semaphore_mem>>
        %dma_start3A = arith.constant 0 : i32
        %dma_start3A_50 = tpu.memref_slice %arg5[%run_scoped3A_43, %dma_start3A] : memref<12x128xi32, #tpu.memory_space<vmem>> -> memref<1x128xi32, #tpu.memory_space<vmem>>
        %dma_start3A_51 = tpu.memref_squeeze %dma_start3A_50 : memref<1x128xi32, #tpu.memory_space<vmem>> -> memref<128xi32, #tpu.memory_space<vmem>>
        %dma_start3A_52 = arith.constant 0 : i32
        %dma_start3A_53 = arith.constant 0 : i32
        %dma_start3A_54 = tpu.memref_slice %arg6[%dma_start3A_52, %dma_start3A_53] : memref<100096x16xf32, #tpu.memory_space<vmem_shared>> -> memref<100096x16xf32, #tpu.memory_space<vmem_shared>>
        tpu.enqueue_indirect_dma source(%arg4 : memref<128x16xf32, #tpu.memory_space<vmem>>) target(%dma_start3A_54 : memref<100096x16xf32, #tpu.memory_space<vmem_shared>>) offsets(%dma_start3A_51 : memref<128xi32, #tpu.memory_space<vmem>>) semaphore(%run_scoped3A_49 : memref<!tpu.dma_semaphore, #tpu.memory_space<semaphore_mem>>) {add = true}
        %dma_wait3A = arith.constant 0 : i32
        %dma_wait3A_55 = tpu.memref_slice %arg5[%run_scoped3A_43, %dma_wait3A] : memref<12x128xi32, #tpu.memory_space<vmem>> -> memref<1x128xi32, #tpu.memory_space<vmem>>
        %dma_wait3A_56 = tpu.memref_squeeze %dma_wait3A_55 : memref<1x128xi32, #tpu.memory_space<vmem>> -> memref<128xi32, #tpu.memory_space<vmem>>
        %dma_wait3A_57 = arith.constant 0 : i32
        %dma_wait3A_58 = arith.constant 0 : i32
        %dma_wait3A_59 = tpu.memref_slice %arg6[%dma_wait3A_57, %dma_wait3A_58] : memref<100096x16xf32, #tpu.memory_space<vmem_shared>> -> memref<100096x16xf32, #tpu.memory_space<vmem_shared>>
        tpu.wait_indirect_dma semaphore(%run_scoped3A_49 : memref<!tpu.dma_semaphore, #tpu.memory_space<semaphore_mem>>) src(%arg4 : memref<128x16xf32, #tpu.memory_space<vmem>>) dst(%dma_wait3A_59 : memref<100096x16xf32, #tpu.memory_space<vmem_shared>>)
        tpu.yield
      }) : () -> ()
      %run_scoped3A_44 = arith.constant 7 : i32
      "tpu.region"() ({
        %run_scoped3A_49 = tpu.sem_alloc : memref<!tpu.dma_semaphore, #tpu.memory_space<semaphore_mem>>
        %dma_start3A = arith.constant 0 : i32
        %dma_start3A_50 = tpu.memref_slice %arg5[%run_scoped3A_44, %dma_start3A] : memref<12x128xi32, #tpu.memory_space<vmem>> -> memref<1x128xi32, #tpu.memory_space<vmem>>
        %dma_start3A_51 = tpu.memref_squeeze %dma_start3A_50 : memref<1x128xi32, #tpu.memory_space<vmem>> -> memref<128xi32, #tpu.memory_space<vmem>>
        %dma_start3A_52 = arith.constant 0 : i32
        %dma_start3A_53 = arith.constant 0 : i32
        %dma_start3A_54 = tpu.memref_slice %arg6[%dma_start3A_52, %dma_start3A_53] : memref<100096x16xf32, #tpu.memory_space<vmem_shared>> -> memref<100096x16xf32, #tpu.memory_space<vmem_shared>>
        tpu.enqueue_indirect_dma source(%arg4 : memref<128x16xf32, #tpu.memory_space<vmem>>) target(%dma_start3A_54 : memref<100096x16xf32, #tpu.memory_space<vmem_shared>>) offsets(%dma_start3A_51 : memref<128xi32, #tpu.memory_space<vmem>>) semaphore(%run_scoped3A_49 : memref<!tpu.dma_semaphore, #tpu.memory_space<semaphore_mem>>) {add = true}
        %dma_wait3A = arith.constant 0 : i32
        %dma_wait3A_55 = tpu.memref_slice %arg5[%run_scoped3A_44, %dma_wait3A] : memref<12x128xi32, #tpu.memory_space<vmem>> -> memref<1x128xi32, #tpu.memory_space<vmem>>
        %dma_wait3A_56 = tpu.memref_squeeze %dma_wait3A_55 : memref<1x128xi32, #tpu.memory_space<vmem>> -> memref<128xi32, #tpu.memory_space<vmem>>
        %dma_wait3A_57 = arith.constant 0 : i32
        %dma_wait3A_58 = arith.constant 0 : i32
        %dma_wait3A_59 = tpu.memref_slice %arg6[%dma_wait3A_57, %dma_wait3A_58] : memref<100096x16xf32, #tpu.memory_space<vmem_shared>> -> memref<100096x16xf32, #tpu.memory_space<vmem_shared>>
        tpu.wait_indirect_dma semaphore(%run_scoped3A_49 : memref<!tpu.dma_semaphore, #tpu.memory_space<semaphore_mem>>) src(%arg4 : memref<128x16xf32, #tpu.memory_space<vmem>>) dst(%dma_wait3A_59 : memref<100096x16xf32, #tpu.memory_space<vmem_shared>>)
        tpu.yield
      }) : () -> ()
      %run_scoped3A_45 = arith.constant 8 : i32
      "tpu.region"() ({
        %run_scoped3A_49 = tpu.sem_alloc : memref<!tpu.dma_semaphore, #tpu.memory_space<semaphore_mem>>
        %dma_start3A = arith.constant 0 : i32
        %dma_start3A_50 = tpu.memref_slice %arg5[%run_scoped3A_45, %dma_start3A] : memref<12x128xi32, #tpu.memory_space<vmem>> -> memref<1x128xi32, #tpu.memory_space<vmem>>
        %dma_start3A_51 = tpu.memref_squeeze %dma_start3A_50 : memref<1x128xi32, #tpu.memory_space<vmem>> -> memref<128xi32, #tpu.memory_space<vmem>>
        %dma_start3A_52 = arith.constant 0 : i32
        %dma_start3A_53 = arith.constant 0 : i32
        %dma_start3A_54 = tpu.memref_slice %arg6[%dma_start3A_52, %dma_start3A_53] : memref<100096x16xf32, #tpu.memory_space<vmem_shared>> -> memref<100096x16xf32, #tpu.memory_space<vmem_shared>>
        tpu.enqueue_indirect_dma source(%arg4 : memref<128x16xf32, #tpu.memory_space<vmem>>) target(%dma_start3A_54 : memref<100096x16xf32, #tpu.memory_space<vmem_shared>>) offsets(%dma_start3A_51 : memref<128xi32, #tpu.memory_space<vmem>>) semaphore(%run_scoped3A_49 : memref<!tpu.dma_semaphore, #tpu.memory_space<semaphore_mem>>) {add = true}
        %dma_wait3A = arith.constant 0 : i32
        %dma_wait3A_55 = tpu.memref_slice %arg5[%run_scoped3A_45, %dma_wait3A] : memref<12x128xi32, #tpu.memory_space<vmem>> -> memref<1x128xi32, #tpu.memory_space<vmem>>
        %dma_wait3A_56 = tpu.memref_squeeze %dma_wait3A_55 : memref<1x128xi32, #tpu.memory_space<vmem>> -> memref<128xi32, #tpu.memory_space<vmem>>
        %dma_wait3A_57 = arith.constant 0 : i32
        %dma_wait3A_58 = arith.constant 0 : i32
        %dma_wait3A_59 = tpu.memref_slice %arg6[%dma_wait3A_57, %dma_wait3A_58] : memref<100096x16xf32, #tpu.memory_space<vmem_shared>> -> memref<100096x16xf32, #tpu.memory_space<vmem_shared>>
        tpu.wait_indirect_dma semaphore(%run_scoped3A_49 : memref<!tpu.dma_semaphore, #tpu.memory_space<semaphore_mem>>) src(%arg4 : memref<128x16xf32, #tpu.memory_space<vmem>>) dst(%dma_wait3A_59 : memref<100096x16xf32, #tpu.memory_space<vmem_shared>>)
        tpu.yield
      }) : () -> ()
      %run_scoped3A_46 = arith.constant 9 : i32
      "tpu.region"() ({
        %run_scoped3A_49 = tpu.sem_alloc : memref<!tpu.dma_semaphore, #tpu.memory_space<semaphore_mem>>
        %dma_start3A = arith.constant 0 : i32
        %dma_start3A_50 = tpu.memref_slice %arg5[%run_scoped3A_46, %dma_start3A] : memref<12x128xi32, #tpu.memory_space<vmem>> -> memref<1x128xi32, #tpu.memory_space<vmem>>
        %dma_start3A_51 = tpu.memref_squeeze %dma_start3A_50 : memref<1x128xi32, #tpu.memory_space<vmem>> -> memref<128xi32, #tpu.memory_space<vmem>>
        %dma_start3A_52 = arith.constant 0 : i32
        %dma_start3A_53 = arith.constant 0 : i32
        %dma_start3A_54 = tpu.memref_slice %arg6[%dma_start3A_52, %dma_start3A_53] : memref<100096x16xf32, #tpu.memory_space<vmem_shared>> -> memref<100096x16xf32, #tpu.memory_space<vmem_shared>>
        tpu.enqueue_indirect_dma source(%arg4 : memref<128x16xf32, #tpu.memory_space<vmem>>) target(%dma_start3A_54 : memref<100096x16xf32, #tpu.memory_space<vmem_shared>>) offsets(%dma_start3A_51 : memref<128xi32, #tpu.memory_space<vmem>>) semaphore(%run_scoped3A_49 : memref<!tpu.dma_semaphore, #tpu.memory_space<semaphore_mem>>) {add = true}
        %dma_wait3A = arith.constant 0 : i32
        %dma_wait3A_55 = tpu.memref_slice %arg5[%run_scoped3A_46, %dma_wait3A] : memref<12x128xi32, #tpu.memory_space<vmem>> -> memref<1x128xi32, #tpu.memory_space<vmem>>
        %dma_wait3A_56 = tpu.memref_squeeze %dma_wait3A_55 : memref<1x128xi32, #tpu.memory_space<vmem>> -> memref<128xi32, #tpu.memory_space<vmem>>
        %dma_wait3A_57 = arith.constant 0 : i32
        %dma_wait3A_58 = arith.constant 0 : i32
        %dma_wait3A_59 = tpu.memref_slice %arg6[%dma_wait3A_57, %dma_wait3A_58] : memref<100096x16xf32, #tpu.memory_space<vmem_shared>> -> memref<100096x16xf32, #tpu.memory_space<vmem_shared>>
        tpu.wait_indirect_dma semaphore(%run_scoped3A_49 : memref<!tpu.dma_semaphore, #tpu.memory_space<semaphore_mem>>) src(%arg4 : memref<128x16xf32, #tpu.memory_space<vmem>>) dst(%dma_wait3A_59 : memref<100096x16xf32, #tpu.memory_space<vmem_shared>>)
        tpu.yield
      }) : () -> ()
      %run_scoped3A_47 = arith.constant 10 : i32
      "tpu.region"() ({
        %run_scoped3A_49 = tpu.sem_alloc : memref<!tpu.dma_semaphore, #tpu.memory_space<semaphore_mem>>
        %dma_start3A = arith.constant 0 : i32
        %dma_start3A_50 = tpu.memref_slice %arg5[%run_scoped3A_47, %dma_start3A] : memref<12x128xi32, #tpu.memory_space<vmem>> -> memref<1x128xi32, #tpu.memory_space<vmem>>
        %dma_start3A_51 = tpu.memref_squeeze %dma_start3A_50 : memref<1x128xi32, #tpu.memory_space<vmem>> -> memref<128xi32, #tpu.memory_space<vmem>>
        %dma_start3A_52 = arith.constant 0 : i32
        %dma_start3A_53 = arith.constant 0 : i32
        %dma_start3A_54 = tpu.memref_slice %arg6[%dma_start3A_52, %dma_start3A_53] : memref<100096x16xf32, #tpu.memory_space<vmem_shared>> -> memref<100096x16xf32, #tpu.memory_space<vmem_shared>>
        tpu.enqueue_indirect_dma source(%arg4 : memref<128x16xf32, #tpu.memory_space<vmem>>) target(%dma_start3A_54 : memref<100096x16xf32, #tpu.memory_space<vmem_shared>>) offsets(%dma_start3A_51 : memref<128xi32, #tpu.memory_space<vmem>>) semaphore(%run_scoped3A_49 : memref<!tpu.dma_semaphore, #tpu.memory_space<semaphore_mem>>) {add = true}
        %dma_wait3A = arith.constant 0 : i32
        %dma_wait3A_55 = tpu.memref_slice %arg5[%run_scoped3A_47, %dma_wait3A] : memref<12x128xi32, #tpu.memory_space<vmem>> -> memref<1x128xi32, #tpu.memory_space<vmem>>
        %dma_wait3A_56 = tpu.memref_squeeze %dma_wait3A_55 : memref<1x128xi32, #tpu.memory_space<vmem>> -> memref<128xi32, #tpu.memory_space<vmem>>
        %dma_wait3A_57 = arith.constant 0 : i32
        %dma_wait3A_58 = arith.constant 0 : i32
        %dma_wait3A_59 = tpu.memref_slice %arg6[%dma_wait3A_57, %dma_wait3A_58] : memref<100096x16xf32, #tpu.memory_space<vmem_shared>> -> memref<100096x16xf32, #tpu.memory_space<vmem_shared>>
        tpu.wait_indirect_dma semaphore(%run_scoped3A_49 : memref<!tpu.dma_semaphore, #tpu.memory_space<semaphore_mem>>) src(%arg4 : memref<128x16xf32, #tpu.memory_space<vmem>>) dst(%dma_wait3A_59 : memref<100096x16xf32, #tpu.memory_space<vmem_shared>>)
        tpu.yield
      }) : () -> ()
      %run_scoped3A_48 = arith.constant 11 : i32
      "tpu.region"() ({
        %run_scoped3A_49 = tpu.sem_alloc : memref<!tpu.dma_semaphore, #tpu.memory_space<semaphore_mem>>
        %dma_start3A = arith.constant 0 : i32
        %dma_start3A_50 = tpu.memref_slice %arg5[%run_scoped3A_48, %dma_start3A] : memref<12x128xi32, #tpu.memory_space<vmem>> -> memref<1x128xi32, #tpu.memory_space<vmem>>
        %dma_start3A_51 = tpu.memref_squeeze %dma_start3A_50 : memref<1x128xi32, #tpu.memory_space<vmem>> -> memref<128xi32, #tpu.memory_space<vmem>>
        %dma_start3A_52 = arith.constant 0 : i32
        %dma_start3A_53 = arith.constant 0 : i32
        %dma_start3A_54 = tpu.memref_slice %arg6[%dma_start3A_52, %dma_start3A_53] : memref<100096x16xf32, #tpu.memory_space<vmem_shared>> -> memref<100096x16xf32, #tpu.memory_space<vmem_shared>>
        tpu.enqueue_indirect_dma source(%arg4 : memref<128x16xf32, #tpu.memory_space<vmem>>) target(%dma_start3A_54 : memref<100096x16xf32, #tpu.memory_space<vmem_shared>>) offsets(%dma_start3A_51 : memref<128xi32, #tpu.memory_space<vmem>>) semaphore(%run_scoped3A_49 : memref<!tpu.dma_semaphore, #tpu.memory_space<semaphore_mem>>) {add = true}
        %dma_wait3A = arith.constant 0 : i32
        %dma_wait3A_55 = tpu.memref_slice %arg5[%run_scoped3A_48, %dma_wait3A] : memref<12x128xi32, #tpu.memory_space<vmem>> -> memref<1x128xi32, #tpu.memory_space<vmem>>
        %dma_wait3A_56 = tpu.memref_squeeze %dma_wait3A_55 : memref<1x128xi32, #tpu.memory_space<vmem>> -> memref<128xi32, #tpu.memory_space<vmem>>
        %dma_wait3A_57 = arith.constant 0 : i32
        %dma_wait3A_58 = arith.constant 0 : i32
        %dma_wait3A_59 = tpu.memref_slice %arg6[%dma_wait3A_57, %dma_wait3A_58] : memref<100096x16xf32, #tpu.memory_space<vmem_shared>> -> memref<100096x16xf32, #tpu.memory_space<vmem_shared>>
        tpu.wait_indirect_dma semaphore(%run_scoped3A_49 : memref<!tpu.dma_semaphore, #tpu.memory_space<semaphore_mem>>) src(%arg4 : memref<128x16xf32, #tpu.memory_space<vmem>>) dst(%dma_wait3A_59 : memref<100096x16xf32, #tpu.memory_space<vmem_shared>>)
        tpu.yield
      }) : () -> ()
    }
    %scan3A_23 = arith.constant 33 : i32
    %barrier3A_24 = arith.constant 0 : index
    tpu.barrier barrier_id(%barrier3A_24)
    %mul3A = arith.constant 6256 : i32
    %mul3A_25 = arith.muli %arg1, %mul3A : i32
    %mul3A_26 = arith.constant 6256 : i32
    %mul3A_27 = arith.muli %arg1, %mul3A_26 : i32
    %mul3A_28 = arith.constant 16 : i32
    %mul3A_29 = arith.muli %arg0, %mul3A_28 : i32
    "tpu.region"() ({
      %run_scoped3A = tpu.sem_alloc : memref<!tpu.dma_semaphore, #tpu.memory_space<semaphore_mem>>
      %dma_start3A = tpu.memref_slice %arg3[%mul3A_27, %mul3A_29] : memref<100096x32xf32, #tpu.memory_space<hbm>> -> memref<6256x16xf32, #tpu.memory_space<hbm>>
      %dma_start3A_30 = arith.constant 0 : i32
      %dma_start3A_31 = tpu.memref_slice %arg6[%mul3A_25, %dma_start3A_30] : memref<100096x16xf32, #tpu.memory_space<vmem_shared>> -> memref<6256x16xf32, #tpu.memory_space<vmem_shared>>
      tpu.enqueue_dma source(%dma_start3A_31 : memref<6256x16xf32, #tpu.memory_space<vmem_shared>>) target(%dma_start3A : memref<6256x16xf32, #tpu.memory_space<hbm>>) target_semaphore(%run_scoped3A : memref<!tpu.dma_semaphore, #tpu.memory_space<semaphore_mem>>)
      %dma_wait3A = tpu.memref_slice %arg3[%mul3A_27, %mul3A_29] : memref<100096x32xf32, #tpu.memory_space<hbm>> -> memref<6256x16xf32, #tpu.memory_space<hbm>>
      %dma_wait3A_32 = arith.constant 0 : i32
      %dma_wait3A_33 = tpu.memref_slice %arg6[%mul3A_25, %dma_wait3A_32] : memref<100096x16xf32, #tpu.memory_space<vmem_shared>> -> memref<6256x16xf32, #tpu.memory_space<vmem_shared>>
      tpu.wait_dma2 semaphore(%run_scoped3A : memref<!tpu.dma_semaphore, #tpu.memory_space<semaphore_mem>>) src(%dma_wait3A_33 : memref<6256x16xf32, #tpu.memory_space<vmem_shared>>) dst(%dma_wait3A : memref<6256x16xf32, #tpu.memory_space<hbm>>)
      tpu.yield
    }) : () -> ()
    return
  }
}

module attributes {stable_mosaic.version = 14 : i64} {
  func.func @body(%arg0: i32, %arg1: memref<1024x32xf32, #tpu.memory_space<vmem>>, %arg2: memref<1024x32xf32, #tpu.memory_space<vmem>>, %arg3: memref<1024x32xbf16, #tpu.memory_space<vmem>>, %arg4: memref<1024x1xf32, #tpu.memory_space<vmem>>, %arg5: memref<1024x1xf32, #tpu.memory_space<vmem>>) attributes {dimension_semantics = [#tpu.dimension_semantics<arbitrary>], iteration_bounds = array<i64: 98>, scalar_prefetch = 0 : i64, scratch_operands = 0 : i64, tpu.core_type = #tpu.core_type<tc>, window_params = [{transform_indices = @transform_0, window_bounds = array<i64: 1024, 32>}, {transform_indices = @transform_1, window_bounds = array<i64: 1024, 32>}, {transform_indices = @transform_2, window_bounds = array<i64: 1024, 32>}, {transform_indices = @transform_3, window_bounds = array<i64: 1024, 1>}, {transform_indices = @transform_4, window_bounds = array<i64: 1024, 1>}]} {
    %get3A = arith.constant 0 : index
    %get3A_0 = arith.constant 0 : index
    %get3A_1 = vector.load %arg1[%get3A, %get3A_0] : memref<1024x32xf32, #tpu.memory_space<vmem>>, vector<1024x1xf32>
    %get3A_2 = arith.constant 0 : index
    %get3A_3 = arith.constant 16 : index
    %get3A_4 = vector.load %arg1[%get3A_2, %get3A_3] : memref<1024x32xf32, #tpu.memory_space<vmem>>, vector<1024x1xf32>
    %add3A = arith.addf %get3A_1, %get3A_4 : vector<1024x1xf32>
    %add3A_5 = arith.constant 1.000000e+00 : f32
    %add3A_6 = vector.broadcast %add3A_5 : f32 to vector<1024x1xf32>
    %add3A_7 = arith.addf %add3A, %add3A_6 : vector<1024x1xf32>
    %rsqrt3A = math.rsqrt %add3A_7 : vector<1024x1xf32>
    %get3A_8 = arith.constant 0 : index
    %get3A_9 = arith.constant 0 : index
    %get3A_10 = vector.load %arg2[%get3A_8, %get3A_9] : memref<1024x32xf32, #tpu.memory_space<vmem>>, vector<1024x32xf32>
    %mul3A = vector.broadcast %rsqrt3A : vector<1024x1xf32> to vector<1024x32xf32>
    %mul3A_11 = arith.mulf %get3A_10, %mul3A : vector<1024x32xf32>
    %convert_element_type3A = arith.truncf %mul3A_11 : vector<1024x32xf32> to vector<1024x32xbf16>
    %swap3A = arith.constant 0 : index
    %swap3A_12 = arith.constant 0 : index
    %swap3A_13 = vector.load %arg3[%swap3A, %swap3A_12] : memref<1024x32xbf16, #tpu.memory_space<vmem>>, vector<1024x32xbf16>
    tpu.vector_store %arg3[%swap3A, %swap3A_12], %convert_element_type3A {strides = array<i32>} : memref<1024x32xbf16, #tpu.memory_space<vmem>>, vector<1024x32xbf16>,
    %swap3A_14 = arith.constant 0 : index
    %swap3A_15 = arith.constant 0 : index
    %swap3A_16 = vector.load %arg4[%swap3A_14, %swap3A_15] : memref<1024x1xf32, #tpu.memory_space<vmem>>, vector<1024x1xf32>
    tpu.vector_store %arg4[%swap3A_14, %swap3A_15], %rsqrt3A {strides = array<i32>} : memref<1024x1xf32, #tpu.memory_space<vmem>>, vector<1024x1xf32>,
    %div3A = arith.constant 1.000000e+00 : f32
    %div3A_17 = vector.broadcast %div3A : f32 to vector<1024x1xf32>
    %div3A_18 = arith.divf %div3A_17, %add3A_7 : vector<1024x1xf32>
    %swap3A_19 = arith.constant 0 : index
    %swap3A_20 = arith.constant 0 : index
    %swap3A_21 = vector.load %arg5[%swap3A_19, %swap3A_20] : memref<1024x1xf32, #tpu.memory_space<vmem>>, vector<1024x1xf32>
    tpu.vector_store %arg5[%swap3A_19, %swap3A_20], %div3A_18 {strides = array<i32>} : memref<1024x1xf32, #tpu.memory_space<vmem>>, vector<1024x1xf32>,
    return
  }
  func.func @transform_0(%arg0: i32) -> (i32, i32) {
    %c0_i32 = arith.constant 0 : i32
    %c0_i32_0 = arith.constant 0 : i32
    return %arg0, %c0_i32 : i32, i32
  }
  func.func @transform_1(%arg0: i32) -> (i32, i32) {
    %c0_i32 = arith.constant 0 : i32
    %c0_i32_0 = arith.constant 0 : i32
    return %arg0, %c0_i32 : i32, i32
  }
  func.func @transform_2(%arg0: i32) -> (i32, i32) {
    %c0_i32 = arith.constant 0 : i32
    %c0_i32_0 = arith.constant 0 : i32
    return %arg0, %c0_i32 : i32, i32
  }
  func.func @transform_3(%arg0: i32) -> (i32, i32) {
    %c0_i32 = arith.constant 0 : i32
    %c0_i32_0 = arith.constant 0 : i32
    return %arg0, %c0_i32 : i32, i32
  }
  func.func @transform_4(%arg0: i32) -> (i32, i32) {
    %c0_i32 = arith.constant 0 : i32
    %c0_i32_0 = arith.constant 0 : i32
    return %arg0, %c0_i32 : i32, i32
  }
}

module attributes {stable_mosaic.version = 14 : i64} {
  func.func @body(%arg0: i32, %arg1: memref<2x1024x32xbf16, #tpu.memory_space<vmem>>, %arg2: memref<1024x32xf32, #tpu.memory_space<vmem>>, %arg3: memref<1024x1xf32, #tpu.memory_space<vmem>>, %arg4: memref<1024x1xf32, #tpu.memory_space<vmem>>, %arg5: memref<32x64xf32, #tpu.memory_space<vmem>>, %arg6: memref<1x64xf32, #tpu.memory_space<vmem>>, %arg7: memref<1024x64xbf16, #tpu.memory_space<vmem>>, %arg8: memref<1024x64xf32, #tpu.memory_space<vmem>>) attributes {dimension_semantics = [#tpu.dimension_semantics<arbitrary>], iteration_bounds = array<i64: 98>, scalar_prefetch = 0 : i64, scratch_operands = 0 : i64, tpu.core_type = #tpu.core_type<tc>, window_params = [{transform_indices = @transform_0, window_bounds = array<i64: 2, 1024, 32>}, {transform_indices = @transform_1, window_bounds = array<i64: 1024, 32>}, {transform_indices = @transform_2, window_bounds = array<i64: 1024, 1>}, {transform_indices = @transform_3, window_bounds = array<i64: 1024, 1>}, {pipeline_mode = #tpu.pipeline_mode<synchronous>, transform_indices = @transform_4, window_bounds = array<i64: 32, 64>}, {pipeline_mode = #tpu.pipeline_mode<synchronous>, transform_indices = @transform_5, window_bounds = array<i64: 1, 64>}, {transform_indices = @transform_6, window_bounds = array<i64: 1024, 64>}, {transform_indices = @transform_7, window_bounds = array<i64: 1024, 64>}]} {
    %get3A = arith.constant 0 : index
    %get3A_0 = arith.constant 0 : index
    %get3A_1 = vector.load %arg3[%get3A, %get3A_0] : memref<1024x1xf32, #tpu.memory_space<vmem>>, vector<1024x1xf32>
    %get3A_2 = arith.constant 0 : index
    %get3A_3 = arith.constant 0 : index
    %get3A_4 = vector.load %arg4[%get3A_2, %get3A_3] : memref<1024x1xf32, #tpu.memory_space<vmem>>, vector<1024x1xf32>
    %get3A_5 = arith.constant 0 : index
    %get3A_6 = arith.constant 0 : index
    %get3A_7 = arith.constant 0 : index
    %get3A_8 = vector.load %arg1[%get3A_5, %get3A_6, %get3A_7] : memref<2x1024x32xbf16, #tpu.memory_space<vmem>>, vector<1x1024x32xbf16>
    %get3A_9 = vector.shape_cast %get3A_8 : vector<1x1024x32xbf16> to vector<1024x32xbf16>
    %convert_element_type3A = arith.extf %get3A_9 : vector<1024x32xbf16> to vector<1024x32xf32>
    %get3A_10 = arith.constant 1 : index
    %get3A_11 = arith.constant 0 : index
    %get3A_12 = arith.constant 0 : index
    %get3A_13 = vector.load %arg1[%get3A_10, %get3A_11, %get3A_12] : memref<2x1024x32xbf16, #tpu.memory_space<vmem>>, vector<1x1024x32xbf16>
    %get3A_14 = vector.shape_cast %get3A_13 : vector<1x1024x32xbf16> to vector<1024x32xbf16>
    %convert_element_type3A_15 = arith.extf %get3A_14 : vector<1024x32xbf16> to vector<1024x32xf32>
    %add3A = arith.addf %convert_element_type3A, %convert_element_type3A_15 : vector<1024x32xf32>
    %mul3A = vector.broadcast %get3A_1 : vector<1024x1xf32> to vector<1024x32xf32>
    %mul3A_16 = arith.mulf %mul3A, %add3A : vector<1024x32xf32>
    %get3A_17 = arith.constant 0 : index
    %get3A_18 = arith.constant 0 : index
    %get3A_19 = vector.load %arg2[%get3A_17, %get3A_18] : memref<1024x32xf32, #tpu.memory_space<vmem>>, vector<1024x32xf32>
    %mul3A_20 = vector.broadcast %get3A_4 : vector<1024x1xf32> to vector<1024x32xf32>
    %mul3A_21 = arith.mulf %mul3A_20, %get3A_19 : vector<1024x32xf32>
    %add3A_22 = arith.addf %mul3A_16, %mul3A_21 : vector<1024x32xf32>
    %get3A_23 = arith.constant 0 : index
    %get3A_24 = arith.constant 0 : index
    %get3A_25 = vector.load %arg5[%get3A_23, %get3A_24] : memref<32x64xf32, #tpu.memory_space<vmem>>, vector<32x64xf32>
    %dot_general3A = arith.constant dense<0.000000e+00> : vector<1024x64xf32>
    %dot_general3A_26 = tpu.matmul %add3A_22, %get3A_25, %dot_general3A {dimension_numbers = #tpu.dot_dimension_numbers<[1], [0], [0], [1], [0, 0, 1, 1], [], []>, transpose_lhs_hint = false} : vector<1024x32xf32>, vector<32x64xf32>, vector<1024x64xf32> -> vector<1024x64xf32>
    %get3A_27 = arith.constant 0 : index
    %get3A_28 = arith.constant 0 : index
    %get3A_29 = vector.load %arg6[%get3A_27, %get3A_28] : memref<1x64xf32, #tpu.memory_space<vmem>>, vector<1x64xf32>
    %add3A_30 = vector.broadcast %get3A_29 : vector<1x64xf32> to vector<1024x64xf32>
    %add3A_31 = arith.addf %dot_general3A_26, %add3A_30 : vector<1024x64xf32>
    %max3A = arith.constant 0.000000e+00 : f32
    %max3A_32 = vector.broadcast %max3A : f32 to vector<1024x64xf32>
    %max3A_33 = arith.maximumf %add3A_31, %max3A_32 : vector<1024x64xf32>
    %mul3A_34 = vector.broadcast %get3A_1 : vector<1024x1xf32> to vector<1024x64xf32>
    %mul3A_35 = arith.mulf %max3A_33, %mul3A_34 : vector<1024x64xf32>
    %convert_element_type3A_36 = arith.truncf %mul3A_35 : vector<1024x64xf32> to vector<1024x64xbf16>
    %swap3A = arith.constant 0 : index
    %swap3A_37 = arith.constant 0 : index
    %swap3A_38 = vector.load %arg7[%swap3A, %swap3A_37] : memref<1024x64xbf16, #tpu.memory_space<vmem>>, vector<1024x64xbf16>
    tpu.vector_store %arg7[%swap3A, %swap3A_37], %convert_element_type3A_36 {strides = array<i32>} : memref<1024x64xbf16, #tpu.memory_space<vmem>>, vector<1024x64xbf16>,
    %mul3A_39 = vector.broadcast %get3A_4 : vector<1024x1xf32> to vector<1024x64xf32>
    %mul3A_40 = arith.mulf %max3A_33, %mul3A_39 : vector<1024x64xf32>
    %swap3A_41 = arith.constant 0 : index
    %swap3A_42 = arith.constant 0 : index
    %swap3A_43 = vector.load %arg8[%swap3A_41, %swap3A_42] : memref<1024x64xf32, #tpu.memory_space<vmem>>, vector<1024x64xf32>
    tpu.vector_store %arg8[%swap3A_41, %swap3A_42], %mul3A_40 {strides = array<i32>} : memref<1024x64xf32, #tpu.memory_space<vmem>>, vector<1024x64xf32>,
    return
  }
  func.func @transform_0(%arg0: i32) -> (i32, i32, i32) {
    %c0_i32 = arith.constant 0 : i32
    %c0_i32_0 = arith.constant 0 : i32
    %c0_i32_1 = arith.constant 0 : i32
    return %c0_i32, %arg0, %c0_i32_0 : i32, i32, i32
  }
  func.func @transform_1(%arg0: i32) -> (i32, i32) {
    %c0_i32 = arith.constant 0 : i32
    %c0_i32_0 = arith.constant 0 : i32
    return %arg0, %c0_i32 : i32, i32
  }
  func.func @transform_2(%arg0: i32) -> (i32, i32) {
    %c0_i32 = arith.constant 0 : i32
    %c0_i32_0 = arith.constant 0 : i32
    return %arg0, %c0_i32 : i32, i32
  }
  func.func @transform_3(%arg0: i32) -> (i32, i32) {
    %c0_i32 = arith.constant 0 : i32
    %c0_i32_0 = arith.constant 0 : i32
    return %arg0, %c0_i32 : i32, i32
  }
  func.func @transform_4(%arg0: i32) -> (i32, i32) {
    %c0_i32 = arith.constant 0 : i32
    %c0_i32_0 = arith.constant 0 : i32
    %c0_i32_1 = arith.constant 0 : i32
    return %c0_i32, %c0_i32_0 : i32, i32
  }
  func.func @transform_5(%arg0: i32) -> (i32, i32) {
    %c0_i32 = arith.constant 0 : i32
    %c0_i32_0 = arith.constant 0 : i32
    %c0_i32_1 = arith.constant 0 : i32
    return %c0_i32, %c0_i32_0 : i32, i32
  }
  func.func @transform_6(%arg0: i32) -> (i32, i32) {
    %c0_i32 = arith.constant 0 : i32
    %c0_i32_0 = arith.constant 0 : i32
    return %arg0, %c0_i32 : i32, i32
  }
  func.func @transform_7(%arg0: i32) -> (i32, i32) {
    %c0_i32 = arith.constant 0 : i32
    %c0_i32_0 = arith.constant 0 : i32
    return %arg0, %c0_i32 : i32, i32
  }
}

module attributes {stable_mosaic.version = 14 : i64} {
  func.func @body(%arg0: i32, %arg1: memref<1024x64xbf16, #tpu.memory_space<vmem>>, %arg2: memref<1024x64xf32, #tpu.memory_space<vmem>>, %arg3: memref<1024x1xf32, #tpu.memory_space<vmem>>, %arg4: memref<64x128xf32, #tpu.memory_space<vmem>>, %arg5: memref<1x128xf32, #tpu.memory_space<vmem>>, %arg6: memref<1024x128xf32, #tpu.memory_space<vmem>>) attributes {dimension_semantics = [#tpu.dimension_semantics<arbitrary>], iteration_bounds = array<i64: 98>, scalar_prefetch = 0 : i64, scratch_operands = 0 : i64, tpu.core_type = #tpu.core_type<tc>, window_params = [{transform_indices = @transform_0, window_bounds = array<i64: 1024, 64>}, {transform_indices = @transform_1, window_bounds = array<i64: 1024, 64>}, {transform_indices = @transform_2, window_bounds = array<i64: 1024, 1>}, {pipeline_mode = #tpu.pipeline_mode<synchronous>, transform_indices = @transform_3, window_bounds = array<i64: 64, 128>}, {pipeline_mode = #tpu.pipeline_mode<synchronous>, transform_indices = @transform_4, window_bounds = array<i64: 1, 128>}, {transform_indices = @transform_5, window_bounds = array<i64: 1024, 128>}]} {
    %get3A = arith.constant 0 : index
    %get3A_0 = arith.constant 0 : index
    %get3A_1 = vector.load %arg3[%get3A, %get3A_0] : memref<1024x1xf32, #tpu.memory_space<vmem>>, vector<1024x1xf32>
    %get3A_2 = arith.constant 0 : index
    %get3A_3 = arith.constant 0 : index
    %get3A_4 = vector.load %arg1[%get3A_2, %get3A_3] : memref<1024x64xbf16, #tpu.memory_space<vmem>>, vector<1024x64xbf16>
    %convert_element_type3A = arith.extf %get3A_4 : vector<1024x64xbf16> to vector<1024x64xf32>
    %mul3A = vector.broadcast %get3A_1 : vector<1024x1xf32> to vector<1024x64xf32>
    %mul3A_5 = arith.mulf %mul3A, %convert_element_type3A : vector<1024x64xf32>
    %get3A_6 = arith.constant 0 : index
    %get3A_7 = arith.constant 0 : index
    %get3A_8 = vector.load %arg2[%get3A_6, %get3A_7] : memref<1024x64xf32, #tpu.memory_space<vmem>>, vector<1024x64xf32>
    %add3A = arith.addf %mul3A_5, %get3A_8 : vector<1024x64xf32>
    %get3A_9 = arith.constant 0 : index
    %get3A_10 = arith.constant 0 : index
    %get3A_11 = vector.load %arg4[%get3A_9, %get3A_10] : memref<64x128xf32, #tpu.memory_space<vmem>>, vector<64x128xf32>
    %dot_general3A = arith.constant dense<0.000000e+00> : vector<1024x128xf32>
    %dot_general3A_12 = tpu.matmul %add3A, %get3A_11, %dot_general3A {dimension_numbers = #tpu.dot_dimension_numbers<[1], [0], [0], [1], [0, 0, 1, 1], [], []>, transpose_lhs_hint = false} : vector<1024x64xf32>, vector<64x128xf32>, vector<1024x128xf32> -> vector<1024x128xf32>
    %get3A_13 = arith.constant 0 : index
    %get3A_14 = arith.constant 0 : index
    %get3A_15 = vector.load %arg5[%get3A_13, %get3A_14] : memref<1x128xf32, #tpu.memory_space<vmem>>, vector<1x128xf32>
    %add3A_16 = vector.broadcast %get3A_15 : vector<1x128xf32> to vector<1024x128xf32>
    %add3A_17 = arith.addf %dot_general3A_12, %add3A_16 : vector<1024x128xf32>
    %swap3A = arith.constant 0 : index
    %swap3A_18 = arith.constant 0 : index
    %swap3A_19 = vector.load %arg6[%swap3A, %swap3A_18] : memref<1024x128xf32, #tpu.memory_space<vmem>>, vector<1024x128xf32>
    tpu.vector_store %arg6[%swap3A, %swap3A_18], %add3A_17 {strides = array<i32>} : memref<1024x128xf32, #tpu.memory_space<vmem>>, vector<1024x128xf32>,
    return
  }
  func.func @transform_0(%arg0: i32) -> (i32, i32) {
    %c0_i32 = arith.constant 0 : i32
    %c0_i32_0 = arith.constant 0 : i32
    return %arg0, %c0_i32 : i32, i32
  }
  func.func @transform_1(%arg0: i32) -> (i32, i32) {
    %c0_i32 = arith.constant 0 : i32
    %c0_i32_0 = arith.constant 0 : i32
    return %arg0, %c0_i32 : i32, i32
  }
  func.func @transform_2(%arg0: i32) -> (i32, i32) {
    %c0_i32 = arith.constant 0 : i32
    %c0_i32_0 = arith.constant 0 : i32
    return %arg0, %c0_i32 : i32, i32
  }
  func.func @transform_3(%arg0: i32) -> (i32, i32) {
    %c0_i32 = arith.constant 0 : i32
    %c0_i32_0 = arith.constant 0 : i32
    %c0_i32_1 = arith.constant 0 : i32
    return %c0_i32, %c0_i32_0 : i32, i32
  }
  func.func @transform_4(%arg0: i32) -> (i32, i32) {
    %c0_i32 = arith.constant 0 : i32
    %c0_i32_0 = arith.constant 0 : i32
    %c0_i32_1 = arith.constant 0 : i32
    return %c0_i32, %c0_i32_0 : i32, i32
  }
  func.func @transform_5(%arg0: i32) -> (i32, i32) {
    %c0_i32 = arith.constant 0 : i32
    %c0_i32_0 = arith.constant 0 : i32
    return %arg0, %c0_i32 : i32, i32
  }
}

</mosaic_0001>

<sc_bundles>
// kernel: kernel.11.cloned.1.call-start
scs
__scs_entry_jumppad:
0x0: {  	(pc) =	sbr.rel $0x88, $3  }
0x1: {  	(tag) =	ssettag $0x0;
	lr =	simm.s32 $0x1  }
0x2: {  	[smem:$0x3F9B] =	sst lr;
	_ =	strace $0xD0000000  }
0x3: {  	_ = 	snop  }
0x4: {  	_ = 	snop  }
0x5: {  	_ = 	snop  }
0x6: {  	_ = 	snop  }
0x7: {  	_ = 	snop  }
__scs_overlays_trampoline_lowered:
0x8: {  	[smem:$0x3FAA] =	sst s0  }
0x9: {  	[smem:$0x3FAB] =	sst s1  }
0xa: {  	[smem:$0x3FAC] =	sst s2  }
0xb: {  	[smem:$0x3FAD] =	sst s3  }
0xc: {  	[smem:$0x3FAE] =	sst s4  }
0xd: {  	[smem:$0x3FAF] =	sst s5  }
0xe: {  	[smem:$0x3FB0] =	sst s6  }
0xf: {  	[smem:$0x3FB1] =	sst s7  }
0x10: {  	[smem:$0x3FB2] =	sst s8  }
0x11: {  	[smem:$0x3FB3] =	sst s9;
	s0 =	simm.s32 @!p0 $0x0  }
0x12: {  	s1 =	sld [smem:$0x3F99];
	s0 =	simm.s32 @p0 $0x1  }
0x13: {  	[smem:$0x3FB4] =	sst s0;
	s0 =	simm.s32 @!p1 $0x0  }
0x14: {  	s2 =	sld [smem:$0x3F98];
	s0 =	simm.s32 @p1 $0x1  }
0x15: {  	[smem:$0x3FB5] =	sst s0;
	s0 =	simm.s32 @!p2 $0x0  }
0x16: {  	s3 =	sld [smem:$0x3FDB];
	s0 =	simm.s32 @p2 $0x1  }
0x17: {  	s4 =	simm.s32 $0x1BF5;
	[smem:$0x3FB7] =	sst s0  }
0x18: {  	s0 =	sld [smem:$0x3F9A];
	_ =	swait.ge [sflag:s4], $0x0  }
0x19: {  	s7 =	sld [smem:$0x3F9B]  }
0x1a: {  	s8 =	sadd.s32 $0xFFFFE003, lr  }
0x1b: {  	s9 =	sadd.s32 $0xFFFFFEF7, lr;
	s5 =	simm.s32 $0xFFFFFFFF;
	p2 =	slt.u32 s8, $0xFFFFF086  }
0x1c: {  	p1 =	slt.u32 s9, $0xF7A;
	s5 =	simm.s32 @!p2 $0x0  }
0x1d: {  	s5 =	simm.s32 @p1 $0x1;
	p0 =	seq.s32 s7, s2  }
0x1e: {  	s7 =	smul.u32 @!p0 $0xF7A, s2;
	p2 =	seq.s32 @!p0 s5, $0x0  }
0x1f: {  	s9 =	smul.u32 $0xF7A, s1;
	s8 =	simm.s32 @!p0 $0x1BF5;
	p2 =	por !p2, p0  }
0x20: {  	[sflag:s8] =	ssyncset.s32 @!p0 $0xFFFFF086;
	s6 =	sadd.s32 @!p0 s3, s7;
	s7 =	simm.s32 @!p0 $0x108  }
0x21: {  	s3 =	sadd.s32 s3, s9;
	s6 =	sadd.s32 @!p0 $0x88, s6;
	s7 =	simm.s32 @p2 $0x1082  }
0x22: {  	[simem:s7], [sflag:s8] =	dma.local @!p0 [hbm:s6], $0xF7A  }
0x23: {  	s9 =	sor.u32 $0xD0000000, s2;
	s6 =	simm.s32 $0x108;
	_ =	swait.ge @!p0 [sflag:s8], $0x0  }
0x24: {  	s3 =	sadd.s32 $0x88, s3;
	s6 =	simm.s32 @!p1 $0x1082;
	[sflag:s4] =	ssyncset.s32 $0xFFFFF086  }
0x25: {  	[simem:s6], [sflag:s4] =	dma.local [hbm:s3], $0xF7A  }
0x26: {  	[smem:$0x3F9B] =	sst s1;
	(tag) =	ssettag s2;
	_ =	strace s9  }
0x27: {  	s1 =	sld [smem:$0x3FAB]  }
0x28: {  	s2 =	sld [smem:$0x3FAC]  }
0x29: {  	s4 =	sld [smem:$0x3FAE]  }
0x2a: {  	p0 =	seq.s32 s5, $0x0;
	s5 =	sld [smem:$0x3FAF]  }
0x2b: {  	s6 =	sld [smem:$0x3FB0]  }
0x2c: {  	s7 =	sld [smem:$0x3FB1]  }
0x2d: {  	s3 =	simm.s32 $0x108;
	s8 =	sld [smem:$0x3FB2]  }
0x2e: {  	s3 =	simm.s32 @!p0 $0x1082;
	s9 =	sld [smem:$0x3FB3]  }
0x2f: {  	lr =	sadd.s32 s0, s3;
	s0 =	sld [smem:$0x3FAA]  }
0x30: {  	s3 =	sld [smem:$0x3FAD]  }
0x31: {  	[smem:$0x3FB6] =	sst s10  }
0x32: {  	s10 =	sld [smem:$0x3FB4];
	_ =	sdelay $0x3  }
0x33: {  	p0 =	seq.s32 s10, $0x1;
	s10 =	sld [smem:$0x3FB6];
	_ =	sdelay $0x3  }
0x34: {  	[smem:$0x3FB6] =	sst s10  }
0x35: {  	s10 =	sld [smem:$0x3FB5];
	_ =	sdelay $0x3  }
0x36: {  	p1 =	seq.s32 s10, $0x1;
	s10 =	sld [smem:$0x3FB6];
	_ =	sdelay $0x3  }
0x37: {  	[smem:$0x3FB6] =	sst s10  }
0x38: {  	s10 =	sld [smem:$0x3FB7]  }
0x39: {  	_ = 	snop;
	(pc) =	sbr.ind lr, $3  }
0x3a: {  	_ = 	snop  }
0x3b: {  	_ = 	snop  }
0x3c: {  	p2 =	seq.s32 s10, $0x1;
	s10 =	sld [smem:$0x3FB6]  }
0x3d: {  	_ =	shalt  }
0x3e: {  	_ =	shalt  }
0x3f: {  	_ =	shalt  }
0x40: {  	_ =	shalt  }
0x41: {  	_ =	shalt  }
0x42: {  	_ =	shalt  }
0x43: {  	_ =	shalt  }
0x44: {  	_ =	shalt  }
0x45: {  	_ =	shalt  }
0x46: {  	_ =	shalt  }
0x47: {  	_ =	shalt  }
0x48: {  	_ =	shalt  }
0x49: {  	_ =	shalt  }
0x4a: {  	_ =	shalt  }
0x4b: {  	_ =	shalt  }
0x4c: {  	_ =	shalt  }
0x4d: {  	_ =	shalt  }
0x4e: {  	_ =	shalt  }
0x4f: {  	_ =	shalt  }
0x50: {  	_ =	shalt  }
0x51: {  	_ =	shalt  }
0x52: {  	_ =	shalt  }
0x53: {  	_ =	shalt  }
0x54: {  	_ =	shalt  }
0x55: {  	_ =	shalt  }
0x56: {  	_ =	shalt  }
0x57: {  	_ =	shalt  }
0x58: {  	_ =	shalt  }
0x59: {  	_ =	shalt  }
0x5a: {  	_ =	shalt  }
0x5b: {  	_ =	shalt  }
0x5c: {  	_ =	shalt  }
0x5d: {  	_ =	shalt  }
0x5e: {  	_ =	shalt  }
0x5f: {  	_ =	shalt  }
0x60: {  	_ =	shalt  }
0x61: {  	_ =	shalt  }
0x62: {  	_ =	shalt  }
0x63: {  	_ =	shalt  }
0x64: {  	_ =	shalt  }
0x65: {  	_ =	shalt  }
0x66: {  	_ =	shalt  }
0x67: {  	_ =	shalt  }
0x68: {  	_ =	shalt  }
0x69: {  	_ =	shalt  }
0x6a: {  	_ =	shalt  }
0x6b: {  	_ =	shalt  }
0x6c: {  	_ =	shalt  }
0x6d: {  	_ =	shalt  }
0x6e: {  	_ =	shalt  }
0x6f: {  	_ =	shalt  }
0x70: {  	_ =	shalt  }
0x71: {  	_ =	shalt  }
0x72: {  	_ =	shalt  }
0x73: {  	_ =	shalt  }
0x74: {  	_ =	shalt  }
0x75: {  	_ =	shalt  }
0x76: {  	_ =	shalt  }
0x77: {  	_ =	shalt  }
0x78: {  	_ =	shalt  }
0x79: {  	_ =	shalt  }
0x7a: {  	_ =	shalt  }
0x7b: {  	_ =	shalt  }
0x7c: {  	_ =	shalt  }
0x7d: {  	_ =	shalt  }
0x7e: {  	_ =	shalt  }
0x7f: {  	_ =	shalt  }
0x80: {  	_ =	shalt  }
0x81: {  	_ =	shalt  }
0x82: {  	_ =	shalt  }
0x83: {  	_ =	shalt  }
0x84: {  	_ =	shalt  }
0x85: {  	_ =	shalt  }
0x86: {  	_ =	shalt  }
0x87: {  	_ =	shalt  }
.Lfunc_end0:
.L_simem_size_0:
called_computation.1_lowered:
.L_overlay_start_0:
0x88: {  	s2 =	sld [smem:$0x3FD9]  }
0x89: {  	s3 =	sld [smem:$0x3FFE];
	_ =	sdelay $0x1  }
0x8a: {  	s1 =	srdreg.scid  }
0x8b: {  	s0 =	sand.u32 $0x1, s1  }
0x8c: {  	s16 =	sshll.u32 s0, $0xA;
	s2 =	sadd.s32 s3, s2  }
0x8d: {  	s2 =	sadd.s32 s2, s16  }
0x8e: {  	[smem:$0x3FC2] =	sst s2  }
0x8f: {  	_ = 	snop  }
0x90: {  	(tm) =	ssettm $0x1  }
0x91: {  	s17 =	sld [smem:$0x3FFB];
	_ =	sdelay $0x3  }
0x92: {  	_ =	strace s17  }
0x93: {  	s2 =	sld [smem:$0x3FFC];
	_ =	sdelay $0x3  }
0x94: {  	_ =	strace s2  }
0x95: {  	s2 =	sld [smem:$0x3FFD];
	_ =	sdelay $0x3  }
0x96: {  	_ =	strace s2  }
0x97: {  	_ =	strace $0x8FFFFFFF  }
0x98: {  	s18 =	sld [smem:$0x3FDB];
	_ =	sdelay $0x1  }
0x99: {  	s19 =	simm.s32 $_scs_section_size  }
0x9a: {  	s4 =	simm.s32 $_size__tile_overlayer_lowered;
	s5 =	simm.s32 $_tile_overlayer_lowered  }
0x9b: {  	s22 =	simm.s32 $0x1BFF;
	s21 =	sshll.u32 s5, $0x1;
	s2 =	sadd.s32 s19, s18  }
0x9c: {  	s6 =	simm.s32 $0x0;
	s20 =	sshll.u32 s4, $0x1;
	s4 =	sadd.s32 s21, s2  }
0x9d: {  	[timem:s6], [sflag:s22] =	dma.local [hbm:s4], s20  }
0x9e: {  	_ =	swait.ge [sflag:s22], s20  }
0x9f: {  	s3 =	ssub.s32 $0x0, s20;
	[sflag:s22] =	ssyncset.done $0x0  }
0xa0: {  	[sflag:s22] =	ssyncadd.s32 s3;
	_ =	sdelay $0x1  }
0xa1: {  	s23 =	simm.s32 $0x1B8B  }
0xa2: {  	_ =	swait.ge [sflag:s23], $0x1  }
0xa3: {  	[sflag:s23] =	ssyncset.done $0x0  }
0xa4: {  	s25 =	simm.s32 $0x1B8E;
	s24 =	sld [smem:$0x3FFE];
	[sflag:s23] =	ssyncadd.s32 $0xFFFFFFFF  }
0xa5: {  	s26 =	simm.s32 $execute0_lowered;
	[smem:$0x3FD2] =	sst s25  }
0xa6: {  	s4 =	sshll.u32 s26, $0x1;
	_ =	strace $0x80000049;
	[dreg:$0x1] =	wrdreg $0xFFFFFFFF  }
0xa7: {  	s28 =	simm.s32 $_size_execute0_lowered;
	s2 =	sadd.s32 s2, s4;
	[dreg:$0x0] =	wrdreg $0x0  }
0xa8: {  	s4 =	sshll.u32 s28, $0x1;
	[dreg:$0x2] =	wrdreg s2  }
0xa9: {  	[dreg:$0x3] =	wrdreg s4  }
0xaa: {  	[dreg:$0x4] =	wrdreg $0xC0  }
0xab: {  	_ =	task [dreg:s6], $0x5FFFF  }
0xac: {  	[dreg:$0x1] =	wrdreg $0xFFFFFFFF  }
0xad: {  	[dreg:$0x0] =	wrdreg $0x60  }
0xae: {  	[dreg:$0x2] =	wrdreg s24  }
0xaf: {  	[dreg:$0x3] =	wrdreg $0x6C000  }
0xb0: {  	[dreg:$0x4] =	wrdreg $0x9  }
0xb1: {  	_ =	task.clear_ibuf [dreg:s6], $0x5FFFF;
	_ =	strace $0x90000049  }
0xb2: {  	s29 =	simm.s32 $0x9;
	_ =	strace $0x8000004B  }
0xb3: {  	_ =	swait.ge [sflag:s29], $0x1  }
0xb4: {  	[sflag:s29] =	ssyncadd.s32 $0xFFFFFFFF  }
0xb5: {  	_ =	strace $0x9000004B  }
0xb6: {  	_ =	sfence  }
0xb7: {  	s30 =	sld [smem:$0x0];
	_ =	sdelay $0x2  }
0xb8: {  	s31 =	sshll.u32 s1, $0xD;
	s1 =	sshrl.u32 s1, $0x2  }
0xb9: {  	s3 =	sand.u32 $0x4000, s31;
	s1 =	sadd.s32 s1, s30  }
0xba: {  	s0 =	sor.u32 s3, s0;
	s1 =	sshll.u32 s1, $0x11  }
0xbb: {  	s0 =	sor.u32 s1, s0  }
0xbc: {  	s0 =	sadd.s32 $0x8F2B, s0  }
0xbd: {  	[sflag:s0] =	ssyncadd.remote.s32 $0x1  }
0xbe: {  	_ =	sfence.sel $0xFFFF  }
0xbf: {  	[dreg:$0x0] =	wrdreg $0xFFFFFFFF;
	(pc) =	sbr.abs _section_cstart, $3  }
0xc0: {  	[dreg:$0x1] =	wrdreg $0xFFFFFFFF  }
0xc1: {  	_ =	task.clear_ibuf [dreg:s6], $0x2FFFF;
	_ =	strace $0x9FFFFFFF  }
0xc2: {  	(tm) =	ssettm $0x7FFFFFFF  }
0xc3: {  	_ =	shalt  }
tec
execute0_lowered:
.L_overlay_start_1:
0x0: {  	(tag) =	ssettag $0x1  }
0x1: {  	s0 =	rddreg [dreg:$0x0];
	s1 =	srdreg.scid  }
0x2: {  	s2 =	rddreg [dreg:$0x1];
	s9 =	stileid.u32;
	s3 =	simm.s32 $0x0  }
0x3: {  	s13 =	simm.s32 $0x400;
	s14 =	simm.s32 $0x480;
	s15 =	simm.s32 $0x500  }
0x4: {  	s16 =	simm.s32 $0x580;
	s17 =	simm.s32 $0x680;
	s18 =	simm.s32 $0x700  }
0x5: {  	s19 =	simm.s32 $0x780;
	s20 =	simm.s32 $0x800;
	s21 =	simm.s32 $0x880  }
0x6: {  	s22 =	simm.s32 $0x980;
	s28 =	simm.s32 $0x900;
	[smem:$0x7FF] =	sst s3  }
0x7: {  	s29 =	simm.s32 $0x3C00;
	_ =	strace $0x8000004A;
	[dreg:$0x4] =	wrdreg s13  }
0x8: {  	s30 =	simm.s32 $0x4400;
	s31 =	simm.s32 $0x4C00;
	[dreg:$0x5] =	wrdreg s14  }
0x9: {  	s1 =	sand.u32 $0x1, s1;
	s6 =	smul.u32 $0x30E0, s9;
	[dreg:$0x6] =	wrdreg s15  }
0xa: {  	s4 =	sadd.s32 $0x33800, s0;
	s8 =	smul.u32 $0x18C, s9;
	[dreg:$0x7] =	wrdreg s16  }
0xb: {  	s11 =	sadd.s32 $0x95400, s0;
	s26 =	smul.u32 $0x61C00, s9;
	[dreg:$0x8] =	wrdreg s17  }
0xc: {  	s10 =	sadd.s32 $0x2000, s0;
	s5 =	smul.u32 $0x30E00, s1;
	[dreg:$0x9] =	wrdreg s18  }
0xd: {  	s7 =	smul.u32 $0x18C0, s1;
	s23 =	ssub.s32 $0x2, s1;
	[dreg:$0xa] =	wrdreg s19  }
0xe: {  	s1 =	smul.u32 $0x18C00, s1;
	s13 =	simm.s32 $0x600;
	[dreg:$0xb] =	wrdreg s20  }
0xf: {  	s14 =	simm.s32 $0xC00;
	s15 =	simm.s32 $0x3;
	[dreg:$0xc] =	wrdreg s21  }
0x10: {  	s16 =	simm.s32 $0x1400;
	s18 =	simm.s32 $0x1C00;
	[dreg:$0xd] =	wrdreg s22  }
0x11: {  	s20 =	simm.s32 $0x2400;
	s22 =	simm.s32 $0x2C00;
	s17 =	simm.s32 $0x5C00  }
0x12: {  	s19 =	simm.s32 $0x6400;
	s21 =	simm.s32 $0x1;
	s25 =	sshrl.u32 s23, $0x1  }
0x13: {  	s5 =	sadd.s32 s6, s5;
	s24 =	sadd.s32 s8, s7;
	s7 =	ssub.s32 s23, s25  }
0x14: {  	s8 =	sshrl.u32 s26, $0x2;
	s23 =	simm.s32 $0xA00;
	s25 =	simm.s32 $0xB00  }
0x15: {  	s26 =	simm.s32 $0xB80;
	s0 =	sadd.s32 s5, s0;
	[dreg:$0xe] =	wrdreg s23  }
0x16: {  	s6 =	sshll.u32 s24, $0x4;
	s5 =	smul.u32 $0x1870, s9;
	[dreg:$0x10] =	wrdreg s25  }
0x17: {  	s9 =	smul.u32 $0x18C0, s9;
	s7 =	smax.u32 s7, $0x1;
	[dreg:$0x11] =	wrdreg s26  }
0x18: {  	s24 =	simm.s32 $0xA80;
	s26 =	simm.s32 $0x300;
	[dreg:$0x15] =	wrdreg s7  }
0x19: {  	s23 =	simm.s32 $0x2;
	s12 =	sadd.s32 s11, s6;
	[dreg:$0xf] =	wrdreg s24  }
0x1a: {  	s6 =	sadd.s32 s10, s6;
	s0 =	sadd.s32 $0xC6C00, s0;
	[dreg:$0x12] =	wrdreg s12  }
0x1b: {  	s10 =	sadd.s32 s1, s10;
	s1 =	sadd.s32 s1, s11;
	[dreg:$0x13] =	wrdreg s6  }
0x1c: {  	s24 =	simm.s32 $0x3400;
	[dreg:$0x14] =	wrdreg s0;
	s0 =	sadd.s32 s8, s2  }
0x1d: {  	s12 =	simm.s32 $0x380;
	s10 =	sadd.s32 s9, s10;
	s11 =	sadd.s32 s9, s1  }
0x1e: {  	s6 =	simm.s32 $0x0;
	[dreg:$0x3] =	wrdreg s12;
	s0 =	sshrl.u32 s0, $0x3  }
0x1f: {  	v0 =	vimm.bf16 $0.0e+00;
	v1 =	vlaneseq.u32;
	s12 =	simm.s32 $0x80;
	[dreg:$0x16] =	wrdreg s0;
	s0 =	simm.s32 $0x5400  }
.LBB2_1:
0x20: {  	[dreg:$0x17] =	wrdreg s6;
	s6 =	simm.s32 $0x0  }
.LBB2_2:
0x21: {  	p0 =	sne.s32 s6, $0x1FC0  }
.Ltmp0:
0x22: {  	_ = 	snop;
	(pc) =	sbr.rel @p0 .LBB2_2-.Ltmp0, $3  }
0x23: {  	_ =	sdelay $0x1  }
0x24: {  	s7 =	sshra.s32 s6, $0x2  }
0x25: {  	s6 =	sadd.s32 $0x40, s6;
	[tilespmem:s7+$0xC00] =	vst v0  }
0x26: {  	s6 =	sadd.s32 $0x0, s5  }
0x27: {  	s6 =	smin.u32 s6, $0x18680  }
0x28: {  	v2 =	vor.u32 s6, v1;
	s7 =	sadd.s32 $0x70, s6  }
0x29: {  	s8 =	sadd.s32 $0x60, s6;
	[tilespmem:$0x600] =	vst v2;
	v2 =	vor.u32 s7, v1  }
0x2a: {  	s1 =	sadd.s32 $0x50, s6;
	v3 =	vor.u32 s8, v1;
	[tilespmem:$0x670] =	vst v2  }
0x2b: {  	s9 =	sadd.s32 $0x40, s6;
	v2 =	vor.u32 s1, v1;
	[tilespmem:$0x660] =	vst v3  }
0x2c: {  	s25 =	sadd.s32 $0x30, s6;
	v3 =	vor.u32 s9, v1;
	[tilespmem:$0x650] =	vst v2  }
0x2d: {  	s8 =	sadd.s32 $0x20, s6;
	s7 =	simm.s32 $0x80;
	v2 =	vor.u32 s25, v1;
	[tilespmem:$0x640] =	vst v3  }
.LBB2_4:
0x2e: {  	p0 =	sne.s32 s7, $0x1800;
	s6 =	sadd.s32 $0x10, s6;
	v3 =	vor.u32 s8, v1;
	[tilespmem:$0x630] =	vst v2  }
0x2f: {  	v2 =	vor.u32 s6, v1;
	[tilespmem:$0x620] =	vst v3  }
0x30: {  	[tilespmem:$0x610] =	vst v2;
	[spmem:s2] =	stream.indirect.scatter [tilespmem:s14], [sflag:$0x3], $0x10, s13, s12, $0xb8  }
0x31: {  	s6 =	sadd.s32 s7, s5;
	_ =	swait.ge [sflag:s15], $0x800  }
0x32: {  	s6 =	smin.u32 s6, $0x18680;
	[sflag:s15] =	ssyncset.done $0x0  }
0x33: {  	v2 =	vor.u32 s6, v1;
	s8 =	sadd.s32 $0x70, s6;
	[sflag:s15] =	ssyncadd.s32 $0xFFFFF800  }
.Ltmp1:
0x34: {  	s9 =	sadd.s32 $0x60, s6;
	[tilespmem:$0x600] =	vst v2;
	v2 =	vor.u32 s8, v1;
	(pc) =	sbr.rel @p0 .LBB2_4-.Ltmp1, $4  }
0x35: {  	v3 =	vor.u32 s9, v1;
	s8 =	sadd.s32 $0x50, s6;
	[tilespmem:$0x670] =	vst v2  }
0x36: {  	s9 =	sadd.s32 $0x40, s6;
	v2 =	vor.u32 s8, v1;
	[tilespmem:$0x660] =	vst v3  }
0x37: {  	s25 =	sadd.s32 $0x30, s6;
	v3 =	vor.u32 s9, v1;
	[tilespmem:$0x650] =	vst v2  }
0x38: {  	s7 =	sadd.s32 $0x80, s7;
	s8 =	sadd.s32 $0x20, s6;
	v2 =	vor.u32 s25, v1;
	[tilespmem:$0x640] =	vst v3  }
0x39: {  	s6 =	sadd.s32 $0x10, s6;
	v3 =	vor.u32 s8, v1;
	[tilespmem:$0x630] =	vst v2  }
0x3a: {  	v2 =	vor.u32 s6, v1;
	[tilespmem:$0x620] =	vst v3  }
0x3b: {  	[tilespmem:$0x610] =	vst v2  }
0x3c: {  	[spmem:s2] =	stream.indirect.scatter [tilespmem:s14], [sflag:$0x3], $0x10, s13, s12, $0xb8;
	[tilespmem:$0x1F300] =	vst v63  }
0x3d: {  	_ =	swait.ge [sflag:s15], $0x800  }
0x3e: {  	[sflag:s15] =	ssyncset.done $0x0  }
0x3f: {  	[sflag:s15] =	ssyncadd.s32 $0xFFFFF800  }
0x40: {  	[bflag:$0x0] =	sbarrier.arrive $0xFFFF  }
0x41: {  	s8 =	simm.s32 $0x0;
	s1 =	rddreg [dreg:$0x12]  }
0x42: {  	[tilespmem:s8], [sflag:$0x3] =	stream.linear.gather [hbm4b:s1+s8], $0x300, $0x38;
	[tilespmem:$0x1F300] =	vst v63  }
0x43: {  	_ =	swait.ge [sflag:s15], $0x300  }
0x44: {  	[sflag:s15] =	ssyncset.done $0x0  }
0x45: {  	s9 =	rddreg [dreg:$0x13];
	[sflag:s15] =	ssyncadd.s32 $0xFFFFFD00  }
0x46: {  	[tilespmem:s13], [sflag:$0x3] =	stream.linear.gather [hbm4b:s9+s8], $0x300, $0x38;
	[tilespmem:$0x1F300] =	vst v63  }
0x47: {  	_ =	swait.ge [sflag:s15], $0x300  }
0x48: {  	[sflag:s15] =	ssyncset.done $0x0  }
0x49: {  	[sflag:s15] =	ssyncadd.s32 $0xFFFFFD00  }
0x4a: {  	[tilespmem:s14], [sflag:$0x1] =	stream.indirect.gather [hbm4b:s4+s12], $0x10, s8, s12, $0xb8;
	[tilespmem:$0x1F300] =	vst v63  }
0x4b: {  	_ = 	snop  }
0x4c: {  	[tilespmem:s16], [sflag:$0x1] =	stream.indirect.gather [hbm4b:s4+s12], $0x10, s12, s12, $0xb8;
	[tilespmem:$0x1F300] =	vst v63  }
0x4d: {  	s25 =	simm.s32 $0x100  }
0x4e: {  	[tilespmem:s18], [sflag:$0x1] =	stream.indirect.gather [hbm4b:s4+s12], $0x10, s25, s12, $0xb8;
	[tilespmem:$0x1F300] =	vst v63  }
0x4f: {  	s6 =	simm.s32 $0x180  }
0x50: {  	[tilespmem:s20], [sflag:$0x1] =	stream.indirect.gather [hbm4b:s4+s12], $0x10, s6, s12, $0xb8;
	[tilespmem:$0x1F300] =	vst v63  }
0x51: {  	s7 =	simm.s32 $0x200  }
0x52: {  	[tilespmem:s22], [sflag:$0x1] =	stream.indirect.gather [hbm4b:s4+s12], $0x10, s7, s12, $0xb8;
	[tilespmem:$0x1F300] =	vst v63  }
0x53: {  	s9 =	sadd.s32 $0x0, s11;
	s8 =	simm.s32 $0x280  }
0x54: {  	[tilespmem:s24], [sflag:$0x1] =	stream.indirect.gather [hbm4b:s4+s12], $0x10, s8, s12, $0xb8;
	[tilespmem:$0x1F300] =	vst v63  }
0x55: {  	s6 =	sadd.s32 $0x60, s9  }
0x56: {  	[tilespmem:s26], [sflag:$0x3] =	stream.linear.gather [hbm4b:s6+s3], $0x300, $0x38;
	[tilespmem:$0x1F300] =	vst v63  }
0x57: {  	_ =	swait.ge [sflag:s15], $0x300  }
0x58: {  	s25 =	sadd.s32 $0x0, s10;
	[sflag:s15] =	ssyncset.done $0x0  }
0x59: {  	s6 =	sadd.s32 $0x60, s25;
	[sflag:s15] =	ssyncadd.s32 $0xFFFFFD00  }
0x5a: {  	[tilespmem:s28], [sflag:$0x3] =	stream.linear.gather [hbm4b:s6+s3], $0x300, $0x38;
	[tilespmem:$0x1F300] =	vst v63  }
0x5b: {  	_ =	swait.ge [sflag:s15], $0x300  }
0x5c: {  	[sflag:s15] =	ssyncset.done $0x0  }
0x5d: {  	[sflag:s15] =	ssyncadd.s32 $0xFFFFFD00  }
0x5e: {  	[tilespmem:s29], [sflag:$0x2] =	stream.indirect.gather [hbm4b:s4+s12], $0x10, s26, s12, $0xb8;
	[tilespmem:$0x1F300] =	vst v63  }
0x5f: {  	s1 =	rddreg [dreg:$0x3]  }
0x60: {  	[tilespmem:s30], [sflag:$0x2] =	stream.indirect.gather [hbm4b:s4+s12], $0x10, s1, s12, $0xb8;
	[tilespmem:$0x1F300] =	vst v63  }
0x61: {  	s7 =	rddreg [dreg:$0x4]  }
0x62: {  	[tilespmem:s31], [sflag:$0x2] =	stream.indirect.gather [hbm4b:s4+s12], $0x10, s7, s12, $0xb8;
	[tilespmem:$0x1F300] =	vst v63  }
0x63: {  	s8 =	rddreg [dreg:$0x5]  }
0x64: {  	[tilespmem:s0], [sflag:$0x2] =	stream.indirect.gather [hbm4b:s4+s12], $0x10, s8, s12, $0xb8;
	[tilespmem:$0x1F300] =	vst v63  }
0x65: {  	s9 =	rddreg [dreg:$0x6]  }
0x66: {  	[tilespmem:s17], [sflag:$0x2] =	stream.indirect.gather [hbm4b:s4+s12], $0x10, s9, s12, $0xb8;
	[tilespmem:$0x1F300] =	vst v63  }
0x67: {  	s25 =	rddreg [dreg:$0x7]  }
0x68: {  	[tilespmem:s19], [sflag:$0x2] =	stream.indirect.gather [hbm4b:s4+s12], $0x10, s25, s12, $0xb8;
	[tilespmem:$0x1F300] =	vst v63  }
0x69: {  	_ =	swait.ge [sflag:s21], $0x800  }
0x6a: {  	[sflag:s21] =	ssyncset.done $0x0  }
0x6b: {  	[sflag:s21] =	ssyncadd.s32 $0xFFFFF800  }
0x6c: {  	_ =	swait.ge [sflag:s21], $0x800  }
0x6d: {  	[sflag:s21] =	ssyncset.done $0x0  }
0x6e: {  	[sflag:s21] =	ssyncadd.s32 $0xFFFFF800  }
0x6f: {  	_ =	swait.ge [sflag:s21], $0x800  }
0x70: {  	[sflag:s21] =	ssyncset.done $0x0  }
0x71: {  	[sflag:s21] =	ssyncadd.s32 $0xFFFFF800  }
0x72: {  	_ =	swait.ge [sflag:s21], $0x800  }
0x73: {  	[sflag:s21] =	ssyncset.done $0x0  }
0x74: {  	[sflag:s21] =	ssyncadd.s32 $0xFFFFF800  }
0x75: {  	_ =	swait.ge [sflag:s21], $0x800  }
0x76: {  	[sflag:s21] =	ssyncset.done $0x0  }
0x77: {  	[sflag:s21] =	ssyncadd.s32 $0xFFFFF800  }
0x78: {  	_ =	swait.ge [sflag:s21], $0x800  }
0x79: {  	[sflag:s21] =	ssyncset.done $0x0  }
0x7a: {  	[sflag:s21] =	ssyncadd.s32 $0xFFFFF800  }
0x7b: {  	[spmem:s2] =	stream.indirect.scatter.add.bf16 [tilespmem:s14], [sflag:$0x3], $0x10, s13, s12, $0xb8;
	[tilespmem:$0x1F300] =	vst v63  }
0x7c: {  	_ =	swait.ge [sflag:s15], $0x800  }
0x7d: {  	[sflag:s15] =	ssyncset.done $0x0  }
0x7e: {  	s1 =	rddreg [dreg:$0x8];
	[sflag:s15] =	ssyncadd.s32 $0xFFFFF800  }
0x7f: {  	[spmem:s2] =	stream.indirect.scatter.add.bf16 [tilespmem:s16], [sflag:$0x3], $0x10, s1, s12, $0xb8;
	[tilespmem:$0x1F300] =	vst v63  }
0x80: {  	_ =	swait.ge [sflag:s15], $0x800  }
0x81: {  	[sflag:s15] =	ssyncset.done $0x0  }
0x82: {  	s7 =	rddreg [dreg:$0x9];
	[sflag:s15] =	ssyncadd.s32 $0xFFFFF800  }
0x83: {  	[spmem:s2] =	stream.indirect.scatter.add.bf16 [tilespmem:s18], [sflag:$0x3], $0x10, s7, s12, $0xb8;
	[tilespmem:$0x1F300] =	vst v63  }
0x84: {  	_ =	swait.ge [sflag:s15], $0x800  }
0x85: {  	[sflag:s15] =	ssyncset.done $0x0  }
0x86: {  	s8 =	rddreg [dreg:$0xa];
	[sflag:s15] =	ssyncadd.s32 $0xFFFFF800  }
0x87: {  	[spmem:s2] =	stream.indirect.scatter.add.bf16 [tilespmem:s20], [sflag:$0x3], $0x10, s8, s12, $0xb8;
	[tilespmem:$0x1F300] =	vst v63  }
0x88: {  	_ =	swait.ge [sflag:s15], $0x800  }
0x89: {  	[sflag:s15] =	ssyncset.done $0x0  }
0x8a: {  	s9 =	rddreg [dreg:$0xb];
	[sflag:s15] =	ssyncadd.s32 $0xFFFFF800  }
0x8b: {  	[spmem:s2] =	stream.indirect.scatter.add.bf16 [tilespmem:s22], [sflag:$0x3], $0x10, s9, s12, $0xb8;
	[tilespmem:$0x1F300] =	vst v63  }
0x8c: {  	_ =	swait.ge [sflag:s15], $0x800  }
0x8d: {  	[sflag:s15] =	ssyncset.done $0x0  }
0x8e: {  	p0 =	por $0x0, $0x0;
	s25 =	rddreg [dreg:$0xc];
	[sflag:s15] =	ssyncadd.s32 $0xFFFFF800  }
0x8f: {  	[spmem:s2] =	stream.indirect.scatter.add.bf16 [tilespmem:s24], [sflag:$0x3], $0x10, s25, s12, $0xb8;
	[tilespmem:$0x1F300] =	vst v63  }
0x90: {  	s6 =	sadd.s32 @!p0 $0x0, s11;
	_ =	swait.ge [sflag:s15], $0x800  }
0x91: {  	s6 =	sadd.s32 @!p0 $0xC0, s6;
	[sflag:s15] =	ssyncset.done $0x0  }
0x92: {  	s7 =	simm.s32 @!p0 $0x3;
	s8 =	simm.s32 @!p0 $0x0;
	[sflag:s15] =	ssyncadd.s32 $0xFFFFF800  }
0x93: {  	[tilespmem:s8], [sflag:$0x3] =	stream.linear.gather @!p0 [hbm4b:s6+s8], $0x300, $0x38;
	[tilespmem:$0x1F300] =	vst v63  }
0x94: {  	_ =	swait.ge @!p0 [sflag:s7], $0x300  }
0x95: {  	s6 =	sadd.s32 @!p0 $0x0, s10;
	[sflag:s7] =	ssyncset.done @!p0 $0x0  }
0x96: {  	s9 =	simm.s32 @!p0 $0x600;
	s6 =	sadd.s32 @!p0 $0xC0, s6;
	[sflag:s7] =	ssyncadd.s32 @!p0 $0xFFFFFD00  }
0x97: {  	[tilespmem:s9], [sflag:$0x3] =	stream.linear.gather @!p0 [hbm4b:s6+s8], $0x300, $0x38;
	[tilespmem:$0x1F300] =	vst v63  }
0x98: {  	_ =	swait.ge @!p0 [sflag:s7], $0x300  }
0x99: {  	[sflag:s7] =	ssyncset.done @!p0 $0x0  }
0x9a: {  	s6 =	simm.s32 @!p0 $0x80;
	[sflag:s7] =	ssyncadd.s32 @!p0 $0xFFFFFD00;
	s7 =	simm.s32 @!p0 $0xC00  }
0x9b: {  	[tilespmem:s7], [sflag:$0x1] =	stream.indirect.gather @!p0 [hbm4b:s4+s6], $0x10, s8, s6, $0xb8;
	[tilespmem:$0x1F300] =	vst v63  }
0x9c: {  	s7 =	simm.s32 @!p0 $0x1400  }
0x9d: {  	[tilespmem:s7], [sflag:$0x1] =	stream.indirect.gather @!p0 [hbm4b:s4+s6], $0x10, s6, s6, $0xb8;
	[tilespmem:$0x1F300] =	vst v63  }
0x9e: {  	s8 =	simm.s32 @!p0 $0x1C00;
	s7 =	simm.s32 @!p0 $0x100  }
0x9f: {  	[tilespmem:s8], [sflag:$0x1] =	stream.indirect.gather @!p0 [hbm4b:s4+s6], $0x10, s7, s6, $0xb8;
	[tilespmem:$0x1F300] =	vst v63  }
0xa0: {  	s7 =	simm.s32 @!p0 $0x180;
	s8 =	simm.s32 @!p0 $0x2400  }
0xa1: {  	[tilespmem:s8], [sflag:$0x1] =	stream.indirect.gather @!p0 [hbm4b:s4+s6], $0x10, s7, s6, $0xb8;
	[tilespmem:$0x1F300] =	vst v63  }
0xa2: {  	s7 =	simm.s32 @!p0 $0x200;
	s8 =	simm.s32 @!p0 $0x2C00  }
0xa3: {  	[tilespmem:s8], [sflag:$0x1] =	stream.indirect.gather @!p0 [hbm4b:s4+s6], $0x10, s7, s6, $0xb8;
	[tilespmem:$0x1F300] =	vst v63  }
0xa4: {  	s7 =	simm.s32 @!p0 $0x280;
	s8 =	simm.s32 @!p0 $0x3400  }
0xa5: {  	[tilespmem:s8], [sflag:$0x1] =	stream.indirect.gather @!p0 [hbm4b:s4+s6], $0x10, s7, s6, $0xb8;
	[tilespmem:$0x1F300] =	vst v63  }
0xa6: {  	_ =	swait.ge [sflag:s23], $0x800  }
0xa7: {  	[sflag:s23] =	ssyncset.done $0x0  }
0xa8: {  	[sflag:s23] =	ssyncadd.s32 $0xFFFFF800  }
0xa9: {  	_ =	swait.ge [sflag:s23], $0x800  }
0xaa: {  	[sflag:s23] =	ssyncset.done $0x0  }
0xab: {  	[sflag:s23] =	ssyncadd.s32 $0xFFFFF800  }
0xac: {  	_ =	swait.ge [sflag:s23], $0x800  }
0xad: {  	[sflag:s23] =	ssyncset.done $0x0  }
0xae: {  	[sflag:s23] =	ssyncadd.s32 $0xFFFFF800  }
0xaf: {  	_ =	swait.ge [sflag:s23], $0x800  }
0xb0: {  	[sflag:s23] =	ssyncset.done $0x0  }
0xb1: {  	[sflag:s23] =	ssyncadd.s32 $0xFFFFF800  }
0xb2: {  	_ =	swait.ge [sflag:s23], $0x800  }
0xb3: {  	[sflag:s23] =	ssyncset.done $0x0  }
0xb4: {  	[sflag:s23] =	ssyncadd.s32 $0xFFFFF800  }
0xb5: {  	_ =	swait.ge [sflag:s23], $0x800  }
0xb6: {  	[sflag:s23] =	ssyncset.done $0x0  }
0xb7: {  	[sflag:s23] =	ssyncadd.s32 $0xFFFFF800  }
0xb8: {  	[spmem:s2] =	stream.indirect.scatter.add.bf16 [tilespmem:s29], [sflag:$0x3], $0x10, s28, s12, $0xb8;
	[tilespmem:$0x1F300] =	vst v63  }
0xb9: {  	_ =	swait.ge [sflag:s15], $0x800  }
0xba: {  	[sflag:s15] =	ssyncset.done $0x0  }
0xbb: {  	s1 =	rddreg [dreg:$0xd];
	[sflag:s15] =	ssyncadd.s32 $0xFFFFF800  }
0xbc: {  	[spmem:s2] =	stream.indirect.scatter.add.bf16 [tilespmem:s30], [sflag:$0x3], $0x10, s1, s12, $0xb8;
	[tilespmem:$0x1F300] =	vst v63  }
0xbd: {  	_ =	swait.ge [sflag:s15], $0x800  }
0xbe: {  	[sflag:s15] =	ssyncset.done $0x0  }
0xbf: {  	s7 =	rddreg [dreg:$0xe];
	[sflag:s15] =	ssyncadd.s32 $0xFFFFF800  }
0xc0: {  	[spmem:s2] =	stream.indirect.scatter.add.bf16 [tilespmem:s31], [sflag:$0x3], $0x10, s7, s12, $0xb8;
	[tilespmem:$0x1F300] =	vst v63  }
0xc1: {  	_ =	swait.ge [sflag:s15], $0x800  }
0xc2: {  	[sflag:s15] =	ssyncset.done $0x0  }
0xc3: {  	s8 =	rddreg [dreg:$0xf];
	[sflag:s15] =	ssyncadd.s32 $0xFFFFF800  }
0xc4: {  	[spmem:s2] =	stream.indirect.scatter.add.bf16 [tilespmem:s0], [sflag:$0x3], $0x10, s8, s12, $0xb8;
	[tilespmem:$0x1F300] =	vst v63  }
0xc5: {  	_ =	swait.ge [sflag:s15], $0x800  }
0xc6: {  	[sflag:s15] =	ssyncset.done $0x0  }
0xc7: {  	s9 =	rddreg [dreg:$0x10];
	[sflag:s15] =	ssyncadd.s32 $0xFFFFF800  }
0xc8: {  	[spmem:s2] =	stream.indirect.scatter.add.bf16 [tilespmem:s17], [sflag:$0x3], $0x10, s9, s12, $0xb8;
	[tilespmem:$0x1F300] =	vst v63  }
0xc9: {  	_ =	swait.ge [sflag:s15], $0x800  }
0xca: {  	[sflag:s15] =	ssyncset.done $0x0  }
0xcb: {  	s25 =	rddreg [dreg:$0x11];
	[sflag:s15] =	ssyncadd.s32 $0xFFFFF800  }
0xcc: {  	[spmem:s2] =	stream.indirect.scatter.add.bf16 [tilespmem:s19], [sflag:$0x3], $0x10, s25, s12, $0xb8;
	[tilespmem:$0x1F300] =	vst v63  }
0xcd: {  	s6 =	simm.s32 $0xC0;
	_ =	swait.ge [sflag:s15], $0x800  }
0xce: {  	s7 =	simm.s32 $0x180;
	s8 =	sadd.s32 $0xC0, s11;
	[sflag:s15] =	ssyncset.done $0x0  }
.LBB2_6:
0xcf: {  	s9 =	sadd.s32 $0x60, s8;
	[sflag:s15] =	ssyncadd.s32 $0xFFFFF800  }
0xd0: {  	[tilespmem:s26], [sflag:$0x3] =	stream.linear.gather [hbm4b:s9+s3], $0x300, $0x38;
	[tilespmem:$0x1F300] =	vst v63  }
0xd1: {  	_ =	swait.ge [sflag:s15], $0x300  }
0xd2: {  	s25 =	sadd.s32 s6, s10;
	[sflag:s15] =	ssyncset.done $0x0  }
0xd3: {  	s9 =	sadd.s32 $0x60, s25;
	[sflag:s15] =	ssyncadd.s32 $0xFFFFFD00  }
0xd4: {  	[tilespmem:s28], [sflag:$0x3] =	stream.linear.gather [hbm4b:s9+s3], $0x300, $0x38;
	[tilespmem:$0x1F300] =	vst v63  }
0xd5: {  	_ =	swait.ge [sflag:s15], $0x300  }
0xd6: {  	[sflag:s15] =	ssyncset.done $0x0  }
0xd7: {  	[sflag:s15] =	ssyncadd.s32 $0xFFFFFD00  }
0xd8: {  	[tilespmem:s29], [sflag:$0x2] =	stream.indirect.gather [hbm4b:s4+s12], $0x10, s26, s12, $0xb8;
	[tilespmem:$0x1F300] =	vst v63  }
0xd9: {  	s1 =	rddreg [dreg:$0x3]  }
0xda: {  	[tilespmem:s30], [sflag:$0x2] =	stream.indirect.gather [hbm4b:s4+s12], $0x10, s1, s12, $0xb8;
	[tilespmem:$0x1F300] =	vst v63  }
0xdb: {  	s25 =	rddreg [dreg:$0x4]  }
0xdc: {  	[tilespmem:s31], [sflag:$0x2] =	stream.indirect.gather [hbm4b:s4+s12], $0x10, s25, s12, $0xb8;
	[tilespmem:$0x1F300] =	vst v63  }
0xdd: {  	s1 =	rddreg [dreg:$0x5]  }
0xde: {  	[tilespmem:s0], [sflag:$0x2] =	stream.indirect.gather [hbm4b:s4+s12], $0x10, s1, s12, $0xb8;
	[tilespmem:$0x1F300] =	vst v63  }
0xdf: {  	s25 =	rddreg [dreg:$0x6]  }
0xe0: {  	[tilespmem:s17], [sflag:$0x2] =	stream.indirect.gather [hbm4b:s4+s12], $0x10, s25, s12, $0xb8;
	[tilespmem:$0x1F300] =	vst v63  }
0xe1: {  	s1 =	rddreg [dreg:$0x7]  }
0xe2: {  	[tilespmem:s19], [sflag:$0x2] =	stream.indirect.gather [hbm4b:s4+s12], $0x10, s1, s12, $0xb8;
	[tilespmem:$0x1F300] =	vst v63  }
0xe3: {  	_ =	swait.ge [sflag:s21], $0x800  }
0xe4: {  	[sflag:s21] =	ssyncset.done $0x0  }
0xe5: {  	[sflag:s21] =	ssyncadd.s32 $0xFFFFF800  }
0xe6: {  	_ =	swait.ge [sflag:s21], $0x800  }
0xe7: {  	[sflag:s21] =	ssyncset.done $0x0  }
0xe8: {  	[sflag:s21] =	ssyncadd.s32 $0xFFFFF800  }
0xe9: {  	_ =	swait.ge [sflag:s21], $0x800  }
0xea: {  	[sflag:s21] =	ssyncset.done $0x0  }
0xeb: {  	[sflag:s21] =	ssyncadd.s32 $0xFFFFF800  }
0xec: {  	_ =	swait.ge [sflag:s21], $0x800  }
0xed: {  	[sflag:s21] =	ssyncset.done $0x0  }
0xee: {  	[sflag:s21] =	ssyncadd.s32 $0xFFFFF800  }
0xef: {  	_ =	swait.ge [sflag:s21], $0x800  }
0xf0: {  	[sflag:s21] =	ssyncset.done $0x0  }
0xf1: {  	[sflag:s21] =	ssyncadd.s32 $0xFFFFF800  }
0xf2: {  	_ =	swait.ge [sflag:s21], $0x800  }
0xf3: {  	[sflag:s21] =	ssyncset.done $0x0  }
0xf4: {  	[sflag:s21] =	ssyncadd.s32 $0xFFFFF800  }
0xf5: {  	[spmem:s2] =	stream.indirect.scatter.add.bf16 [tilespmem:s14], [sflag:$0x3], $0x10, s13, s12, $0xb8;
	[tilespmem:$0x1F300] =	vst v63  }
0xf6: {  	_ =	swait.ge [sflag:s15], $0x800  }
0xf7: {  	[sflag:s15] =	ssyncset.done $0x0  }
0xf8: {  	s1 =	rddreg [dreg:$0x8];
	[sflag:s15] =	ssyncadd.s32 $0xFFFFF800  }
0xf9: {  	[spmem:s2] =	stream.indirect.scatter.add.bf16 [tilespmem:s16], [sflag:$0x3], $0x10, s1, s12, $0xb8;
	[tilespmem:$0x1F300] =	vst v63  }
0xfa: {  	_ =	swait.ge [sflag:s15], $0x800  }
0xfb: {  	[sflag:s15] =	ssyncset.done $0x0  }
0xfc: {  	s25 =	rddreg [dreg:$0x9];
	[sflag:s15] =	ssyncadd.s32 $0xFFFFF800  }
0xfd: {  	[spmem:s2] =	stream.indirect.scatter.add.bf16 [tilespmem:s18], [sflag:$0x3], $0x10, s25, s12, $0xb8;
	[tilespmem:$0x1F300] =	vst v63  }
0xfe: {  	_ =	swait.ge [sflag:s15], $0x800  }
0xff: {  	[sflag:s15] =	ssyncset.done $0x0  }
0x100: {  	s1 =	rddreg [dreg:$0xa];
	[sflag:s15] =	ssyncadd.s32 $0xFFFFF800  }
0x101: {  	[spmem:s2] =	stream.indirect.scatter.add.bf16 [tilespmem:s20], [sflag:$0x3], $0x10, s1, s12, $0xb8;
	[tilespmem:$0x1F300] =	vst v63  }
0x102: {  	_ =	swait.ge [sflag:s15], $0x800  }
0x103: {  	[sflag:s15] =	ssyncset.done $0x0  }
0x104: {  	s25 =	rddreg [dreg:$0xb];
	[sflag:s15] =	ssyncadd.s32 $0xFFFFF800  }
0x105: {  	[spmem:s2] =	stream.indirect.scatter.add.bf16 [tilespmem:s22], [sflag:$0x3], $0x10, s25, s12, $0xb8;
	[tilespmem:$0x1F300] =	vst v63  }
0x106: {  	_ =	swait.ge [sflag:s15], $0x800  }
0x107: {  	[sflag:s15] =	ssyncset.done $0x0  }
0x108: {  	p1 =	seq.s32 s6, $0x1800;
	s1 =	rddreg [dreg:$0xc];
	[sflag:s15] =	ssyncadd.s32 $0xFFFFF800  }
0x109: {  	[spmem:s2] =	stream.indirect.scatter.add.bf16 [tilespmem:s24], [sflag:$0x3], $0x10, s1, s12, $0xb8;
	[tilespmem:$0x1F300] =	vst v63  }
0x10a: {  	s9 =	sadd.s32 @!p1 s6, s11;
	_ =	swait.ge [sflag:s15], $0x800  }
0x10b: {  	s9 =	sadd.s32 @!p1 $0xC0, s9;
	[sflag:s15] =	ssyncset.done $0x0  }
0x10c: {  	s25 =	simm.s32 @!p1 $0x3;
	s1 =	simm.s32 @!p1 $0x0;
	[sflag:s15] =	ssyncadd.s32 $0xFFFFF800  }
0x10d: {  	[tilespmem:s1], [sflag:$0x3] =	stream.linear.gather @!p1 [hbm4b:s9+s1], $0x300, $0x38;
	[tilespmem:$0x1F300] =	vst v63  }
0x10e: {  	s8 =	smov.u32 s7;
	_ =	swait.ge @!p1 [sflag:s25], $0x300  }
0x10f: {  	s9 =	sadd.s32 @!p1 s6, s10;
	s6 =	smov.u32 s8;
	[sflag:s25] =	ssyncset.done @!p1 $0x0  }
0x110: {  	s8 =	sadd.s32 @!p1 $0xC0, s9;
	s9 =	simm.s32 @!p1 $0x600;
	[sflag:s25] =	ssyncadd.s32 @!p1 $0xFFFFFD00  }
0x111: {  	[tilespmem:s9], [sflag:$0x3] =	stream.linear.gather @!p1 [hbm4b:s8+s1], $0x300, $0x38;
	[tilespmem:$0x1F300] =	vst v63  }
0x112: {  	_ =	swait.ge @!p1 [sflag:s25], $0x300  }
0x113: {  	[sflag:s25] =	ssyncset.done @!p1 $0x0  }
0x114: {  	s8 =	simm.s32 @!p1 $0x80;
	s9 =	simm.s32 @!p1 $0xC00;
	[sflag:s25] =	ssyncadd.s32 @!p1 $0xFFFFFD00  }
0x115: {  	[tilespmem:s9], [sflag:$0x1] =	stream.indirect.gather @!p1 [hbm4b:s4+s8], $0x10, s1, s8, $0xb8;
	[tilespmem:$0x1F300] =	vst v63  }
0x116: {  	s1 =	simm.s32 @!p1 $0x1400  }
0x117: {  	[tilespmem:s1], [sflag:$0x1] =	stream.indirect.gather @!p1 [hbm4b:s4+s8], $0x10, s8, s8, $0xb8;
	[tilespmem:$0x1F300] =	vst v63  }
0x118: {  	s9 =	simm.s32 @!p1 $0x1C00;
	s1 =	simm.s32 @!p1 $0x100  }
0x119: {  	[tilespmem:s9], [sflag:$0x1] =	stream.indirect.gather @!p1 [hbm4b:s4+s8], $0x10, s1, s8, $0xb8;
	[tilespmem:$0x1F300] =	vst v63  }
0x11a: {  	s1 =	simm.s32 @!p1 $0x180;
	s9 =	simm.s32 @!p1 $0x2400  }
0x11b: {  	[tilespmem:s9], [sflag:$0x1] =	stream.indirect.gather @!p1 [hbm4b:s4+s8], $0x10, s1, s8, $0xb8;
	[tilespmem:$0x1F300] =	vst v63  }
0x11c: {  	s1 =	simm.s32 @!p1 $0x200;
	s9 =	simm.s32 @!p1 $0x2C00  }
0x11d: {  	[tilespmem:s9], [sflag:$0x1] =	stream.indirect.gather @!p1 [hbm4b:s4+s8], $0x10, s1, s8, $0xb8;
	[tilespmem:$0x1F300] =	vst v63  }
0x11e: {  	s1 =	simm.s32 @!p1 $0x280;
	s9 =	simm.s32 @!p1 $0x3400  }
0x11f: {  	[tilespmem:s9], [sflag:$0x1] =	stream.indirect.gather @!p1 [hbm4b:s4+s8], $0x10, s1, s8, $0xb8;
	[tilespmem:$0x1F300] =	vst v63  }
0x120: {  	_ =	swait.ge [sflag:s23], $0x800  }
0x121: {  	[sflag:s23] =	ssyncset.done $0x0  }
0x122: {  	[sflag:s23] =	ssyncadd.s32 $0xFFFFF800  }
0x123: {  	_ =	swait.ge [sflag:s23], $0x800  }
0x124: {  	[sflag:s23] =	ssyncset.done $0x0  }
0x125: {  	[sflag:s23] =	ssyncadd.s32 $0xFFFFF800  }
0x126: {  	_ =	swait.ge [sflag:s23], $0x800  }
0x127: {  	[sflag:s23] =	ssyncset.done $0x0  }
0x128: {  	[sflag:s23] =	ssyncadd.s32 $0xFFFFF800  }
0x129: {  	_ =	swait.ge [sflag:s23], $0x800  }
0x12a: {  	[sflag:s23] =	ssyncset.done $0x0  }
0x12b: {  	[sflag:s23] =	ssyncadd.s32 $0xFFFFF800  }
0x12c: {  	_ =	swait.ge [sflag:s23], $0x800  }
0x12d: {  	[sflag:s23] =	ssyncset.done $0x0  }
0x12e: {  	[sflag:s23] =	ssyncadd.s32 $0xFFFFF800  }
0x12f: {  	_ =	swait.ge [sflag:s23], $0x800  }
0x130: {  	[sflag:s23] =	ssyncset.done $0x0  }
0x131: {  	[sflag:s23] =	ssyncadd.s32 $0xFFFFF800  }
0x132: {  	[spmem:s2] =	stream.indirect.scatter.add.bf16 [tilespmem:s29], [sflag:$0x3], $0x10, s28, s12, $0xb8;
	[tilespmem:$0x1F300] =	vst v63  }
0x133: {  	_ =	swait.ge [sflag:s15], $0x800  }
0x134: {  	[sflag:s15] =	ssyncset.done $0x0  }
0x135: {  	s9 =	rddreg [dreg:$0xd];
	[sflag:s15] =	ssyncadd.s32 $0xFFFFF800  }
0x136: {  	[spmem:s2] =	stream.indirect.scatter.add.bf16 [tilespmem:s30], [sflag:$0x3], $0x10, s9, s12, $0xb8;
	[tilespmem:$0x1F300] =	vst v63  }
0x137: {  	_ =	swait.ge [sflag:s15], $0x800  }
0x138: {  	[sflag:s15] =	ssyncset.done $0x0  }
0x139: {  	s25 =	rddreg [dreg:$0xe];
	[sflag:s15] =	ssyncadd.s32 $0xFFFFF800  }
0x13a: {  	[spmem:s2] =	stream.indirect.scatter.add.bf16 [tilespmem:s31], [sflag:$0x3], $0x10, s25, s12, $0xb8;
	[tilespmem:$0x1F300] =	vst v63  }
0x13b: {  	_ =	swait.ge [sflag:s15], $0x800  }
0x13c: {  	[sflag:s15] =	ssyncset.done $0x0  }
0x13d: {  	s8 =	rddreg [dreg:$0xf];
	[sflag:s15] =	ssyncadd.s32 $0xFFFFF800  }
0x13e: {  	[spmem:s2] =	stream.indirect.scatter.add.bf16 [tilespmem:s0], [sflag:$0x3], $0x10, s8, s12, $0xb8;
	[tilespmem:$0x1F300] =	vst v63  }
0x13f: {  	_ =	swait.ge [sflag:s15], $0x800  }
0x140: {  	[sflag:s15] =	ssyncset.done $0x0  }
0x141: {  	s7 =	sadd.s32 $0xC0, s7;
	s9 =	rddreg [dreg:$0x10];
	[sflag:s15] =	ssyncadd.s32 $0xFFFFF800  }
0x142: {  	[spmem:s2] =	stream.indirect.scatter.add.bf16 [tilespmem:s17], [sflag:$0x3], $0x10, s9, s12, $0xb8;
	[tilespmem:$0x1F300] =	vst v63  }
0x143: {  	p0 =	sne.s32 s7, $0x18C0;
	_ =	swait.ge [sflag:s15], $0x800  }
.Ltmp2:
0x144: {  	[sflag:s15] =	ssyncset.done $0x0;
	(pc) =	sbr.rel @p0 .LBB2_6-.Ltmp2, $4  }
0x145: {  	s25 =	rddreg [dreg:$0x11];
	[sflag:s15] =	ssyncadd.s32 $0xFFFFF800  }
0x146: {  	[spmem:s2] =	stream.indirect.scatter.add.bf16 [tilespmem:s19], [sflag:$0x3], $0x10, s25, s12, $0xb8;
	[tilespmem:$0x1F300] =	vst v63  }
0x147: {  	_ =	swait.ge [sflag:s15], $0x800  }
0x148: {  	s8 =	sadd.s32 s6, s11;
	[sflag:s15] =	ssyncset.done $0x0  }
0x149: {  	s1 =	sadd.s32 $0x60, s8;
	[sflag:s15] =	ssyncadd.s32 $0xFFFFF800  }
0x14a: {  	[tilespmem:s26], [sflag:$0x3] =	stream.linear.gather [hbm4b:s1+s3], $0x300, $0x38;
	[tilespmem:$0x1F300] =	vst v63  }
0x14b: {  	_ =	swait.ge [sflag:s15], $0x300  }
0x14c: {  	s8 =	sadd.s32 s6, s10;
	[sflag:s15] =	ssyncset.done $0x0  }
0x14d: {  	s1 =	sadd.s32 $0x60, s8;
	[sflag:s15] =	ssyncadd.s32 $0xFFFFFD00  }
0x14e: {  	[tilespmem:s28], [sflag:$0x3] =	stream.linear.gather [hbm4b:s1+s3], $0x300, $0x38;
	[tilespmem:$0x1F300] =	vst v63  }
0x14f: {  	_ =	swait.ge [sflag:s15], $0x300  }
0x150: {  	[sflag:s15] =	ssyncset.done $0x0  }
0x151: {  	[sflag:s15] =	ssyncadd.s32 $0xFFFFFD00  }
0x152: {  	[tilespmem:s29], [sflag:$0x2] =	stream.indirect.gather [hbm4b:s4+s12], $0x10, s26, s12, $0xb8;
	[tilespmem:$0x1F300] =	vst v63  }
0x153: {  	s9 =	rddreg [dreg:$0x3]  }
0x154: {  	[tilespmem:s30], [sflag:$0x2] =	stream.indirect.gather [hbm4b:s4+s12], $0x10, s9, s12, $0xb8;
	[tilespmem:$0x1F300] =	vst v63  }
0x155: {  	s7 =	rddreg [dreg:$0x4]  }
0x156: {  	[tilespmem:s31], [sflag:$0x2] =	stream.indirect.gather [hbm4b:s4+s12], $0x10, s7, s12, $0xb8;
	[tilespmem:$0x1F300] =	vst v63  }
0x157: {  	s25 =	rddreg [dreg:$0x5]  }
0x158: {  	[tilespmem:s0], [sflag:$0x2] =	stream.indirect.gather [hbm4b:s4+s12], $0x10, s25, s12, $0xb8;
	[tilespmem:$0x1F300] =	vst v63  }
0x159: {  	s8 =	rddreg [dreg:$0x6]  }
0x15a: {  	[tilespmem:s17], [sflag:$0x2] =	stream.indirect.gather [hbm4b:s4+s12], $0x10, s8, s12, $0xb8;
	[tilespmem:$0x1F300] =	vst v63  }
0x15b: {  	s9 =	rddreg [dreg:$0x7]  }
0x15c: {  	[tilespmem:s19], [sflag:$0x2] =	stream.indirect.gather [hbm4b:s4+s12], $0x10, s9, s12, $0xb8;
	[tilespmem:$0x1F300] =	vst v63  }
0x15d: {  	_ =	swait.ge [sflag:s21], $0x800  }
0x15e: {  	[sflag:s21] =	ssyncset.done $0x0  }
0x15f: {  	[sflag:s21] =	ssyncadd.s32 $0xFFFFF800  }
0x160: {  	_ =	swait.ge [sflag:s21], $0x800  }
0x161: {  	[sflag:s21] =	ssyncset.done $0x0  }
0x162: {  	[sflag:s21] =	ssyncadd.s32 $0xFFFFF800  }
0x163: {  	_ =	swait.ge [sflag:s21], $0x800  }
0x164: {  	[sflag:s21] =	ssyncset.done $0x0  }
0x165: {  	[sflag:s21] =	ssyncadd.s32 $0xFFFFF800  }
0x166: {  	_ =	swait.ge [sflag:s21], $0x800  }
0x167: {  	[sflag:s21] =	ssyncset.done $0x0  }
0x168: {  	[sflag:s21] =	ssyncadd.s32 $0xFFFFF800  }
0x169: {  	_ =	swait.ge [sflag:s21], $0x800  }
0x16a: {  	[sflag:s21] =	ssyncset.done $0x0  }
0x16b: {  	[sflag:s21] =	ssyncadd.s32 $0xFFFFF800  }
0x16c: {  	_ =	swait.ge [sflag:s21], $0x800  }
0x16d: {  	[sflag:s21] =	ssyncset.done $0x0  }
0x16e: {  	[sflag:s21] =	ssyncadd.s32 $0xFFFFF800  }
0x16f: {  	[spmem:s2] =	stream.indirect.scatter.add.bf16 [tilespmem:s14], [sflag:$0x3], $0x10, s13, s12, $0xb8;
	[tilespmem:$0x1F300] =	vst v63  }
0x170: {  	_ =	swait.ge [sflag:s15], $0x800  }
0x171: {  	[sflag:s15] =	ssyncset.done $0x0  }
0x172: {  	s25 =	rddreg [dreg:$0x8];
	[sflag:s15] =	ssyncadd.s32 $0xFFFFF800  }
0x173: {  	[spmem:s2] =	stream.indirect.scatter.add.bf16 [tilespmem:s16], [sflag:$0x3], $0x10, s25, s12, $0xb8;
	[tilespmem:$0x1F300] =	vst v63  }
0x174: {  	_ =	swait.ge [sflag:s15], $0x800  }
0x175: {  	[sflag:s15] =	ssyncset.done $0x0  }
0x176: {  	s7 =	rddreg [dreg:$0x9];
	[sflag:s15] =	ssyncadd.s32 $0xFFFFF800  }
0x177: {  	[spmem:s2] =	stream.indirect.scatter.add.bf16 [tilespmem:s18], [sflag:$0x3], $0x10, s7, s12, $0xb8;
	[tilespmem:$0x1F300] =	vst v63  }
0x178: {  	_ =	swait.ge [sflag:s15], $0x800  }
0x179: {  	[sflag:s15] =	ssyncset.done $0x0  }
0x17a: {  	s8 =	rddreg [dreg:$0xa];
	[sflag:s15] =	ssyncadd.s32 $0xFFFFF800  }
0x17b: {  	[spmem:s2] =	stream.indirect.scatter.add.bf16 [tilespmem:s20], [sflag:$0x3], $0x10, s8, s12, $0xb8;
	[tilespmem:$0x1F300] =	vst v63  }
0x17c: {  	_ =	swait.ge [sflag:s15], $0x800  }
0x17d: {  	[sflag:s15] =	ssyncset.done $0x0  }
0x17e: {  	s9 =	rddreg [dreg:$0xb];
	[sflag:s15] =	ssyncadd.s32 $0xFFFFF800  }
0x17f: {  	[spmem:s2] =	stream.indirect.scatter.add.bf16 [tilespmem:s22], [sflag:$0x3], $0x10, s9, s12, $0xb8;
	[tilespmem:$0x1F300] =	vst v63  }
0x180: {  	_ =	swait.ge [sflag:s15], $0x800  }
0x181: {  	[sflag:s15] =	ssyncset.done $0x0  }
0x182: {  	p0 =	seq.s32 s6, $0x1800;
	s25 =	rddreg [dreg:$0xc];
	[sflag:s15] =	ssyncadd.s32 $0xFFFFF800  }
0x183: {  	[spmem:s2] =	stream.indirect.scatter.add.bf16 [tilespmem:s24], [sflag:$0x3], $0x10, s25, s12, $0xb8;
	[tilespmem:$0x1F300] =	vst v63  }
0x184: {  	s1 =	sadd.s32 @!p0 s6, s11;
	_ =	swait.ge [sflag:s15], $0x800  }
0x185: {  	s1 =	sadd.s32 @!p0 $0xC0, s1;
	[sflag:s15] =	ssyncset.done $0x0  }
0x186: {  	s7 =	simm.s32 @!p0 $0x3;
	s8 =	simm.s32 @!p0 $0x0;
	[sflag:s15] =	ssyncadd.s32 $0xFFFFF800  }
0x187: {  	[tilespmem:s8], [sflag:$0x3] =	stream.linear.gather @!p0 [hbm4b:s1+s8], $0x300, $0x38;
	[tilespmem:$0x1F300] =	vst v63  }
0x188: {  	_ =	swait.ge @!p0 [sflag:s7], $0x300  }
0x189: {  	s1 =	sadd.s32 @!p0 s6, s10;
	[sflag:s7] =	ssyncset.done @!p0 $0x0  }
0x18a: {  	s6 =	simm.s32 @!p0 $0x600;
	s1 =	sadd.s32 @!p0 $0xC0, s1;
	[sflag:s7] =	ssyncadd.s32 @!p0 $0xFFFFFD00  }
0x18b: {  	[tilespmem:s6], [sflag:$0x3] =	stream.linear.gather @!p0 [hbm4b:s1+s8], $0x300, $0x38;
	[tilespmem:$0x1F300] =	vst v63  }
0x18c: {  	_ =	swait.ge @!p0 [sflag:s7], $0x300  }
0x18d: {  	[sflag:s7] =	ssyncset.done @!p0 $0x0  }
0x18e: {  	s1 =	simm.s32 @!p0 $0x80;
	s6 =	simm.s32 @!p0 $0xC00;
	[sflag:s7] =	ssyncadd.s32 @!p0 $0xFFFFFD00  }
0x18f: {  	[tilespmem:s6], [sflag:$0x1] =	stream.indirect.gather @!p0 [hbm4b:s4+s1], $0x10, s8, s1, $0xb8;
	[tilespmem:$0x1F300] =	vst v63  }
0x190: {  	s6 =	simm.s32 @!p0 $0x1400  }
0x191: {  	[tilespmem:s6], [sflag:$0x1] =	stream.indirect.gather @!p0 [hbm4b:s4+s1], $0x10, s1, s1, $0xb8;
	[tilespmem:$0x1F300] =	vst v63  }
0x192: {  	s7 =	simm.s32 @!p0 $0x1C00;
	s6 =	simm.s32 @!p0 $0x100  }
0x193: {  	[tilespmem:s7], [sflag:$0x1] =	stream.indirect.gather @!p0 [hbm4b:s4+s1], $0x10, s6, s1, $0xb8;
	[tilespmem:$0x1F300] =	vst v63  }
0x194: {  	s6 =	simm.s32 @!p0 $0x180;
	s7 =	simm.s32 @!p0 $0x2400  }
0x195: {  	[tilespmem:s7], [sflag:$0x1] =	stream.indirect.gather @!p0 [hbm4b:s4+s1], $0x10, s6, s1, $0xb8;
	[tilespmem:$0x1F300] =	vst v63  }
0x196: {  	s6 =	simm.s32 @!p0 $0x200;
	s7 =	simm.s32 @!p0 $0x2C00  }
0x197: {  	[tilespmem:s7], [sflag:$0x1] =	stream.indirect.gather @!p0 [hbm4b:s4+s1], $0x10, s6, s1, $0xb8;
	[tilespmem:$0x1F300] =	vst v63  }
0x198: {  	s6 =	simm.s32 @!p0 $0x280;
	s7 =	simm.s32 @!p0 $0x3400  }
0x199: {  	[tilespmem:s7], [sflag:$0x1] =	stream.indirect.gather @!p0 [hbm4b:s4+s1], $0x10, s6, s1, $0xb8;
	[tilespmem:$0x1F300] =	vst v63  }
0x19a: {  	_ =	swait.ge [sflag:s23], $0x800  }
0x19b: {  	[sflag:s23] =	ssyncset.done $0x0  }
0x19c: {  	[sflag:s23] =	ssyncadd.s32 $0xFFFFF800  }
0x19d: {  	_ =	swait.ge [sflag:s23], $0x800  }
0x19e: {  	[sflag:s23] =	ssyncset.done $0x0  }
0x19f: {  	[sflag:s23] =	ssyncadd.s32 $0xFFFFF800  }
0x1a0: {  	_ =	swait.ge [sflag:s23], $0x800  }
0x1a1: {  	[sflag:s23] =	ssyncset.done $0x0  }
0x1a2: {  	[sflag:s23] =	ssyncadd.s32 $0xFFFFF800  }
0x1a3: {  	_ =	swait.ge [sflag:s23], $0x800  }
0x1a4: {  	[sflag:s23] =	ssyncset.done $0x0  }
0x1a5: {  	[sflag:s23] =	ssyncadd.s32 $0xFFFFF800  }
0x1a6: {  	_ =	swait.ge [sflag:s23], $0x800  }
0x1a7: {  	[sflag:s23] =	ssyncset.done $0x0  }
0x1a8: {  	[sflag:s23] =	ssyncadd.s32 $0xFFFFF800  }
0x1a9: {  	_ =	swait.ge [sflag:s23], $0x800  }
0x1aa: {  	[sflag:s23] =	ssyncset.done $0x0  }
0x1ab: {  	[sflag:s23] =	ssyncadd.s32 $0xFFFFF800  }
0x1ac: {  	[spmem:s2] =	stream.indirect.scatter.add.bf16 [tilespmem:s29], [sflag:$0x3], $0x10, s28, s12, $0xb8;
	[tilespmem:$0x1F300] =	vst v63  }
0x1ad: {  	_ =	swait.ge [sflag:s15], $0x800  }
0x1ae: {  	[sflag:s15] =	ssyncset.done $0x0  }
0x1af: {  	s6 =	rddreg [dreg:$0xd];
	[sflag:s15] =	ssyncadd.s32 $0xFFFFF800  }
0x1b0: {  	[spmem:s2] =	stream.indirect.scatter.add.bf16 [tilespmem:s30], [sflag:$0x3], $0x10, s6, s12, $0xb8;
	[tilespmem:$0x1F300] =	vst v63  }
0x1b1: {  	_ =	swait.ge [sflag:s15], $0x800  }
0x1b2: {  	[sflag:s15] =	ssyncset.done $0x0  }
0x1b3: {  	s7 =	rddreg [dreg:$0xe];
	[sflag:s15] =	ssyncadd.s32 $0xFFFFF800  }
0x1b4: {  	[spmem:s2] =	stream.indirect.scatter.add.bf16 [tilespmem:s31], [sflag:$0x3], $0x10, s7, s12, $0xb8;
	[tilespmem:$0x1F300] =	vst v63  }
0x1b5: {  	_ =	swait.ge [sflag:s15], $0x800  }
0x1b6: {  	[sflag:s15] =	ssyncset.done $0x0  }
0x1b7: {  	s8 =	rddreg [dreg:$0xf];
	[sflag:s15] =	ssyncadd.s32 $0xFFFFF800  }
0x1b8: {  	[spmem:s2] =	stream.indirect.scatter.add.bf16 [tilespmem:s0], [sflag:$0x3], $0x10, s8, s12, $0xb8;
	[tilespmem:$0x1F300] =	vst v63  }
0x1b9: {  	_ =	swait.ge [sflag:s15], $0x800  }
0x1ba: {  	[sflag:s15] =	ssyncset.done $0x0  }
0x1bb: {  	s9 =	rddreg [dreg:$0x10];
	[sflag:s15] =	ssyncadd.s32 $0xFFFFF800  }
0x1bc: {  	[spmem:s2] =	stream.indirect.scatter.add.bf16 [tilespmem:s17], [sflag:$0x3], $0x10, s9, s12, $0xb8;
	[tilespmem:$0x1F300] =	vst v63  }
0x1bd: {  	_ =	swait.ge [sflag:s15], $0x800  }
0x1be: {  	[sflag:s15] =	ssyncset.done $0x0  }
0x1bf: {  	s25 =	rddreg [dreg:$0x11];
	[sflag:s15] =	ssyncadd.s32 $0xFFFFF800  }
0x1c0: {  	[spmem:s2] =	stream.indirect.scatter.add.bf16 [tilespmem:s19], [sflag:$0x3], $0x10, s25, s12, $0xb8;
	[tilespmem:$0x1F300] =	vst v63  }
0x1c1: {  	_ =	swait.ge [sflag:s15], $0x800  }
0x1c2: {  	[sflag:s15] =	ssyncset.done $0x0  }
0x1c3: {  	[sflag:s15] =	ssyncadd.s32 $0xFFFFF800  }
0x1c4: {  	s6 =	stileid.u32;
	[bflag:$0x0] =	sbarrier.arrive $0xFFFF  }
0x1c5: {  	s1 =	sshll.u32 s6, $0x6;
	s7 =	rddreg [dreg:$0x14]  }
0x1c6: {  	s1 =	sor.u32 $0x1C03, s1;
	s8 =	rddreg [dreg:$0x16]  }
0x1c7: {  	[hbm:s7], [sflag:s1] =	dma.local [spmem:s8], $0x30E0  }
0x1c8: {  	_ =	swait.ge [sflag:s15], $0x30E0  }
0x1c9: {  	s9 =	rddreg [dreg:$0x17]  }
0x1ca: {  	s25 =	rddreg [dreg:$0x15];
	s6 =	sadd.s32 $0x1, s9  }
0x1cb: {  	p0 =	sne.s32 s6, s25  }
.Ltmp3:
0x1cc: {  	_ = 	snop;
	(pc) =	sbr.rel @p0 .LBB2_1-.Ltmp3, $3  }
0x1cd: {  	_ =	sdelay $0x1  }
0x1ce: {  	[sflag:s15] =	ssyncset.done $0x0  }
0x1cf: {  	[sflag:s15] =	ssyncadd.s32 $0xFFFFCF20  }
0x1d0: {  	_ =	sfence.sel $0x180000  }
0x1d1: {  	[bflag:$0x0] =	sbarrier.arrive $0xFFFF  }
0x1d2: {  	_ =	strace $0x9000004A  }
0x1d3: {  	s0 =	stileid.u32;
	[bflag:$0x2] =	sbarrier.arrive $0xFFFF  }
0x1d4: {  	p0 =	sne.s32 s0, $0x0;
	s0 =	rddreg [dreg:$0x2]  }
0x1d5: {  	s0 =	sadd.s32 @!p0 $0x100000, s0  }
0x1d6: {  	[sflag:s0] =	ssyncadd.tile.s32 @!p0 $0x1;
	_ =	shalt  }
.Lfunc_end2:
_tile_overlayer_lowered:
.L_overlay_start_2:
0x1d7: {  	(tag) =	ssettag $0x2  }
0x1d8: {  	s0 =	rddreg [dreg:$0x0];
	s2 =	stileid.u32  }
0x1d9: {  	s1 =	rddreg [dreg:$0x1];
	p0 =	sne.s32 s2, $0x0  }
0x1da: {  	s3 =	rddreg [dreg:$0x2];
	[bflag:$0x3] =	sbarrier.arrive $0xFFFF;
	s2 =	simm.s32 @!p0 $0x1C03  }
0x1db: {  	[timem:s3], [sflag:s2] =	dma.local @!p0 [hbm:s0], s1  }
0x1dc: {  	s0 =	simm.s32 @!p0 $0x3  }
0x1dd: {  	_ =	swait.ge @!p0 [sflag:s0], s1  }
0x1de: {  	s1 =	ssub.s32 @!p0 $0x0, s1;
	[sflag:s0] =	ssyncset.done @!p0 $0x0  }
0x1df: {  	[sflag:s0] =	ssyncadd.s32 @!p0 s1  }
0x1e0: {  	[bflag:$0x3] =	sbarrier.arrive $0xFFFF  }
0x1e1: {  	_ =	shalt  }

// kernel: kernel.14.cloned.1.call-start
scs
__scs_entry_jumppad:
0x0: {  	(pc) =	sbr.rel $0x88, $3  }
0x1: {  	(tag) =	ssettag $0x0;
	lr =	simm.s32 $0x1  }
0x2: {  	[smem:$0x3F9B] =	sst lr;
	_ =	strace $0xD0000000  }
0x3: {  	_ = 	snop  }
0x4: {  	_ = 	snop  }
0x5: {  	_ = 	snop  }
0x6: {  	_ = 	snop  }
0x7: {  	_ = 	snop  }
__scs_overlays_trampoline_lowered:
0x8: {  	[smem:$0x3FAA] =	sst s0  }
0x9: {  	[smem:$0x3FAB] =	sst s1  }
0xa: {  	[smem:$0x3FAC] =	sst s2  }
0xb: {  	[smem:$0x3FAD] =	sst s3  }
0xc: {  	[smem:$0x3FAE] =	sst s4  }
0xd: {  	[smem:$0x3FAF] =	sst s5  }
0xe: {  	[smem:$0x3FB0] =	sst s6  }
0xf: {  	[smem:$0x3FB1] =	sst s7  }
0x10: {  	[smem:$0x3FB2] =	sst s8  }
0x11: {  	[smem:$0x3FB3] =	sst s9;
	s0 =	simm.s32 @!p0 $0x0  }
0x12: {  	s1 =	sld [smem:$0x3F99];
	s0 =	simm.s32 @p0 $0x1  }
0x13: {  	[smem:$0x3FB4] =	sst s0;
	s0 =	simm.s32 @!p1 $0x0  }
0x14: {  	s2 =	sld [smem:$0x3F98];
	s0 =	simm.s32 @p1 $0x1  }
0x15: {  	[smem:$0x3FB5] =	sst s0;
	s0 =	simm.s32 @!p2 $0x0  }
0x16: {  	s3 =	sld [smem:$0x3FDB];
	s0 =	simm.s32 @p2 $0x1  }
0x17: {  	s4 =	simm.s32 $0x1BF5;
	[smem:$0x3FB7] =	sst s0  }
0x18: {  	s0 =	sld [smem:$0x3F9A];
	_ =	swait.ge [sflag:s4], $0x0  }
0x19: {  	s7 =	sld [smem:$0x3F9B]  }
0x1a: {  	s8 =	sadd.s32 $0xFFFFE003, lr  }
0x1b: {  	s9 =	sadd.s32 $0xFFFFFEF7, lr;
	s5 =	simm.s32 $0xFFFFFFFF;
	p2 =	slt.u32 s8, $0xFFFFF086  }
0x1c: {  	p1 =	slt.u32 s9, $0xF7A;
	s5 =	simm.s32 @!p2 $0x0  }
0x1d: {  	s5 =	simm.s32 @p1 $0x1;
	p0 =	seq.s32 s7, s2  }
0x1e: {  	s7 =	smul.u32 @!p0 $0xF7A, s2;
	p2 =	seq.s32 @!p0 s5, $0x0  }
0x1f: {  	s9 =	smul.u32 $0xF7A, s1;
	s8 =	simm.s32 @!p0 $0x1BF5;
	p2 =	por !p2, p0  }
0x20: {  	[sflag:s8] =	ssyncset.s32 @!p0 $0xFFFFF086;
	s6 =	sadd.s32 @!p0 s3, s7;
	s7 =	simm.s32 @!p0 $0x108  }
0x21: {  	s3 =	sadd.s32 s3, s9;
	s6 =	sadd.s32 @!p0 $0x88, s6;
	s7 =	simm.s32 @p2 $0x1082  }
0x22: {  	[simem:s7], [sflag:s8] =	dma.local @!p0 [hbm:s6], $0xF7A  }
0x23: {  	s9 =	sor.u32 $0xD0000000, s2;
	s6 =	simm.s32 $0x108;
	_ =	swait.ge @!p0 [sflag:s8], $0x0  }
0x24: {  	s3 =	sadd.s32 $0x88, s3;
	s6 =	simm.s32 @!p1 $0x1082;
	[sflag:s4] =	ssyncset.s32 $0xFFFFF086  }
0x25: {  	[simem:s6], [sflag:s4] =	dma.local [hbm:s3], $0xF7A  }
0x26: {  	[smem:$0x3F9B] =	sst s1;
	(tag) =	ssettag s2;
	_ =	strace s9  }
0x27: {  	s1 =	sld [smem:$0x3FAB]  }
0x28: {  	s2 =	sld [smem:$0x3FAC]  }
0x29: {  	s4 =	sld [smem:$0x3FAE]  }
0x2a: {  	p0 =	seq.s32 s5, $0x0;
	s5 =	sld [smem:$0x3FAF]  }
0x2b: {  	s6 =	sld [smem:$0x3FB0]  }
0x2c: {  	s7 =	sld [smem:$0x3FB1]  }
0x2d: {  	s3 =	simm.s32 $0x108;
	s8 =	sld [smem:$0x3FB2]  }
0x2e: {  	s3 =	simm.s32 @!p0 $0x1082;
	s9 =	sld [smem:$0x3FB3]  }
0x2f: {  	lr =	sadd.s32 s0, s3;
	s0 =	sld [smem:$0x3FAA]  }
0x30: {  	s3 =	sld [smem:$0x3FAD]  }
0x31: {  	[smem:$0x3FB6] =	sst s10  }
0x32: {  	s10 =	sld [smem:$0x3FB4];
	_ =	sdelay $0x3  }
0x33: {  	p0 =	seq.s32 s10, $0x1;
	s10 =	sld [smem:$0x3FB6];
	_ =	sdelay $0x3  }
0x34: {  	[smem:$0x3FB6] =	sst s10  }
0x35: {  	s10 =	sld [smem:$0x3FB5];
	_ =	sdelay $0x3  }
0x36: {  	p1 =	seq.s32 s10, $0x1;
	s10 =	sld [smem:$0x3FB6];
	_ =	sdelay $0x3  }
0x37: {  	[smem:$0x3FB6] =	sst s10  }
0x38: {  	s10 =	sld [smem:$0x3FB7]  }
0x39: {  	_ = 	snop;
	(pc) =	sbr.ind lr, $3  }
0x3a: {  	_ = 	snop  }
0x3b: {  	_ = 	snop  }
0x3c: {  	p2 =	seq.s32 s10, $0x1;
	s10 =	sld [smem:$0x3FB6]  }
0x3d: {  	_ =	shalt  }
0x3e: {  	_ =	shalt  }
0x3f: {  	_ =	shalt  }
0x40: {  	_ =	shalt  }
0x41: {  	_ =	shalt  }
0x42: {  	_ =	shalt  }
0x43: {  	_ =	shalt  }
0x44: {  	_ =	shalt  }
0x45: {  	_ =	shalt  }
0x46: {  	_ =	shalt  }
0x47: {  	_ =	shalt  }
0x48: {  	_ =	shalt  }
0x49: {  	_ =	shalt  }
0x4a: {  	_ =	shalt  }
0x4b: {  	_ =	shalt  }
0x4c: {  	_ =	shalt  }
0x4d: {  	_ =	shalt  }
0x4e: {  	_ =	shalt  }
0x4f: {  	_ =	shalt  }
0x50: {  	_ =	shalt  }
0x51: {  	_ =	shalt  }
0x52: {  	_ =	shalt  }
0x53: {  	_ =	shalt  }
0x54: {  	_ =	shalt  }
0x55: {  	_ =	shalt  }
0x56: {  	_ =	shalt  }
0x57: {  	_ =	shalt  }
0x58: {  	_ =	shalt  }
0x59: {  	_ =	shalt  }
0x5a: {  	_ =	shalt  }
0x5b: {  	_ =	shalt  }
0x5c: {  	_ =	shalt  }
0x5d: {  	_ =	shalt  }
0x5e: {  	_ =	shalt  }
0x5f: {  	_ =	shalt  }
0x60: {  	_ =	shalt  }
0x61: {  	_ =	shalt  }
0x62: {  	_ =	shalt  }
0x63: {  	_ =	shalt  }
0x64: {  	_ =	shalt  }
0x65: {  	_ =	shalt  }
0x66: {  	_ =	shalt  }
0x67: {  	_ =	shalt  }
0x68: {  	_ =	shalt  }
0x69: {  	_ =	shalt  }
0x6a: {  	_ =	shalt  }
0x6b: {  	_ =	shalt  }
0x6c: {  	_ =	shalt  }
0x6d: {  	_ =	shalt  }
0x6e: {  	_ =	shalt  }
0x6f: {  	_ =	shalt  }
0x70: {  	_ =	shalt  }
0x71: {  	_ =	shalt  }
0x72: {  	_ =	shalt  }
0x73: {  	_ =	shalt  }
0x74: {  	_ =	shalt  }
0x75: {  	_ =	shalt  }
0x76: {  	_ =	shalt  }
0x77: {  	_ =	shalt  }
0x78: {  	_ =	shalt  }
0x79: {  	_ =	shalt  }
0x7a: {  	_ =	shalt  }
0x7b: {  	_ =	shalt  }
0x7c: {  	_ =	shalt  }
0x7d: {  	_ =	shalt  }
0x7e: {  	_ =	shalt  }
0x7f: {  	_ =	shalt  }
0x80: {  	_ =	shalt  }
0x81: {  	_ =	shalt  }
0x82: {  	_ =	shalt  }
0x83: {  	_ =	shalt  }
0x84: {  	_ =	shalt  }
0x85: {  	_ =	shalt  }
0x86: {  	_ =	shalt  }
0x87: {  	_ =	shalt  }
.Lfunc_end0:
.L_simem_size_0:
called_computation.2_lowered:
.L_overlay_start_0:
0x88: {  	s2 =	sld [smem:$0x3FD9]  }
0x89: {  	s3 =	sld [smem:$0x3FFE];
	_ =	sdelay $0x1  }
0x8a: {  	s1 =	srdreg.scid  }
0x8b: {  	s0 =	sand.u32 $0x1, s1  }
0x8c: {  	s17 =	sshll.u32 s0, $0xA;
	s2 =	sadd.s32 s3, s2  }
0x8d: {  	s2 =	sadd.s32 s2, s17  }
0x8e: {  	[smem:$0x3FC2] =	sst s2  }
0x8f: {  	_ = 	snop  }
0x90: {  	s2 =	sld [smem:$0x3FD0];
	(tm) =	ssettm $0x1  }
0x91: {  	s18 =	sld [smem:$0x3FFB];
	_ =	sdelay $0x3  }
0x92: {  	_ =	strace s18  }
0x93: {  	s3 =	sld [smem:$0x3FFC];
	_ =	sdelay $0x3  }
0x94: {  	_ =	strace s3  }
0x95: {  	s3 =	sld [smem:$0x3FFD];
	_ =	sdelay $0x3  }
0x96: {  	_ =	strace s3  }
0x97: {  	_ =	strace $0x8FFFFFFF  }
0x98: {  	s19 =	sld [smem:$0x3FDB];
	_ =	sdelay $0x1  }
0x99: {  	s4 =	simm.s32 $_scs_section_size  }
0x9a: {  	s5 =	simm.s32 $_size__tile_overlayer_lowered;
	s6 =	simm.s32 $_tile_overlayer_lowered  }
0x9b: {  	s22 =	simm.s32 $0x1BFF;
	s21 =	sshll.u32 s6, $0x1;
	s3 =	sadd.s32 s4, s19  }
0x9c: {  	s7 =	simm.s32 $0x0;
	s20 =	sshll.u32 s5, $0x1;
	s5 =	sadd.s32 s21, s3  }
0x9d: {  	[timem:s7], [sflag:s22] =	dma.local [hbm:s5], s20  }
0x9e: {  	_ =	swait.ge [sflag:s22], s20  }
0x9f: {  	s4 =	ssub.s32 $0x0, s20;
	[sflag:s22] =	ssyncset.done $0x0  }
0xa0: {  	[sflag:s22] =	ssyncadd.s32 s4;
	_ =	sdelay $0x1  }
0xa1: {  	s23 =	simm.s32 $0x1B8B  }
0xa2: {  	_ =	swait.ge [sflag:s23], $0x1  }
0xa3: {  	[sflag:s23] =	ssyncset.done $0x0  }
0xa4: {  	s25 =	simm.s32 $0x1B8E;
	s24 =	sld [smem:$0x3FFE];
	[sflag:s23] =	ssyncadd.s32 $0xFFFFFFFF  }
0xa5: {  	s26 =	simm.s32 $execute0_lowered;
	[smem:$0x3FD2] =	sst s25  }
0xa6: {  	s5 =	sshll.u32 s26, $0x1;
	_ =	strace $0x8000004C;
	[dreg:$0x1] =	wrdreg $0xFFFFFFFF  }
0xa7: {  	s28 =	simm.s32 $_size_execute0_lowered;
	s3 =	sadd.s32 s3, s5;
	[dreg:$0x0] =	wrdreg $0x0  }
0xa8: {  	s5 =	sshll.u32 s28, $0x1;
	[dreg:$0x2] =	wrdreg s3  }
0xa9: {  	[dreg:$0x3] =	wrdreg s5  }
0xaa: {  	[dreg:$0x4] =	wrdreg $0xC0  }
0xab: {  	_ =	task [dreg:s7], $0x5FFFF  }
0xac: {  	[dreg:$0x1] =	wrdreg $0xFFFFFFFF  }
0xad: {  	[dreg:$0x0] =	wrdreg $0x60  }
0xae: {  	[dreg:$0x2] =	wrdreg s2  }
0xaf: {  	[dreg:$0x3] =	wrdreg s24  }
0xb0: {  	[dreg:$0x4] =	wrdreg $0x6C000  }
0xb1: {  	[dreg:$0x5] =	wrdreg $0x9  }
0xb2: {  	_ =	task.clear_ibuf [dreg:s7], $0x6FFFF;
	_ =	strace $0x9000004C  }
0xb3: {  	s29 =	simm.s32 $0x9;
	_ =	strace $0x8000004E  }
0xb4: {  	_ =	swait.ge [sflag:s29], $0x1  }
0xb5: {  	[sflag:s29] =	ssyncadd.s32 $0xFFFFFFFF  }
0xb6: {  	_ =	strace $0x9000004E  }
0xb7: {  	_ =	sfence  }
0xb8: {  	s30 =	sld [smem:$0x0];
	_ =	sdelay $0x2  }
0xb9: {  	s31 =	sshll.u32 s1, $0xD;
	s1 =	sshrl.u32 s1, $0x2  }
0xba: {  	s3 =	sand.u32 $0x4000, s31;
	s1 =	sadd.s32 s1, s30  }
0xbb: {  	s0 =	sor.u32 s3, s0;
	s1 =	sshll.u32 s1, $0x11  }
0xbc: {  	s0 =	sor.u32 s1, s0  }
0xbd: {  	s0 =	sadd.s32 $0x8F2B, s0  }
0xbe: {  	[sflag:s0] =	ssyncadd.remote.s32 $0x1  }
0xbf: {  	_ =	sfence.sel $0xFFFF  }
0xc0: {  	[dreg:$0x0] =	wrdreg $0xFFFFFFFF;
	(pc) =	sbr.abs _section_cstart, $3  }
0xc1: {  	[dreg:$0x1] =	wrdreg $0xFFFFFFFF  }
0xc2: {  	_ =	task.clear_ibuf [dreg:s7], $0x2FFFF;
	_ =	strace $0x9FFFFFFF  }
0xc3: {  	(tm) =	ssettm $0x7FFFFFFF  }
tec
execute0_lowered:
.L_overlay_start_1:
0x0: {  	(tag) =	ssettag $0x1  }
0x1: {  	s1 =	rddreg [dreg:$0x0]  }
0x2: {  	s0 =	rddreg [dreg:$0x1]  }
0x3: {  	s3 =	rddreg [dreg:$0x2];
	s23 =	simm.s32 $0x0;
	s2 =	srdreg.scid  }
0x4: {  	s10 =	stileid.u32;
	s14 =	simm.s32 $0x80;
	s15 =	simm.s32 $0x600  }
0x5: {  	s16 =	simm.s32 $0xC00;
	s17 =	simm.s32 $0x3;
	s18 =	simm.s32 $0x900  }
0x6: {  	s19 =	simm.s32 $0x1;
	s12 =	simm.s32 $0xA00;
	s13 =	simm.s32 $0x4C00  }
0x7: {  	s24 =	simm.s32 $0xA80;
	s11 =	simm.s32 $0xB00;
	s20 =	simm.s32 $0x5C00  }
0x8: {  	s22 =	simm.s32 $0x6400;
	[smem:$0x7FF] =	sst s23;
	s25 =	smul.u32 $0x61C00, s10  }
0x9: {  	s21 =	sand.u32 $0x1, s2;
	s5 =	sadd.s32 $0x95400, s0;
	s9 =	smul.u32 $0x3180, s10  }
0xa: {  	s6 =	sadd.s32 $0x2000, s0;
	s28 =	smul.u32 $0x318, s10;
	_ =	strace $0x8000004D  }
0xb: {  	s4 =	sshll.u32 s21, $0x5;
	s7 =	ssub.s32 $0x2, s21;
	v0 =	vmov s21;
	s21 =	simm.s32 $0xB80  }
0xc: {  	s4 =	sor.u32 s4, s25;
	s8 =	sshrl.u32 s7, $0x1;
	s29 =	sadd.s32 s5, s9  }
0xd: {  	s9 =	sadd.s32 s6, s9;
	s2 =	sshrl.u32 s25, $0x2;
	s4 =	sshrl.u32 s4, $0x4  }
0xe: {  	s26 =	ssub.s32 s7, s8;
	s7 =	smul.u32 $0x1870, s10;
	[dreg:$0x5] =	wrdreg s29  }
0xf: {  	[dreg:$0x6] =	wrdreg s9;
	s10 =	sor.u32 $0x6, s28;
	s8 =	sadd.s32 $0xC, s28  }
.Ltmp0:
0x10: {  	s30 =	sadd.s32 s2, s3;
	s2 =	simm.s32 $0x3C00;
	(pc) =	sbr.rel .LBB2_1-.Ltmp0, $4  }
0x11: {  	s0 =	sadd.s32 s4, s0;
	[dreg:$0x7] =	wrdreg s8;
	s31 =	smax.u32 s26, $0x1  }
0x12: {  	s9 =	simm.s32 $0x4400;
	s0 =	sadd.s32 $0x33800, s0;
	[dreg:$0x9] =	wrdreg s31  }
0x13: {  	s8 =	simm.s32 $0x980;
	[dreg:$0x8] =	wrdreg s0;
	s0 =	sshrl.u32 s30, $0x3  }
0x14: {  	v1 =	vimm.bf16 $0.0e+00;
	v2 =	vlaneseq.u32;
	s4 =	simm.s32 $0x5400;
	[dreg:$0xa] =	wrdreg s0;
	s0 =	simm.s32 $0x2  }
.LBB2_15:
0x15: {  	s23 =	stileid.u32;
	[bflag:$0x0] =	sbarrier.arrive $0xFFFF  }
0x16: {  	s23 =	sshll.u32 s23, $0x6;
	s25 =	rddreg [dreg:$0x8]  }
0x17: {  	s28 =	simm.s32 $0x4;
	s26 =	rddreg [dreg:$0xa];
	s23 =	sor.u32 $0x1C03, s23  }
0x18: {  	[hbm:s25@s28], [sflag:s23] =	dma.strided [spmem:s26@s0], $0x30E0, s19, $0x2   }
0x19: {  	_ =	swait.ge [sflag:s17], $0x30E0  }
0x1a: {  	s30 =	rddreg [dreg:$0x4]  }
0x1b: {  	s31 =	rddreg [dreg:$0x9];
	s23 =	sadd.s32 $0x1, s30  }
0x1c: {  	p0 =	sne.s32 s23, s31  }
.Ltmp1:
0x1d: {  	_ = 	snop;
	(pc) =	sbr.rel @!p0 .LBB2_16-.Ltmp1, $3  }
0x1e: {  	_ =	sdelay $0x1  }
0x1f: {  	[sflag:s17] =	ssyncset.done $0x0  }
0x20: {  	[sflag:s17] =	ssyncadd.s32 $0xFFFFCF20  }
.LBB2_1:
0x21: {  	[dreg:$0x4] =	wrdreg s23;
	s23 =	simm.s32 $0x0  }
.LBB2_2:
0x22: {  	p0 =	sne.s32 s23, $0x1FC0  }
.Ltmp2:
0x23: {  	_ = 	snop;
	(pc) =	sbr.rel @p0 .LBB2_2-.Ltmp2, $3  }
0x24: {  	_ =	sdelay $0x1  }
0x25: {  	s25 =	sshra.s32 s23, $0x2  }
0x26: {  	s23 =	sadd.s32 $0x40, s23;
	[tilespmem:s25+$0xC00] =	vst v1  }
0x27: {  	s23 =	sadd.s32 $0x0, s7  }
0x28: {  	s23 =	smin.u32 s23, $0x18680  }
0x29: {  	v3 =	vor.u32 s23, v2;
	s25 =	sadd.s32 $0x70, s23  }
0x2a: {  	s26 =	sadd.s32 $0x60, s23;
	[tilespmem:$0x600] =	vst v3;
	v3 =	vor.u32 s25, v2  }
0x2b: {  	s29 =	sadd.s32 $0x50, s23;
	v4 =	vor.u32 s26, v2;
	[tilespmem:$0x670] =	vst v3  }
0x2c: {  	s30 =	sadd.s32 $0x40, s23;
	v3 =	vor.u32 s29, v2;
	[tilespmem:$0x660] =	vst v4  }
0x2d: {  	s31 =	sadd.s32 $0x30, s23;
	v4 =	vor.u32 s30, v2;
	[tilespmem:$0x650] =	vst v3  }
0x2e: {  	s26 =	sadd.s32 $0x20, s23;
	s25 =	simm.s32 $0x80;
	v3 =	vor.u32 s31, v2;
	[tilespmem:$0x640] =	vst v4  }
.LBB2_4:
0x2f: {  	p0 =	sne.s32 s25, $0x1800;
	s23 =	sadd.s32 $0x10, s23;
	v4 =	vor.u32 s26, v2;
	[tilespmem:$0x630] =	vst v3  }
0x30: {  	v3 =	vor.u32 s23, v2;
	[tilespmem:$0x620] =	vst v4  }
0x31: {  	[tilespmem:$0x610] =	vst v3;
	[spmem:s3] =	stream.indirect.scatter [tilespmem:s16], [sflag:$0x3], $0x10, s15, s14, $0xb8  }
0x32: {  	s23 =	sadd.s32 s25, s7;
	_ =	swait.ge [sflag:s17], $0x800  }
0x33: {  	s23 =	smin.u32 s23, $0x18680;
	[sflag:s17] =	ssyncset.done $0x0  }
0x34: {  	v3 =	vor.u32 s23, v2;
	s26 =	sadd.s32 $0x70, s23;
	[sflag:s17] =	ssyncadd.s32 $0xFFFFF800  }
.Ltmp3:
0x35: {  	s28 =	sadd.s32 $0x60, s23;
	[tilespmem:$0x600] =	vst v3;
	v3 =	vor.u32 s26, v2;
	(pc) =	sbr.rel @p0 .LBB2_4-.Ltmp3, $4  }
0x36: {  	v4 =	vor.u32 s28, v2;
	s26 =	sadd.s32 $0x50, s23;
	[tilespmem:$0x670] =	vst v3  }
0x37: {  	s28 =	sadd.s32 $0x40, s23;
	v3 =	vor.u32 s26, v2;
	[tilespmem:$0x660] =	vst v4  }
0x38: {  	s29 =	sadd.s32 $0x30, s23;
	v4 =	vor.u32 s28, v2;
	[tilespmem:$0x650] =	vst v3  }
0x39: {  	s25 =	sadd.s32 $0x80, s25;
	s26 =	sadd.s32 $0x20, s23;
	v3 =	vor.u32 s29, v2;
	[tilespmem:$0x640] =	vst v4  }
0x3a: {  	s23 =	sadd.s32 $0x10, s23;
	v4 =	vor.u32 s26, v2;
	[tilespmem:$0x630] =	vst v3  }
0x3b: {  	v3 =	vor.u32 s23, v2;
	[tilespmem:$0x620] =	vst v4  }
0x3c: {  	[tilespmem:$0x610] =	vst v3  }
0x3d: {  	[spmem:s3] =	stream.indirect.scatter [tilespmem:s16], [sflag:$0x3], $0x10, s15, s14, $0xb8;
	[tilespmem:$0x1F300] =	vst v63  }
0x3e: {  	_ =	swait.ge [sflag:s17], $0x800  }
0x3f: {  	[sflag:s17] =	ssyncset.done $0x0  }
0x40: {  	[sflag:s17] =	ssyncadd.s32 $0xFFFFF800  }
0x41: {  	[bflag:$0x0] =	sbarrier.arrive $0xFFFF  }
0x42: {  	s23 =	simm.s32 $0x0;
	s25 =	rddreg [dreg:$0x5]  }
0x43: {  	[tilespmem:s23], [sflag:$0x3] =	stream.linear.gather [hbm4b:s25+s23], $0x300, $0x38;
	[tilespmem:$0x1F300] =	vst v63  }
0x44: {  	_ =	swait.ge [sflag:s17], $0x300  }
0x45: {  	[sflag:s17] =	ssyncset.done $0x0  }
0x46: {  	s31 =	rddreg [dreg:$0x6];
	[sflag:s17] =	ssyncadd.s32 $0xFFFFFD00  }
0x47: {  	[tilespmem:s15], [sflag:$0x3] =	stream.linear.gather [hbm4b:s31+s23], $0x300, $0x38;
	[tilespmem:$0x1F300] =	vst v63  }
0x48: {  	_ =	swait.ge [sflag:s17], $0x300  }
0x49: {  	[sflag:s17] =	ssyncset.done $0x0  }
0x4a: {  	[sflag:s17] =	ssyncadd.s32 $0xFFFFFD00  }
0x4b: {  	v3 =	vld [tilespmem:s23+$0x0]  }
0x4c: {  	v4 =	vld [tilespmem:s23+$0x10]  }
0x4d: {  	v6 =	vld [tilespmem:s23+$0x20]  }
0x4e: {  	v7 =	vld [tilespmem:s23+$0x30]  }
0x4f: {  	v5 =	vld [tilespmem:s23+$0x40]  }
0x50: {  	v8 =	vshll.u32 v3, $0x1;
	v3 =	vld [tilespmem:s23+$0x50]  }
0x51: {  	s29 =	simm.s32 $0x2000;
	v9 =	vshll.u32 v4, $0x1;
	v4 =	vld [tilespmem:s23+$0x60];
	v8 =	vor.u32 v0, v8  }
0x52: {  	s28 =	simm.s32 $0x0;
	s26 =	simm.s32 $0x0;
	s25 =	simm.s32 $0x0;
	[tilespmem:s23+$0x0] =	vst v8;
	v8 =	vor.u32 v0, v9;
	v9 =	vshll.u32 v6, $0x1;
	v6 =	vld [tilespmem:s23+$0x70]  }
.LBB2_6:
0x53: {  	p0 =	sne.s32 s29, $0xA000;
	[tilespmem:s28+$0x10] =	vst v8;
	v8 =	vor.u32 v0, v9;
	v7 =	vshll.u32 v7, $0x1  }
0x54: {  	[tilespmem:s28+$0x20] =	vst v8;
	v7 =	vor.u32 v0, v7;
	v5 =	vshll.u32 v5, $0x1  }
0x55: {  	[tilespmem:s28+$0x30] =	vst v7;
	v5 =	vor.u32 v0, v5;
	v3 =	vshll.u32 v3, $0x1  }
0x56: {  	[tilespmem:s28+$0x40] =	vst v5;
	v3 =	vor.u32 v0, v3;
	v4 =	vshll.u32 v4, $0x1  }
0x57: {  	s30 =	sshra.s32 s26, $0x2;
	s26 =	smov.u32 s29;
	[tilespmem:s28+$0x50] =	vst v3;
	v3 =	vor.u32 v0, v4;
	v4 =	vshll.u32 v6, $0x1  }
0x58: {  	s30 =	sadd.s32 $0xC00, s30;
	s28 =	sadd.s32 $0x80, s28;
	[tilespmem:s25+$0x60] =	vst v3;
	v3 =	vor.u32 v0, v4  }
0x59: {  	[tilespmem:s25+$0x70] =	vst v3;
	[tilespmem:s30], [sflag:$0x1] =	stream.indirect.gather [hbm4b:s1+s14], $0x10, s25, s14, $0xb8  }
0x5a: {  	s25 =	smov.u32 s28;
	v3 =	vld [tilespmem:s28+$0x0]  }
0x5b: {  	v4 =	vld [tilespmem:s28+$0x10]  }
0x5c: {  	v6 =	vld [tilespmem:s28+$0x20]  }
.Ltmp4:
0x5d: {  	v7 =	vld [tilespmem:s28+$0x30];
	(pc) =	sbr.rel @p0 .LBB2_6-.Ltmp4, $4  }
0x5e: {  	v5 =	vld [tilespmem:s28+$0x40]  }
0x5f: {  	v8 =	vshll.u32 v3, $0x1;
	v3 =	vld [tilespmem:s28+$0x50]  }
0x60: {  	v8 =	vor.u32 v0, v8;
	v9 =	vshll.u32 v4, $0x1;
	v4 =	vld [tilespmem:s28+$0x60]  }
0x61: {  	s29 =	sadd.s32 $0x2000, s29;
	[tilespmem:s28+$0x0] =	vst v8;
	v8 =	vor.u32 v0, v9;
	v9 =	vshll.u32 v6, $0x1;
	v6 =	vld [tilespmem:s28+$0x70]  }
0x62: {  	[tilespmem:s28+$0x10] =	vst v8;
	v62 =	vor.u32 v0, v9;
	v7 =	vshll.u32 v7, $0x1  }
0x63: {  	[tilespmem:s28+$0x20] =	vst v62;
	v7 =	vor.u32 v0, v7;
	v5 =	vshll.u32 v5, $0x1  }
0x64: {  	[tilespmem:s28+$0x30] =	vst v7;
	v5 =	vor.u32 v0, v5;
	v3 =	vshll.u32 v3, $0x1  }
.Ltmp5:
0x65: {  	[tilespmem:s28+$0x40] =	vst v5;
	v3 =	vor.u32 v0, v3;
	v4 =	vshll.u32 v4, $0x1;
	(pc) =	sbr.rel .LBB2_8-.Ltmp5, $4  }
0x66: {  	[tilespmem:s28+$0x50] =	vst v3;
	v3 =	vor.u32 v0, v4;
	v63 =	vshll.u32 v6, $0x1  }
0x67: {  	s26 =	sshra.s32 s26, $0x2;
	[tilespmem:s25+$0x60] =	vst v3;
	v3 =	vor.u32 v0, v63  }
0x68: {  	s26 =	sadd.s32 $0xC00, s26;
	[tilespmem:s25+$0x70] =	vst v3  }
0x69: {  	[tilespmem:s26], [sflag:$0x1] =	stream.indirect.gather [hbm4b:s1+s14], $0x10, s25, s14, $0xb8;
	[tilespmem:$0x1F300] =	vst v63  }
.LBB2_14:
0x6a: {  	_ =	swait.ge [sflag:s0], $0x800  }
0x6b: {  	[sflag:s0] =	ssyncset.done $0x0  }
0x6c: {  	[sflag:s0] =	ssyncadd.s32 $0xFFFFF800  }
0x6d: {  	_ =	swait.ge [sflag:s0], $0x800  }
0x6e: {  	[sflag:s0] =	ssyncset.done $0x0  }
0x6f: {  	[sflag:s0] =	ssyncadd.s32 $0xFFFFF800  }
0x70: {  	_ =	swait.ge [sflag:s0], $0x800  }
0x71: {  	[sflag:s0] =	ssyncset.done $0x0  }
0x72: {  	[sflag:s0] =	ssyncadd.s32 $0xFFFFF800  }
0x73: {  	_ =	swait.ge [sflag:s0], $0x800  }
0x74: {  	[sflag:s0] =	ssyncset.done $0x0  }
0x75: {  	[sflag:s0] =	ssyncadd.s32 $0xFFFFF800  }
0x76: {  	_ =	swait.ge [sflag:s0], $0x800  }
0x77: {  	[sflag:s0] =	ssyncset.done $0x0  }
0x78: {  	[sflag:s0] =	ssyncadd.s32 $0xFFFFF800  }
0x79: {  	_ =	swait.ge [sflag:s0], $0x800  }
0x7a: {  	[sflag:s0] =	ssyncset.done $0x0  }
0x7b: {  	[sflag:s0] =	ssyncadd.s32 $0xFFFFF800  }
0x7c: {  	[spmem:s3] =	stream.indirect.scatter.add.bf16 [tilespmem:s2], [sflag:$0x3], $0x10, s18, s14, $0xb8;
	[tilespmem:$0x1F300] =	vst v63  }
0x7d: {  	_ =	swait.ge [sflag:s17], $0x800  }
0x7e: {  	[sflag:s17] =	ssyncset.done $0x0  }
0x7f: {  	[sflag:s17] =	ssyncadd.s32 $0xFFFFF800  }
0x80: {  	[spmem:s3] =	stream.indirect.scatter.add.bf16 [tilespmem:s9], [sflag:$0x3], $0x10, s8, s14, $0xb8;
	[tilespmem:$0x1F300] =	vst v63  }
0x81: {  	_ =	swait.ge [sflag:s17], $0x800  }
0x82: {  	[sflag:s17] =	ssyncset.done $0x0  }
0x83: {  	[sflag:s17] =	ssyncadd.s32 $0xFFFFF800  }
0x84: {  	[spmem:s3] =	stream.indirect.scatter.add.bf16 [tilespmem:s13], [sflag:$0x3], $0x10, s12, s14, $0xb8;
	[tilespmem:$0x1F300] =	vst v63  }
0x85: {  	_ =	swait.ge [sflag:s17], $0x800  }
0x86: {  	[sflag:s17] =	ssyncset.done $0x0  }
0x87: {  	[sflag:s17] =	ssyncadd.s32 $0xFFFFF800  }
0x88: {  	[spmem:s3] =	stream.indirect.scatter.add.bf16 [tilespmem:s4], [sflag:$0x3], $0x10, s24, s14, $0xb8;
	[tilespmem:$0x1F300] =	vst v63  }
0x89: {  	_ =	swait.ge [sflag:s17], $0x800  }
0x8a: {  	[sflag:s17] =	ssyncset.done $0x0  }
0x8b: {  	[sflag:s17] =	ssyncadd.s32 $0xFFFFF800  }
0x8c: {  	[spmem:s3] =	stream.indirect.scatter.add.bf16 [tilespmem:s20], [sflag:$0x3], $0x10, s11, s14, $0xb8;
	[tilespmem:$0x1F300] =	vst v63  }
0x8d: {  	s23 =	sadd.s32 $0x1, s23;
	_ =	swait.ge [sflag:s17], $0x800  }
0x8e: {  	p0 =	sne.s32 s23, $0x42;
	[sflag:s17] =	ssyncset.done $0x0  }
.Ltmp6:
0x8f: {  	[sflag:s17] =	ssyncadd.s32 $0xFFFFF800;
	(pc) =	sbr.rel @!p0 .LBB2_15-.Ltmp6, $4  }
0x90: {  	[spmem:s3] =	stream.indirect.scatter.add.bf16 [tilespmem:s22], [sflag:$0x3], $0x10, s21, s14, $0xb8;
	[tilespmem:$0x1F300] =	vst v63  }
0x91: {  	_ =	swait.ge [sflag:s17], $0x800  }
0x92: {  	[sflag:s17] =	ssyncset.done $0x0  }
0x93: {  	[sflag:s17] =	ssyncadd.s32 $0xFFFFF800  }
.LBB2_8:
0x94: {  	s25 =	smul.u32 $0xC, s23;
	_ =	sdelay $0x1  }
0x95: {  	s26 =	sadd.s32 s25, s10  }
0x96: {  	s29 =	sshll.u32 s26, $0x4  }
0x97: {  	s28 =	simm.s32 $0x300;
	s26 =	simm.s32 $0x0;
	s30 =	sadd.s32 s5, s29  }
0x98: {  	[tilespmem:s28], [sflag:$0x3] =	stream.linear.gather [hbm4b:s30+s26], $0x300, $0x38;
	[tilespmem:$0x1F300] =	vst v63  }
0x99: {  	_ =	swait.ge [sflag:s17], $0x300  }
0x9a: {  	[sflag:s17] =	ssyncset.done $0x0  }
0x9b: {  	s29 =	sadd.s32 s6, s29;
	[sflag:s17] =	ssyncadd.s32 $0xFFFFFD00  }
0x9c: {  	[tilespmem:s18], [sflag:$0x3] =	stream.linear.gather [hbm4b:s29+s26], $0x300, $0x38;
	[tilespmem:$0x1F300] =	vst v63  }
0x9d: {  	_ =	swait.ge [sflag:s17], $0x300  }
0x9e: {  	[sflag:s17] =	ssyncset.done $0x0  }
0x9f: {  	[sflag:s17] =	ssyncadd.s32 $0xFFFFFD00  }
0xa0: {  	v3 =	vld [tilespmem:s28+$0x0]  }
0xa1: {  	v4 =	vld [tilespmem:s28+$0x10]  }
0xa2: {  	v6 =	vld [tilespmem:s28+$0x20]  }
0xa3: {  	v7 =	vld [tilespmem:s28+$0x30]  }
0xa4: {  	v5 =	vld [tilespmem:s28+$0x40]  }
0xa5: {  	v8 =	vshll.u32 v3, $0x1;
	v3 =	vld [tilespmem:s28+$0x50]  }
0xa6: {  	v9 =	vshll.u32 v4, $0x1;
	v4 =	vld [tilespmem:s28+$0x60];
	v8 =	vor.u32 v0, v8  }
0xa7: {  	s30 =	simm.s32 $0x2000;
	s29 =	simm.s32 $0x300;
	[tilespmem:s28+$0x0] =	vst v8;
	v8 =	vor.u32 v0, v9;
	v9 =	vshll.u32 v6, $0x1;
	v6 =	vld [tilespmem:s28+$0x70]  }
.LBB2_9:
0xa8: {  	p0 =	sne.s32 s30, $0xA000;
	[tilespmem:s28+$0x10] =	vst v8;
	v8 =	vor.u32 v0, v9;
	v7 =	vshll.u32 v7, $0x1  }
0xa9: {  	[tilespmem:s28+$0x20] =	vst v8;
	v7 =	vor.u32 v0, v7;
	v5 =	vshll.u32 v5, $0x1  }
0xaa: {  	[tilespmem:s28+$0x30] =	vst v7;
	v5 =	vor.u32 v0, v5;
	v3 =	vshll.u32 v3, $0x1  }
0xab: {  	[tilespmem:s28+$0x40] =	vst v5;
	v3 =	vor.u32 v0, v3;
	v4 =	vshll.u32 v4, $0x1  }
0xac: {  	s31 =	sshra.s32 s26, $0x2;
	s26 =	smov.u32 s30;
	[tilespmem:s28+$0x50] =	vst v3;
	v3 =	vor.u32 v0, v4;
	v4 =	vshll.u32 v6, $0x1  }
0xad: {  	s31 =	sadd.s32 $0x3C00, s31;
	s28 =	sadd.s32 $0x80, s28;
	[tilespmem:s29+$0x60] =	vst v3;
	v3 =	vor.u32 v0, v4  }
0xae: {  	[tilespmem:s29+$0x70] =	vst v3;
	[tilespmem:s31], [sflag:$0x2] =	stream.indirect.gather [hbm4b:s1+s14], $0x10, s29, s14, $0xb8  }
0xaf: {  	s29 =	smov.u32 s28;
	v3 =	vld [tilespmem:s28+$0x0]  }
0xb0: {  	v4 =	vld [tilespmem:s28+$0x10]  }
0xb1: {  	v6 =	vld [tilespmem:s28+$0x20]  }
.Ltmp7:
0xb2: {  	v7 =	vld [tilespmem:s28+$0x30];
	(pc) =	sbr.rel @p0 .LBB2_9-.Ltmp7, $4  }
0xb3: {  	v5 =	vld [tilespmem:s28+$0x40]  }
0xb4: {  	v8 =	vshll.u32 v3, $0x1;
	v3 =	vld [tilespmem:s28+$0x50]  }
0xb5: {  	v8 =	vor.u32 v0, v8;
	v9 =	vshll.u32 v4, $0x1;
	v4 =	vld [tilespmem:s28+$0x60]  }
0xb6: {  	s30 =	sadd.s32 $0x2000, s30;
	[tilespmem:s28+$0x0] =	vst v8;
	v8 =	vor.u32 v0, v9;
	v9 =	vshll.u32 v6, $0x1;
	v6 =	vld [tilespmem:s28+$0x70]  }
0xb7: {  	[tilespmem:s28+$0x10] =	vst v8;
	v62 =	vor.u32 v0, v9;
	v7 =	vshll.u32 v7, $0x1  }
0xb8: {  	[tilespmem:s28+$0x20] =	vst v62;
	v7 =	vor.u32 v0, v7;
	v5 =	vshll.u32 v5, $0x1  }
0xb9: {  	[tilespmem:s28+$0x30] =	vst v7;
	v5 =	vor.u32 v0, v5;
	v3 =	vshll.u32 v3, $0x1  }
0xba: {  	[tilespmem:s28+$0x40] =	vst v5;
	v3 =	vor.u32 v0, v3;
	v4 =	vshll.u32 v4, $0x1  }
0xbb: {  	[tilespmem:s28+$0x50] =	vst v3;
	v3 =	vor.u32 v0, v4;
	v63 =	vshll.u32 v6, $0x1  }
0xbc: {  	s26 =	sshra.s32 s26, $0x2;
	[tilespmem:s29+$0x60] =	vst v3;
	v3 =	vor.u32 v0, v63  }
0xbd: {  	s26 =	sadd.s32 $0x3C00, s26;
	[tilespmem:s29+$0x70] =	vst v3  }
0xbe: {  	[tilespmem:s26], [sflag:$0x2] =	stream.indirect.gather [hbm4b:s1+s14], $0x10, s29, s14, $0xb8;
	[tilespmem:$0x1F300] =	vst v63  }
0xbf: {  	_ =	swait.ge [sflag:s19], $0x800  }
0xc0: {  	[sflag:s19] =	ssyncset.done $0x0  }
0xc1: {  	[sflag:s19] =	ssyncadd.s32 $0xFFFFF800  }
0xc2: {  	_ =	swait.ge [sflag:s19], $0x800  }
0xc3: {  	[sflag:s19] =	ssyncset.done $0x0  }
0xc4: {  	[sflag:s19] =	ssyncadd.s32 $0xFFFFF800  }
0xc5: {  	_ =	swait.ge [sflag:s19], $0x800  }
0xc6: {  	[sflag:s19] =	ssyncset.done $0x0  }
0xc7: {  	[sflag:s19] =	ssyncadd.s32 $0xFFFFF800  }
0xc8: {  	_ =	swait.ge [sflag:s19], $0x800  }
0xc9: {  	[sflag:s19] =	ssyncset.done $0x0  }
0xca: {  	[sflag:s19] =	ssyncadd.s32 $0xFFFFF800  }
0xcb: {  	_ =	swait.ge [sflag:s19], $0x800  }
0xcc: {  	[sflag:s19] =	ssyncset.done $0x0  }
0xcd: {  	[sflag:s19] =	ssyncadd.s32 $0xFFFFF800  }
0xce: {  	_ =	swait.ge [sflag:s19], $0x800  }
0xcf: {  	[sflag:s19] =	ssyncset.done $0x0  }
0xd0: {  	[sflag:s19] =	ssyncadd.s32 $0xFFFFF800  }
0xd1: {  	[spmem:s3] =	stream.indirect.scatter.add.bf16 [tilespmem:s16], [sflag:$0x3], $0x10, s15, s14, $0xb8;
	[tilespmem:$0x1F300] =	vst v63  }
0xd2: {  	_ =	swait.ge [sflag:s17], $0x800  }
0xd3: {  	[sflag:s17] =	ssyncset.done $0x0  }
0xd4: {  	s31 =	simm.s32 $0x680;
	s29 =	simm.s32 $0x1400;
	[sflag:s17] =	ssyncadd.s32 $0xFFFFF800  }
0xd5: {  	[spmem:s3] =	stream.indirect.scatter.add.bf16 [tilespmem:s29], [sflag:$0x3], $0x10, s31, s14, $0xb8;
	[tilespmem:$0x1F300] =	vst v63  }
0xd6: {  	_ =	swait.ge [sflag:s17], $0x800  }
0xd7: {  	[sflag:s17] =	ssyncset.done $0x0  }
0xd8: {  	s30 =	simm.s32 $0x700;
	s31 =	simm.s32 $0x1C00;
	[sflag:s17] =	ssyncadd.s32 $0xFFFFF800  }
0xd9: {  	[spmem:s3] =	stream.indirect.scatter.add.bf16 [tilespmem:s31], [sflag:$0x3], $0x10, s30, s14, $0xb8;
	[tilespmem:$0x1F300] =	vst v63  }
0xda: {  	_ =	swait.ge [sflag:s17], $0x800  }
0xdb: {  	[sflag:s17] =	ssyncset.done $0x0  }
0xdc: {  	s29 =	simm.s32 $0x780;
	s30 =	simm.s32 $0x2400;
	[sflag:s17] =	ssyncadd.s32 $0xFFFFF800  }
0xdd: {  	[spmem:s3] =	stream.indirect.scatter.add.bf16 [tilespmem:s30], [sflag:$0x3], $0x10, s29, s14, $0xb8;
	[tilespmem:$0x1F300] =	vst v63  }
0xde: {  	_ =	swait.ge [sflag:s17], $0x800  }
0xdf: {  	[sflag:s17] =	ssyncset.done $0x0  }
0xe0: {  	s31 =	simm.s32 $0x800;
	s29 =	simm.s32 $0x2C00;
	[sflag:s17] =	ssyncadd.s32 $0xFFFFF800  }
0xe1: {  	[spmem:s3] =	stream.indirect.scatter.add.bf16 [tilespmem:s29], [sflag:$0x3], $0x10, s31, s14, $0xb8;
	[tilespmem:$0x1F300] =	vst v63  }
0xe2: {  	_ =	swait.ge [sflag:s17], $0x800  }
0xe3: {  	p0 =	seq.s32 s23, $0x41;
	s30 =	simm.s32 $0x880;
	[sflag:s17] =	ssyncset.done $0x0  }
.Ltmp8:
0xe4: {  	s31 =	simm.s32 $0x3400;
	[sflag:s17] =	ssyncadd.s32 $0xFFFFF800;
	(pc) =	sbr.rel @p0 .LBB2_14-.Ltmp8, $4  }
0xe5: {  	[spmem:s3] =	stream.indirect.scatter.add.bf16 [tilespmem:s31], [sflag:$0x3], $0x10, s30, s14, $0xb8;
	[tilespmem:$0x1F300] =	vst v63  }
0xe6: {  	_ =	swait.ge [sflag:s17], $0x800  }
0xe7: {  	[sflag:s17] =	ssyncset.done $0x0  }
0xe8: {  	[sflag:s17] =	ssyncadd.s32 $0xFFFFF800  }
0xe9: {  	s26 =	rddreg [dreg:$0x7]  }
0xea: {  	s25 =	sadd.s32 s25, s26  }
0xeb: {  	s26 =	sshll.u32 s25, $0x4  }
0xec: {  	s25 =	simm.s32 $0x0;
	s28 =	sadd.s32 s5, s26  }
0xed: {  	[tilespmem:s25], [sflag:$0x3] =	stream.linear.gather [hbm4b:s28+s25], $0x300, $0x38;
	[tilespmem:$0x1F300] =	vst v63  }
0xee: {  	_ =	swait.ge [sflag:s17], $0x300  }
0xef: {  	[sflag:s17] =	ssyncset.done $0x0  }
0xf0: {  	s26 =	sadd.s32 s6, s26;
	[sflag:s17] =	ssyncadd.s32 $0xFFFFFD00  }
0xf1: {  	[tilespmem:s15], [sflag:$0x3] =	stream.linear.gather [hbm4b:s26+s25], $0x300, $0x38;
	[tilespmem:$0x1F300] =	vst v63  }
0xf2: {  	_ =	swait.ge [sflag:s17], $0x300  }
0xf3: {  	[sflag:s17] =	ssyncset.done $0x0  }
0xf4: {  	[sflag:s17] =	ssyncadd.s32 $0xFFFFFD00  }
0xf5: {  	v3 =	vld [tilespmem:s25+$0x0]  }
0xf6: {  	v4 =	vld [tilespmem:s25+$0x10]  }
0xf7: {  	v6 =	vld [tilespmem:s25+$0x20]  }
0xf8: {  	v7 =	vld [tilespmem:s25+$0x30]  }
0xf9: {  	v5 =	vld [tilespmem:s25+$0x40]  }
0xfa: {  	v8 =	vshll.u32 v3, $0x1;
	v3 =	vld [tilespmem:s25+$0x50]  }
0xfb: {  	v9 =	vshll.u32 v4, $0x1;
	v4 =	vld [tilespmem:s25+$0x60];
	v8 =	vor.u32 v0, v8  }
0xfc: {  	s29 =	simm.s32 $0x2000;
	s28 =	simm.s32 $0x0;
	s26 =	simm.s32 $0x0;
	[tilespmem:s25+$0x0] =	vst v8;
	v8 =	vor.u32 v0, v9;
	v9 =	vshll.u32 v6, $0x1;
	v6 =	vld [tilespmem:s25+$0x70]  }
.LBB2_12:
0xfd: {  	p0 =	sne.s32 s29, $0xA000;
	[tilespmem:s25+$0x10] =	vst v8;
	v8 =	vor.u32 v0, v9;
	v7 =	vshll.u32 v7, $0x1  }
0xfe: {  	[tilespmem:s25+$0x20] =	vst v8;
	v7 =	vor.u32 v0, v7;
	v5 =	vshll.u32 v5, $0x1  }
0xff: {  	[tilespmem:s25+$0x30] =	vst v7;
	v5 =	vor.u32 v0, v5;
	v3 =	vshll.u32 v3, $0x1  }
0x100: {  	[tilespmem:s25+$0x40] =	vst v5;
	v3 =	vor.u32 v0, v3;
	v4 =	vshll.u32 v4, $0x1  }
0x101: {  	s30 =	sshra.s32 s28, $0x2;
	s28 =	smov.u32 s29;
	[tilespmem:s25+$0x50] =	vst v3;
	v3 =	vor.u32 v0, v4;
	v4 =	vshll.u32 v6, $0x1  }
0x102: {  	s30 =	sadd.s32 $0xC00, s30;
	s25 =	sadd.s32 $0x80, s25;
	[tilespmem:s26+$0x60] =	vst v3;
	v3 =	vor.u32 v0, v4  }
0x103: {  	[tilespmem:s26+$0x70] =	vst v3;
	[tilespmem:s30], [sflag:$0x1] =	stream.indirect.gather [hbm4b:s1+s14], $0x10, s26, s14, $0xb8  }
0x104: {  	s26 =	smov.u32 s25;
	v3 =	vld [tilespmem:s25+$0x0]  }
0x105: {  	v4 =	vld [tilespmem:s25+$0x10]  }
0x106: {  	v6 =	vld [tilespmem:s25+$0x20]  }
.Ltmp9:
0x107: {  	v7 =	vld [tilespmem:s25+$0x30];
	(pc) =	sbr.rel @p0 .LBB2_12-.Ltmp9, $4  }
0x108: {  	v5 =	vld [tilespmem:s25+$0x40]  }
0x109: {  	v8 =	vshll.u32 v3, $0x1;
	v3 =	vld [tilespmem:s25+$0x50]  }
0x10a: {  	v8 =	vor.u32 v0, v8;
	v9 =	vshll.u32 v4, $0x1;
	v4 =	vld [tilespmem:s25+$0x60]  }
0x10b: {  	s29 =	sadd.s32 $0x2000, s29;
	[tilespmem:s25+$0x0] =	vst v8;
	v8 =	vor.u32 v0, v9;
	v9 =	vshll.u32 v6, $0x1;
	v6 =	vld [tilespmem:s25+$0x70]  }
0x10c: {  	[tilespmem:s25+$0x10] =	vst v8;
	v62 =	vor.u32 v0, v9;
	v7 =	vshll.u32 v7, $0x1  }
0x10d: {  	[tilespmem:s25+$0x20] =	vst v62;
	v7 =	vor.u32 v0, v7;
	v5 =	vshll.u32 v5, $0x1  }
0x10e: {  	[tilespmem:s25+$0x30] =	vst v7;
	v5 =	vor.u32 v0, v5;
	v3 =	vshll.u32 v3, $0x1  }
.Ltmp10:
0x10f: {  	[tilespmem:s25+$0x40] =	vst v5;
	v3 =	vor.u32 v0, v3;
	v4 =	vshll.u32 v4, $0x1;
	(pc) =	sbr.rel .LBB2_14-.Ltmp10, $4  }
0x110: {  	[tilespmem:s25+$0x50] =	vst v3;
	v3 =	vor.u32 v0, v4;
	v63 =	vshll.u32 v6, $0x1  }
0x111: {  	s31 =	sshra.s32 s28, $0x2;
	[tilespmem:s26+$0x60] =	vst v3;
	v3 =	vor.u32 v0, v63  }
0x112: {  	s25 =	sadd.s32 $0xC00, s31;
	[tilespmem:s26+$0x70] =	vst v3  }
0x113: {  	[tilespmem:s25], [sflag:$0x1] =	stream.indirect.gather [hbm4b:s1+s14], $0x10, s26, s14, $0xb8;
	[tilespmem:$0x1F300] =	vst v63  }
.LBB2_16:
0x114: {  	_ =	sfence.sel $0x180000  }
0x115: {  	[bflag:$0x0] =	sbarrier.arrive $0xFFFF  }
0x116: {  	_ =	strace $0x9000004D  }
0x117: {  	s0 =	stileid.u32;
	[bflag:$0x2] =	sbarrier.arrive $0xFFFF  }
0x118: {  	p0 =	sne.s32 s0, $0x0;
	s0 =	rddreg [dreg:$0x3]  }
0x119: {  	s0 =	sadd.s32 @!p0 $0x100000, s0  }
0x11a: {  	[sflag:s0] =	ssyncadd.tile.s32 @!p0 $0x1;
	_ =	shalt  }
.Lfunc_end2:
_tile_overlayer_lowered:
.L_overlay_start_2:
0x11b: {  	(tag) =	ssettag $0x2  }
0x11c: {  	s0 =	rddreg [dreg:$0x0];
	s2 =	stileid.u32  }
0x11d: {  	s1 =	rddreg [dreg:$0x1];
	p0 =	sne.s32 s2, $0x0  }
0x11e: {  	s3 =	rddreg [dreg:$0x2];
	[bflag:$0x3] =	sbarrier.arrive $0xFFFF;
	s2 =	simm.s32 @!p0 $0x1C03  }
0x11f: {  	[timem:s3], [sflag:s2] =	dma.local @!p0 [hbm:s0], s1  }
0x120: {  	s0 =	simm.s32 @!p0 $0x3  }
0x121: {  	_ =	swait.ge @!p0 [sflag:s0], s1  }
0x122: {  	s1 =	ssub.s32 @!p0 $0x0, s1;
	[sflag:s0] =	ssyncset.done @!p0 $0x0  }
0x123: {  	[sflag:s0] =	ssyncadd.s32 @!p0 s1  }
0x124: {  	[bflag:$0x3] =	sbarrier.arrive $0xFFFF  }
0x125: {  	_ =	shalt  }

// kernel: kernel.8.cloned.1.call-start
scs
__scs_entry_jumppad:
0x0: {  	(pc) =	sbr.rel $0x88, $3  }
0x1: {  	(tag) =	ssettag $0x0;
	lr =	simm.s32 $0x1  }
0x2: {  	[smem:$0x3F9B] =	sst lr;
	_ =	strace $0xD0000000  }
0x3: {  	_ = 	snop  }
0x4: {  	_ = 	snop  }
0x5: {  	_ = 	snop  }
0x6: {  	_ = 	snop  }
0x7: {  	_ = 	snop  }
__scs_overlays_trampoline_lowered:
0x8: {  	[smem:$0x3FAA] =	sst s0  }
0x9: {  	[smem:$0x3FAB] =	sst s1  }
0xa: {  	[smem:$0x3FAC] =	sst s2  }
0xb: {  	[smem:$0x3FAD] =	sst s3  }
0xc: {  	[smem:$0x3FAE] =	sst s4  }
0xd: {  	[smem:$0x3FAF] =	sst s5  }
0xe: {  	[smem:$0x3FB0] =	sst s6  }
0xf: {  	[smem:$0x3FB1] =	sst s7  }
0x10: {  	[smem:$0x3FB2] =	sst s8  }
0x11: {  	[smem:$0x3FB3] =	sst s9;
	s0 =	simm.s32 @!p0 $0x0  }
0x12: {  	s1 =	sld [smem:$0x3F99];
	s0 =	simm.s32 @p0 $0x1  }
0x13: {  	[smem:$0x3FB4] =	sst s0;
	s0 =	simm.s32 @!p1 $0x0  }
0x14: {  	s2 =	sld [smem:$0x3F98];
	s0 =	simm.s32 @p1 $0x1  }
0x15: {  	[smem:$0x3FB5] =	sst s0;
	s0 =	simm.s32 @!p2 $0x0  }
0x16: {  	s3 =	sld [smem:$0x3FDB];
	s0 =	simm.s32 @p2 $0x1  }
0x17: {  	s4 =	simm.s32 $0x1BF5;
	[smem:$0x3FB7] =	sst s0  }
0x18: {  	s0 =	sld [smem:$0x3F9A];
	_ =	swait.ge [sflag:s4], $0x0  }
0x19: {  	s7 =	sld [smem:$0x3F9B]  }
0x1a: {  	s8 =	sadd.s32 $0xFFFFE003, lr  }
0x1b: {  	s9 =	sadd.s32 $0xFFFFFEF7, lr;
	s5 =	simm.s32 $0xFFFFFFFF;
	p2 =	slt.u32 s8, $0xFFFFF086  }
0x1c: {  	p1 =	slt.u32 s9, $0xF7A;
	s5 =	simm.s32 @!p2 $0x0  }
0x1d: {  	s5 =	simm.s32 @p1 $0x1;
	p0 =	seq.s32 s7, s2  }
0x1e: {  	s7 =	smul.u32 @!p0 $0xF7A, s2;
	p2 =	seq.s32 @!p0 s5, $0x0  }
0x1f: {  	s9 =	smul.u32 $0xF7A, s1;
	s8 =	simm.s32 @!p0 $0x1BF5;
	p2 =	por !p2, p0  }
0x20: {  	[sflag:s8] =	ssyncset.s32 @!p0 $0xFFFFF086;
	s6 =	sadd.s32 @!p0 s3, s7;
	s7 =	simm.s32 @!p0 $0x108  }
0x21: {  	s3 =	sadd.s32 s3, s9;
	s6 =	sadd.s32 @!p0 $0x88, s6;
	s7 =	simm.s32 @p2 $0x1082  }
0x22: {  	[simem:s7], [sflag:s8] =	dma.local @!p0 [hbm:s6], $0xF7A  }
0x23: {  	s9 =	sor.u32 $0xD0000000, s2;
	s6 =	simm.s32 $0x108;
	_ =	swait.ge @!p0 [sflag:s8], $0x0  }
0x24: {  	s3 =	sadd.s32 $0x88, s3;
	s6 =	simm.s32 @!p1 $0x1082;
	[sflag:s4] =	ssyncset.s32 $0xFFFFF086  }
0x25: {  	[simem:s6], [sflag:s4] =	dma.local [hbm:s3], $0xF7A  }
0x26: {  	[smem:$0x3F9B] =	sst s1;
	(tag) =	ssettag s2;
	_ =	strace s9  }
0x27: {  	s1 =	sld [smem:$0x3FAB]  }
0x28: {  	s2 =	sld [smem:$0x3FAC]  }
0x29: {  	s4 =	sld [smem:$0x3FAE]  }
0x2a: {  	p0 =	seq.s32 s5, $0x0;
	s5 =	sld [smem:$0x3FAF]  }
0x2b: {  	s6 =	sld [smem:$0x3FB0]  }
0x2c: {  	s7 =	sld [smem:$0x3FB1]  }
0x2d: {  	s3 =	simm.s32 $0x108;
	s8 =	sld [smem:$0x3FB2]  }
0x2e: {  	s3 =	simm.s32 @!p0 $0x1082;
	s9 =	sld [smem:$0x3FB3]  }
0x2f: {  	lr =	sadd.s32 s0, s3;
	s0 =	sld [smem:$0x3FAA]  }
0x30: {  	s3 =	sld [smem:$0x3FAD]  }
0x31: {  	[smem:$0x3FB6] =	sst s10  }
0x32: {  	s10 =	sld [smem:$0x3FB4];
	_ =	sdelay $0x3  }
0x33: {  	p0 =	seq.s32 s10, $0x1;
	s10 =	sld [smem:$0x3FB6];
	_ =	sdelay $0x3  }
0x34: {  	[smem:$0x3FB6] =	sst s10  }
0x35: {  	s10 =	sld [smem:$0x3FB5];
	_ =	sdelay $0x3  }
0x36: {  	p1 =	seq.s32 s10, $0x1;
	s10 =	sld [smem:$0x3FB6];
	_ =	sdelay $0x3  }
0x37: {  	[smem:$0x3FB6] =	sst s10  }
0x38: {  	s10 =	sld [smem:$0x3FB7]  }
0x39: {  	_ = 	snop;
	(pc) =	sbr.ind lr, $3  }
0x3a: {  	_ = 	snop  }
0x3b: {  	_ = 	snop  }
0x3c: {  	p2 =	seq.s32 s10, $0x1;
	s10 =	sld [smem:$0x3FB6]  }
0x3d: {  	_ =	shalt  }
0x3e: {  	_ =	shalt  }
0x3f: {  	_ =	shalt  }
0x40: {  	_ =	shalt  }
0x41: {  	_ =	shalt  }
0x42: {  	_ =	shalt  }
0x43: {  	_ =	shalt  }
0x44: {  	_ =	shalt  }
0x45: {  	_ =	shalt  }
0x46: {  	_ =	shalt  }
0x47: {  	_ =	shalt  }
0x48: {  	_ =	shalt  }
0x49: {  	_ =	shalt  }
0x4a: {  	_ =	shalt  }
0x4b: {  	_ =	shalt  }
0x4c: {  	_ =	shalt  }
0x4d: {  	_ =	shalt  }
0x4e: {  	_ =	shalt  }
0x4f: {  	_ =	shalt  }
0x50: {  	_ =	shalt  }
0x51: {  	_ =	shalt  }
0x52: {  	_ =	shalt  }
0x53: {  	_ =	shalt  }
0x54: {  	_ =	shalt  }
0x55: {  	_ =	shalt  }
0x56: {  	_ =	shalt  }
0x57: {  	_ =	shalt  }
0x58: {  	_ =	shalt  }
0x59: {  	_ =	shalt  }
0x5a: {  	_ =	shalt  }
0x5b: {  	_ =	shalt  }
0x5c: {  	_ =	shalt  }
0x5d: {  	_ =	shalt  }
0x5e: {  	_ =	shalt  }
0x5f: {  	_ =	shalt  }
0x60: {  	_ =	shalt  }
0x61: {  	_ =	shalt  }
0x62: {  	_ =	shalt  }
0x63: {  	_ =	shalt  }
0x64: {  	_ =	shalt  }
0x65: {  	_ =	shalt  }
0x66: {  	_ =	shalt  }
0x67: {  	_ =	shalt  }
0x68: {  	_ =	shalt  }
0x69: {  	_ =	shalt  }
0x6a: {  	_ =	shalt  }
0x6b: {  	_ =	shalt  }
0x6c: {  	_ =	shalt  }
0x6d: {  	_ =	shalt  }
0x6e: {  	_ =	shalt  }
0x6f: {  	_ =	shalt  }
0x70: {  	_ =	shalt  }
0x71: {  	_ =	shalt  }
0x72: {  	_ =	shalt  }
0x73: {  	_ =	shalt  }
0x74: {  	_ =	shalt  }
0x75: {  	_ =	shalt  }
0x76: {  	_ =	shalt  }
0x77: {  	_ =	shalt  }
0x78: {  	_ =	shalt  }
0x79: {  	_ =	shalt  }
0x7a: {  	_ =	shalt  }
0x7b: {  	_ =	shalt  }
0x7c: {  	_ =	shalt  }
0x7d: {  	_ =	shalt  }
0x7e: {  	_ =	shalt  }
0x7f: {  	_ =	shalt  }
0x80: {  	_ =	shalt  }
0x81: {  	_ =	shalt  }
0x82: {  	_ =	shalt  }
0x83: {  	_ =	shalt  }
0x84: {  	_ =	shalt  }
0x85: {  	_ =	shalt  }
0x86: {  	_ =	shalt  }
0x87: {  	_ =	shalt  }
.Lfunc_end0:
.L_simem_size_0:
called_computation_lowered:
.L_overlay_start_0:
0x88: {  	s2 =	sld [smem:$0x3FD9]  }
0x89: {  	s3 =	sld [smem:$0x3FFE];
	_ =	sdelay $0x1  }
0x8a: {  	s1 =	srdreg.scid  }
0x8b: {  	s0 =	sand.u32 $0x1, s1  }
0x8c: {  	s16 =	sshll.u32 s0, $0xA;
	s2 =	sadd.s32 s3, s2  }
0x8d: {  	s2 =	sadd.s32 s2, s16  }
0x8e: {  	[smem:$0x3FC2] =	sst s2  }
0x8f: {  	_ = 	snop  }
0x90: {  	(tm) =	ssettm $0x1  }
0x91: {  	s17 =	sld [smem:$0x3FFB];
	_ =	sdelay $0x3  }
0x92: {  	_ =	strace s17  }
0x93: {  	s2 =	sld [smem:$0x3FFC];
	_ =	sdelay $0x3  }
0x94: {  	_ =	strace s2  }
0x95: {  	s2 =	sld [smem:$0x3FFD];
	_ =	sdelay $0x3  }
0x96: {  	_ =	strace s2  }
0x97: {  	_ =	strace $0x8FFFFFFF  }
0x98: {  	s18 =	sld [smem:$0x3FDB];
	_ =	sdelay $0x1  }
0x99: {  	s19 =	simm.s32 $_scs_section_size  }
0x9a: {  	s4 =	simm.s32 $_size__tile_overlayer_lowered;
	s5 =	simm.s32 $_tile_overlayer_lowered  }
0x9b: {  	s22 =	simm.s32 $0x1BFF;
	s21 =	sshll.u32 s5, $0x1;
	s2 =	sadd.s32 s19, s18  }
0x9c: {  	s6 =	simm.s32 $0x0;
	s20 =	sshll.u32 s4, $0x1;
	s4 =	sadd.s32 s21, s2  }
0x9d: {  	[timem:s6], [sflag:s22] =	dma.local [hbm:s4], s20  }
0x9e: {  	_ =	swait.ge [sflag:s22], s20  }
0x9f: {  	s3 =	ssub.s32 $0x0, s20;
	[sflag:s22] =	ssyncset.done $0x0  }
0xa0: {  	[sflag:s22] =	ssyncadd.s32 s3;
	_ =	sdelay $0x1  }
0xa1: {  	s23 =	simm.s32 $0x1B8B  }
0xa2: {  	_ =	swait.ge [sflag:s23], $0x1  }
0xa3: {  	[sflag:s23] =	ssyncset.done $0x0  }
0xa4: {  	s25 =	simm.s32 $0x1B8E;
	s24 =	sld [smem:$0x3FFE];
	[sflag:s23] =	ssyncadd.s32 $0xFFFFFFFF  }
0xa5: {  	s26 =	simm.s32 $execute0_lowered;
	[smem:$0x3FD2] =	sst s25  }
0xa6: {  	s4 =	sshll.u32 s26, $0x1;
	_ =	strace $0x80000046;
	[dreg:$0x1] =	wrdreg $0xFFFFFFFF  }
0xa7: {  	s28 =	simm.s32 $_size_execute0_lowered;
	s2 =	sadd.s32 s2, s4;
	[dreg:$0x0] =	wrdreg $0x0  }
0xa8: {  	s4 =	sshll.u32 s28, $0x1;
	[dreg:$0x2] =	wrdreg s2  }
0xa9: {  	[dreg:$0x3] =	wrdreg s4  }
0xaa: {  	[dreg:$0x4] =	wrdreg $0xC0  }
0xab: {  	_ =	task [dreg:s6], $0x5FFFF  }
0xac: {  	[dreg:$0x1] =	wrdreg $0xFFFFFFFF  }
0xad: {  	[dreg:$0x0] =	wrdreg $0x60  }
0xae: {  	[dreg:$0x2] =	wrdreg s24  }
0xaf: {  	[dreg:$0x3] =	wrdreg $0xE000  }
0xb0: {  	[dreg:$0x4] =	wrdreg $0x9  }
0xb1: {  	_ =	task.clear_ibuf [dreg:s6], $0x5FFFF;
	_ =	strace $0x90000046  }
0xb2: {  	s29 =	simm.s32 $0x9;
	_ =	strace $0x80000048  }
0xb3: {  	_ =	swait.ge [sflag:s29], $0x1  }
0xb4: {  	[sflag:s29] =	ssyncadd.s32 $0xFFFFFFFF  }
0xb5: {  	_ =	strace $0x90000048  }
0xb6: {  	_ =	sfence  }
0xb7: {  	s30 =	sld [smem:$0x0];
	_ =	sdelay $0x2  }
0xb8: {  	s31 =	sshll.u32 s1, $0xD;
	s1 =	sshrl.u32 s1, $0x2  }
0xb9: {  	s3 =	sand.u32 $0x4000, s31;
	s1 =	sadd.s32 s1, s30  }
0xba: {  	s0 =	sor.u32 s3, s0;
	s1 =	sshll.u32 s1, $0x11  }
0xbb: {  	s0 =	sor.u32 s1, s0  }
0xbc: {  	s0 =	sadd.s32 $0x8F2B, s0  }
0xbd: {  	[sflag:s0] =	ssyncadd.remote.s32 $0x1  }
0xbe: {  	_ =	sfence.sel $0xFFFF  }
0xbf: {  	[dreg:$0x0] =	wrdreg $0xFFFFFFFF;
	(pc) =	sbr.abs _section_cstart, $3  }
0xc0: {  	[dreg:$0x1] =	wrdreg $0xFFFFFFFF  }
0xc1: {  	_ =	task.clear_ibuf [dreg:s6], $0x2FFFF;
	_ =	strace $0x9FFFFFFF  }
0xc2: {  	(tm) =	ssettm $0x7FFFFFFF  }
0xc3: {  	_ =	shalt  }
tec
execute0_lowered:
.L_overlay_start_1:
0x0: {  	(tag) =	ssettag $0x1  }
0x1: {  	s4 =	rddreg [dreg:$0x0]  }
0x2: {  	s1 =	rddreg [dreg:$0x1]  }
0x3: {  	s2 =	srdreg.scid;
	s0 =	rddreg [dreg:$0x2]  }
0x4: {  	s3 =	simm.s32 $0x0;
	s11 =	simm.s32 $0x880;
	s12 =	simm.s32 $0x900  }
0x5: {  	s13 =	simm.s32 $0x980;
	s14 =	simm.s32 $0xA00;
	s15 =	simm.s32 $0xA80  }
0x6: {  	s16 =	simm.s32 $0xB00;
	s17 =	simm.s32 $0xB80;
	s18 =	simm.s32 $0xC00  }
0x7: {  	s19 =	simm.s32 $0xC80;
	s20 =	simm.s32 $0xD00;
	s21 =	simm.s32 $0xD80  }
0x8: {  	s23 =	simm.s32 $0x4;
	s5 =	sand.u32 $0x1, s2;
	s2 =	stileid.u32  }
0x9: {  	s24 =	simm.s32 $0x2;
	[smem:$0x7FF] =	sst s3;
	s6 =	smul.u32 $0x18C00, s5  }
0xa: {  	s25 =	simm.s32 $0x0;
	s7 =	smul.u32 $0x30E00, s2;
	_ =	strace $0x80000047  }
0xb: {  	s8 =	sshll.u32 s5, $0x4;
	s5 =	ssub.s32 $0x2, s5;
	s29 =	smul.u32 $0x61C00, s2  }
0xc: {  	s10 =	smul.u32 $0x18C0, s2;
	s9 =	sshrl.u32 s5, $0x1;
	s6 =	sadd.s32 s6, s4  }
0xd: {  	s7 =	sor.u32 s8, s7;
	s9 =	ssub.s32 s5, s9;
	s30 =	sshrl.u32 s29, $0x2  }
0xe: {  	s8 =	simm.s32 $0x80;
	s7 =	sshrl.u32 s7, $0x3;
	s31 =	sadd.s32 s10, s6  }
0xf: {  	s22 =	sadd.s32 s30, s1;
	s6 =	smax.u32 s9, $0x1;
	s9 =	simm.s32 $0x800  }
0x10: {  	s10 =	simm.s32 $0x1;
	s7 =	sadd.s32 s7, s4;
	s4 =	smul.u32 $0x1870, s2  }
0x11: {  	v0 =	vimm.f32 $0.0e+00;
	v1 =	vlaneseq.u32;
	v2 =	vimm.f32 $1.000000000e+00;
	s22 =	sshrl.u32 s22, $0x3;
	s5 =	sadd.s32 $0x33800, s7;
	s7 =	sadd.s32 $0x2000, s31  }
.LBB2_1:
0x12: {  	s26 =	simm.s32 $0x0  }
.LBB2_2:
0x13: {  	p0 =	sne.s32 s26, $0x1FC0  }
.Ltmp0:
0x14: {  	_ = 	snop;
	(pc) =	sbr.rel @p0 .LBB2_2-.Ltmp0, $3  }
0x15: {  	_ =	sdelay $0x1  }
0x16: {  	s28 =	sshra.s32 s26, $0x2  }
0x17: {  	s26 =	sadd.s32 $0x40, s26;
	[tilespmem:s28+$0x0] =	vst v0  }
0x18: {  	s26 =	sadd.s32 $0x0, s4  }
0x19: {  	s26 =	smin.u32 s26, $0x18680  }
0x1a: {  	v3 =	vor.u32 s26, v1;
	s28 =	sadd.s32 $0x70, s26  }
0x1b: {  	s29 =	sadd.s32 $0x60, s26;
	[tilespmem:$0x800] =	vst v3;
	v3 =	vor.u32 s28, v1  }
0x1c: {  	s28 =	sadd.s32 $0x50, s26;
	v4 =	vor.u32 s29, v1;
	[tilespmem:$0x870] =	vst v3  }
0x1d: {  	s29 =	sadd.s32 $0x40, s26;
	v3 =	vor.u32 s28, v1;
	[tilespmem:$0x860] =	vst v4  }
0x1e: {  	s28 =	sadd.s32 $0x30, s26;
	v4 =	vor.u32 s29, v1;
	[tilespmem:$0x850] =	vst v3  }
0x1f: {  	s29 =	sadd.s32 $0x20, s26;
	v3 =	vor.u32 s28, v1;
	[tilespmem:$0x840] =	vst v4;
	s28 =	simm.s32 $0x80  }
.LBB2_4:
0x20: {  	p0 =	sne.s32 s28, $0x1800;
	s26 =	sadd.s32 $0x10, s26;
	v4 =	vor.u32 s29, v1;
	[tilespmem:$0x830] =	vst v3  }
0x21: {  	v3 =	vor.u32 s26, v1;
	[tilespmem:$0x820] =	vst v4  }
0x22: {  	[tilespmem:$0x810] =	vst v3;
	[spmem:s1] =	stream.indirect.scatter [tilespmem:s3], [sflag:$0x1], $0x10, s9, s8, $0xb8  }
0x23: {  	s26 =	sadd.s32 s28, s4;
	_ =	swait.ge [sflag:s10], $0x800  }
0x24: {  	s26 =	smin.u32 s26, $0x18680;
	[sflag:s10] =	ssyncset.done $0x0  }
0x25: {  	v3 =	vor.u32 s26, v1;
	s29 =	sadd.s32 $0x70, s26;
	[sflag:s10] =	ssyncadd.s32 $0xFFFFF800  }
.Ltmp1:
0x26: {  	s30 =	sadd.s32 $0x60, s26;
	[tilespmem:$0x800] =	vst v3;
	v3 =	vor.u32 s29, v1;
	(pc) =	sbr.rel @p0 .LBB2_4-.Ltmp1, $4  }
0x27: {  	v4 =	vor.u32 s30, v1;
	s29 =	sadd.s32 $0x50, s26;
	[tilespmem:$0x870] =	vst v3  }
0x28: {  	s30 =	sadd.s32 $0x40, s26;
	v3 =	vor.u32 s29, v1;
	[tilespmem:$0x860] =	vst v4  }
0x29: {  	s31 =	sadd.s32 $0x30, s26;
	v4 =	vor.u32 s30, v1;
	[tilespmem:$0x850] =	vst v3  }
0x2a: {  	s28 =	sadd.s32 $0x80, s28;
	s29 =	sadd.s32 $0x20, s26;
	v3 =	vor.u32 s31, v1;
	[tilespmem:$0x840] =	vst v4  }
0x2b: {  	s26 =	sadd.s32 $0x10, s26;
	v4 =	vor.u32 s29, v1;
	[tilespmem:$0x830] =	vst v3  }
0x2c: {  	v3 =	vor.u32 s26, v1;
	[tilespmem:$0x820] =	vst v4  }
0x2d: {  	[tilespmem:$0x810] =	vst v3  }
0x2e: {  	[spmem:s1] =	stream.indirect.scatter [tilespmem:s3], [sflag:$0x1], $0x10, s9, s8, $0xb8;
	[tilespmem:$0x19500] =	vst v63  }
0x2f: {  	_ =	swait.ge [sflag:s10], $0x800  }
0x30: {  	[sflag:s10] =	ssyncset.done $0x0  }
0x31: {  	[sflag:s10] =	ssyncadd.s32 $0xFFFFF800  }
0x32: {  	s28 =	simm.s32 $0x0;
	s26 =	simm.s32 $0x40;
	[bflag:$0x0] =	sbarrier.arrive $0xFFFF  }
.LBB2_6:
0x33: {  	p0 =	sne.s32 s26, $0x1FC0;
	[tilespmem:s28+$0x0] =	vst v2;
	s28 =	smov.u32 s26;
	s26 =	sadd.s32 $0x40, s26  }
.Ltmp2:
0x34: {  	(pc) =	sbr.rel @p0 .LBB2_6-.Ltmp2, $2  }
0x35: {  	_ =	sdelay $0x2  }
0x36: {  	s28 =	sshra.s32 s28, $0x2  }
0x37: {  	[tilespmem:s28+$0x0] =	vst v2;
	s26 =	sadd.s32 $0x0, s7  }
0x38: {  	[tilespmem:s9], [sflag:$0x1] =	stream.linear.gather [hbm4b:s26+s3], $0x600, $0x38;
	[tilespmem:$0x19500] =	vst v63  }
0x39: {  	_ =	swait.ge [sflag:s10], $0x600  }
0x3a: {  	[sflag:s10] =	ssyncset.done $0x0  }
0x3b: {  	[sflag:s10] =	ssyncadd.s32 $0xFFFFFA00  }
0x3c: {  	[spmem:s1] =	stream.indirect.scatter.add.f32 [tilespmem:s3], [sflag:$0x1], $0x10, s9, s8, $0xb8;
	[tilespmem:$0x19500] =	vst v63  }
0x3d: {  	_ =	swait.ge [sflag:s10], $0x800  }
0x3e: {  	[sflag:s10] =	ssyncset.done $0x0  }
0x3f: {  	[sflag:s10] =	ssyncadd.s32 $0xFFFFF800  }
0x40: {  	[spmem:s1] =	stream.indirect.scatter.add.f32 [tilespmem:s3], [sflag:$0x1], $0x10, s11, s8, $0xb8;
	[tilespmem:$0x19500] =	vst v63  }
0x41: {  	_ =	swait.ge [sflag:s10], $0x800  }
0x42: {  	[sflag:s10] =	ssyncset.done $0x0  }
0x43: {  	[sflag:s10] =	ssyncadd.s32 $0xFFFFF800  }
0x44: {  	[spmem:s1] =	stream.indirect.scatter.add.f32 [tilespmem:s3], [sflag:$0x1], $0x10, s12, s8, $0xb8;
	[tilespmem:$0x19500] =	vst v63  }
0x45: {  	_ =	swait.ge [sflag:s10], $0x800  }
0x46: {  	[sflag:s10] =	ssyncset.done $0x0  }
0x47: {  	[sflag:s10] =	ssyncadd.s32 $0xFFFFF800  }
0x48: {  	[spmem:s1] =	stream.indirect.scatter.add.f32 [tilespmem:s3], [sflag:$0x1], $0x10, s13, s8, $0xb8;
	[tilespmem:$0x19500] =	vst v63  }
0x49: {  	_ =	swait.ge [sflag:s10], $0x800  }
0x4a: {  	[sflag:s10] =	ssyncset.done $0x0  }
0x4b: {  	[sflag:s10] =	ssyncadd.s32 $0xFFFFF800  }
0x4c: {  	[spmem:s1] =	stream.indirect.scatter.add.f32 [tilespmem:s3], [sflag:$0x1], $0x10, s14, s8, $0xb8;
	[tilespmem:$0x19500] =	vst v63  }
0x4d: {  	_ =	swait.ge [sflag:s10], $0x800  }
0x4e: {  	[sflag:s10] =	ssyncset.done $0x0  }
0x4f: {  	[sflag:s10] =	ssyncadd.s32 $0xFFFFF800  }
0x50: {  	[spmem:s1] =	stream.indirect.scatter.add.f32 [tilespmem:s3], [sflag:$0x1], $0x10, s15, s8, $0xb8;
	[tilespmem:$0x19500] =	vst v63  }
0x51: {  	_ =	swait.ge [sflag:s10], $0x800  }
0x52: {  	[sflag:s10] =	ssyncset.done $0x0  }
0x53: {  	[sflag:s10] =	ssyncadd.s32 $0xFFFFF800  }
0x54: {  	[spmem:s1] =	stream.indirect.scatter.add.f32 [tilespmem:s3], [sflag:$0x1], $0x10, s16, s8, $0xb8;
	[tilespmem:$0x19500] =	vst v63  }
0x55: {  	_ =	swait.ge [sflag:s10], $0x800  }
0x56: {  	[sflag:s10] =	ssyncset.done $0x0  }
0x57: {  	[sflag:s10] =	ssyncadd.s32 $0xFFFFF800  }
0x58: {  	[spmem:s1] =	stream.indirect.scatter.add.f32 [tilespmem:s3], [sflag:$0x1], $0x10, s17, s8, $0xb8;
	[tilespmem:$0x19500] =	vst v63  }
0x59: {  	_ =	swait.ge [sflag:s10], $0x800  }
0x5a: {  	[sflag:s10] =	ssyncset.done $0x0  }
0x5b: {  	[sflag:s10] =	ssyncadd.s32 $0xFFFFF800  }
0x5c: {  	[spmem:s1] =	stream.indirect.scatter.add.f32 [tilespmem:s3], [sflag:$0x1], $0x10, s18, s8, $0xb8;
	[tilespmem:$0x19500] =	vst v63  }
0x5d: {  	_ =	swait.ge [sflag:s10], $0x800  }
0x5e: {  	[sflag:s10] =	ssyncset.done $0x0  }
0x5f: {  	[sflag:s10] =	ssyncadd.s32 $0xFFFFF800  }
0x60: {  	[spmem:s1] =	stream.indirect.scatter.add.f32 [tilespmem:s3], [sflag:$0x1], $0x10, s19, s8, $0xb8;
	[tilespmem:$0x19500] =	vst v63  }
0x61: {  	_ =	swait.ge [sflag:s10], $0x800  }
0x62: {  	[sflag:s10] =	ssyncset.done $0x0  }
0x63: {  	[sflag:s10] =	ssyncadd.s32 $0xFFFFF800  }
0x64: {  	[spmem:s1] =	stream.indirect.scatter.add.f32 [tilespmem:s3], [sflag:$0x1], $0x10, s20, s8, $0xb8;
	[tilespmem:$0x19500] =	vst v63  }
0x65: {  	_ =	swait.ge [sflag:s10], $0x800  }
0x66: {  	[sflag:s10] =	ssyncset.done $0x0  }
0x67: {  	[sflag:s10] =	ssyncadd.s32 $0xFFFFF800  }
0x68: {  	[spmem:s1] =	stream.indirect.scatter.add.f32 [tilespmem:s3], [sflag:$0x1], $0x10, s21, s8, $0xb8;
	[tilespmem:$0x19500] =	vst v63  }
0x69: {  	_ =	swait.ge [sflag:s10], $0x800  }
0x6a: {  	s29 =	simm.s32 $0x180;
	s26 =	simm.s32 $0xC0;
	[sflag:s10] =	ssyncset.done $0x0  }
.LBB2_8:
0x6b: {  	s30 =	sadd.s32 s26, s7  }
0x6c: {  	[sflag:s10] =	ssyncadd.s32 $0xFFFFF800;
	s26 =	smov.u32 s29;
	s28 =	sadd.s32 $0xC0, s29  }
0x6d: {  	[tilespmem:s9], [sflag:$0x1] =	stream.linear.gather [hbm4b:s30+s3], $0x600, $0x38;
	[tilespmem:$0x19500] =	vst v63  }
0x6e: {  	p0 =	sne.s32 s29, $0x1800;
	_ =	swait.ge [sflag:s10], $0x600  }
0x6f: {  	[sflag:s10] =	ssyncset.done $0x0  }
0x70: {  	[sflag:s10] =	ssyncadd.s32 $0xFFFFFA00  }
0x71: {  	[spmem:s1] =	stream.indirect.scatter.add.f32 [tilespmem:s3], [sflag:$0x1], $0x10, s9, s8, $0xb8;
	[tilespmem:$0x19500] =	vst v63  }
0x72: {  	_ =	swait.ge [sflag:s10], $0x800  }
0x73: {  	[sflag:s10] =	ssyncset.done $0x0  }
0x74: {  	[sflag:s10] =	ssyncadd.s32 $0xFFFFF800  }
0x75: {  	[spmem:s1] =	stream.indirect.scatter.add.f32 [tilespmem:s3], [sflag:$0x1], $0x10, s11, s8, $0xb8;
	[tilespmem:$0x19500] =	vst v63  }
0x76: {  	_ =	swait.ge [sflag:s10], $0x800  }
0x77: {  	[sflag:s10] =	ssyncset.done $0x0  }
0x78: {  	[sflag:s10] =	ssyncadd.s32 $0xFFFFF800  }
0x79: {  	[spmem:s1] =	stream.indirect.scatter.add.f32 [tilespmem:s3], [sflag:$0x1], $0x10, s12, s8, $0xb8;
	[tilespmem:$0x19500] =	vst v63  }
0x7a: {  	_ =	swait.ge [sflag:s10], $0x800  }
0x7b: {  	[sflag:s10] =	ssyncset.done $0x0  }
0x7c: {  	[sflag:s10] =	ssyncadd.s32 $0xFFFFF800  }
0x7d: {  	[spmem:s1] =	stream.indirect.scatter.add.f32 [tilespmem:s3], [sflag:$0x1], $0x10, s13, s8, $0xb8;
	[tilespmem:$0x19500] =	vst v63  }
0x7e: {  	_ =	swait.ge [sflag:s10], $0x800  }
0x7f: {  	[sflag:s10] =	ssyncset.done $0x0  }
0x80: {  	[sflag:s10] =	ssyncadd.s32 $0xFFFFF800  }
0x81: {  	[spmem:s1] =	stream.indirect.scatter.add.f32 [tilespmem:s3], [sflag:$0x1], $0x10, s14, s8, $0xb8;
	[tilespmem:$0x19500] =	vst v63  }
0x82: {  	_ =	swait.ge [sflag:s10], $0x800  }
0x83: {  	[sflag:s10] =	ssyncset.done $0x0  }
0x84: {  	[sflag:s10] =	ssyncadd.s32 $0xFFFFF800  }
0x85: {  	[spmem:s1] =	stream.indirect.scatter.add.f32 [tilespmem:s3], [sflag:$0x1], $0x10, s15, s8, $0xb8;
	[tilespmem:$0x19500] =	vst v63  }
0x86: {  	_ =	swait.ge [sflag:s10], $0x800  }
0x87: {  	[sflag:s10] =	ssyncset.done $0x0  }
0x88: {  	[sflag:s10] =	ssyncadd.s32 $0xFFFFF800  }
0x89: {  	[spmem:s1] =	stream.indirect.scatter.add.f32 [tilespmem:s3], [sflag:$0x1], $0x10, s16, s8, $0xb8;
	[tilespmem:$0x19500] =	vst v63  }
0x8a: {  	_ =	swait.ge [sflag:s10], $0x800  }
0x8b: {  	[sflag:s10] =	ssyncset.done $0x0  }
0x8c: {  	[sflag:s10] =	ssyncadd.s32 $0xFFFFF800  }
0x8d: {  	[spmem:s1] =	stream.indirect.scatter.add.f32 [tilespmem:s3], [sflag:$0x1], $0x10, s17, s8, $0xb8;
	[tilespmem:$0x19500] =	vst v63  }
0x8e: {  	_ =	swait.ge [sflag:s10], $0x800  }
0x8f: {  	[sflag:s10] =	ssyncset.done $0x0  }
0x90: {  	[sflag:s10] =	ssyncadd.s32 $0xFFFFF800  }
0x91: {  	[spmem:s1] =	stream.indirect.scatter.add.f32 [tilespmem:s3], [sflag:$0x1], $0x10, s18, s8, $0xb8;
	[tilespmem:$0x19500] =	vst v63  }
0x92: {  	_ =	swait.ge [sflag:s10], $0x800  }
0x93: {  	[sflag:s10] =	ssyncset.done $0x0  }
0x94: {  	[sflag:s10] =	ssyncadd.s32 $0xFFFFF800  }
0x95: {  	[spmem:s1] =	stream.indirect.scatter.add.f32 [tilespmem:s3], [sflag:$0x1], $0x10, s19, s8, $0xb8;
	[tilespmem:$0x19500] =	vst v63  }
0x96: {  	_ =	swait.ge [sflag:s10], $0x800  }
0x97: {  	[sflag:s10] =	ssyncset.done $0x0  }
0x98: {  	[sflag:s10] =	ssyncadd.s32 $0xFFFFF800  }
0x99: {  	[spmem:s1] =	stream.indirect.scatter.add.f32 [tilespmem:s3], [sflag:$0x1], $0x10, s20, s8, $0xb8;
	[tilespmem:$0x19500] =	vst v63  }
0x9a: {  	_ =	swait.ge [sflag:s10], $0x800  }
.Ltmp3:
0x9b: {  	[sflag:s10] =	ssyncset.done $0x0;
	(pc) =	sbr.rel @p0 .LBB2_8-.Ltmp3, $4  }
0x9c: {  	[sflag:s10] =	ssyncadd.s32 $0xFFFFF800  }
0x9d: {  	[spmem:s1] =	stream.indirect.scatter.add.f32 [tilespmem:s3], [sflag:$0x1], $0x10, s21, s8, $0xb8;
	[tilespmem:$0x19500] =	vst v63  }
0x9e: {  	_ =	swait.ge [sflag:s10], $0x800  }
0x9f: {  	s29 =	smov.u32 s28;
	[sflag:s10] =	ssyncset.done $0x0  }
0xa0: {  	s26 =	sadd.s32 s26, s7;
	[sflag:s10] =	ssyncadd.s32 $0xFFFFF800  }
0xa1: {  	[tilespmem:s9], [sflag:$0x1] =	stream.linear.gather [hbm4b:s26+s3], $0x600, $0x38;
	[tilespmem:$0x19500] =	vst v63  }
0xa2: {  	_ =	swait.ge [sflag:s10], $0x600  }
0xa3: {  	[sflag:s10] =	ssyncset.done $0x0  }
0xa4: {  	[sflag:s10] =	ssyncadd.s32 $0xFFFFFA00  }
0xa5: {  	[spmem:s1] =	stream.indirect.scatter.add.f32 [tilespmem:s3], [sflag:$0x1], $0x10, s9, s8, $0xb8;
	[tilespmem:$0x19500] =	vst v63  }
0xa6: {  	_ =	swait.ge [sflag:s10], $0x800  }
0xa7: {  	[sflag:s10] =	ssyncset.done $0x0  }
0xa8: {  	[sflag:s10] =	ssyncadd.s32 $0xFFFFF800  }
0xa9: {  	[spmem:s1] =	stream.indirect.scatter.add.f32 [tilespmem:s3], [sflag:$0x1], $0x10, s11, s8, $0xb8;
	[tilespmem:$0x19500] =	vst v63  }
0xaa: {  	_ =	swait.ge [sflag:s10], $0x800  }
0xab: {  	[sflag:s10] =	ssyncset.done $0x0  }
0xac: {  	[sflag:s10] =	ssyncadd.s32 $0xFFFFF800  }
0xad: {  	[spmem:s1] =	stream.indirect.scatter.add.f32 [tilespmem:s3], [sflag:$0x1], $0x10, s12, s8, $0xb8;
	[tilespmem:$0x19500] =	vst v63  }
0xae: {  	_ =	swait.ge [sflag:s10], $0x800  }
0xaf: {  	[sflag:s10] =	ssyncset.done $0x0  }
0xb0: {  	[sflag:s10] =	ssyncadd.s32 $0xFFFFF800  }
0xb1: {  	[spmem:s1] =	stream.indirect.scatter.add.f32 [tilespmem:s3], [sflag:$0x1], $0x10, s13, s8, $0xb8;
	[tilespmem:$0x19500] =	vst v63  }
0xb2: {  	_ =	swait.ge [sflag:s10], $0x800  }
0xb3: {  	[sflag:s10] =	ssyncset.done $0x0  }
0xb4: {  	[sflag:s10] =	ssyncadd.s32 $0xFFFFF800  }
0xb5: {  	[spmem:s1] =	stream.indirect.scatter.add.f32 [tilespmem:s3], [sflag:$0x1], $0x10, s14, s8, $0xb8;
	[tilespmem:$0x19500] =	vst v63  }
0xb6: {  	_ =	swait.ge [sflag:s10], $0x800  }
0xb7: {  	[sflag:s10] =	ssyncset.done $0x0  }
0xb8: {  	[sflag:s10] =	ssyncadd.s32 $0xFFFFF800  }
0xb9: {  	[spmem:s1] =	stream.indirect.scatter.add.f32 [tilespmem:s3], [sflag:$0x1], $0x10, s15, s8, $0xb8;
	[tilespmem:$0x19500] =	vst v63  }
0xba: {  	_ =	swait.ge [sflag:s10], $0x800  }
0xbb: {  	[sflag:s10] =	ssyncset.done $0x0  }
0xbc: {  	[sflag:s10] =	ssyncadd.s32 $0xFFFFF800  }
0xbd: {  	[spmem:s1] =	stream.indirect.scatter.add.f32 [tilespmem:s3], [sflag:$0x1], $0x10, s16, s8, $0xb8;
	[tilespmem:$0x19500] =	vst v63  }
0xbe: {  	_ =	swait.ge [sflag:s10], $0x800  }
0xbf: {  	[sflag:s10] =	ssyncset.done $0x0  }
0xc0: {  	[sflag:s10] =	ssyncadd.s32 $0xFFFFF800  }
0xc1: {  	[spmem:s1] =	stream.indirect.scatter.add.f32 [tilespmem:s3], [sflag:$0x1], $0x10, s17, s8, $0xb8;
	[tilespmem:$0x19500] =	vst v63  }
0xc2: {  	_ =	swait.ge [sflag:s10], $0x800  }
0xc3: {  	[sflag:s10] =	ssyncset.done $0x0  }
0xc4: {  	[sflag:s10] =	ssyncadd.s32 $0xFFFFF800  }
0xc5: {  	[spmem:s1] =	stream.indirect.scatter.add.f32 [tilespmem:s3], [sflag:$0x1], $0x10, s18, s8, $0xb8;
	[tilespmem:$0x19500] =	vst v63  }
0xc6: {  	_ =	swait.ge [sflag:s10], $0x800  }
0xc7: {  	[sflag:s10] =	ssyncset.done $0x0  }
0xc8: {  	[sflag:s10] =	ssyncadd.s32 $0xFFFFF800  }
0xc9: {  	[spmem:s1] =	stream.indirect.scatter.add.f32 [tilespmem:s3], [sflag:$0x1], $0x10, s19, s8, $0xb8;
	[tilespmem:$0x19500] =	vst v63  }
0xca: {  	_ =	swait.ge [sflag:s10], $0x800  }
0xcb: {  	[sflag:s10] =	ssyncset.done $0x0  }
0xcc: {  	[sflag:s10] =	ssyncadd.s32 $0xFFFFF800  }
0xcd: {  	[spmem:s1] =	stream.indirect.scatter.add.f32 [tilespmem:s3], [sflag:$0x1], $0x10, s20, s8, $0xb8;
	[tilespmem:$0x19500] =	vst v63  }
0xce: {  	_ =	swait.ge [sflag:s10], $0x800  }
0xcf: {  	[sflag:s10] =	ssyncset.done $0x0  }
0xd0: {  	[sflag:s10] =	ssyncadd.s32 $0xFFFFF800  }
0xd1: {  	[spmem:s1] =	stream.indirect.scatter.add.f32 [tilespmem:s3], [sflag:$0x1], $0x10, s21, s8, $0xb8;
	[tilespmem:$0x19500] =	vst v63  }
0xd2: {  	_ =	swait.ge [sflag:s10], $0x800  }
0xd3: {  	s25 =	sadd.s32 $0x1, s25;
	[sflag:s10] =	ssyncset.done $0x0  }
0xd4: {  	s31 =	sshll.u32 s2, $0x6;
	p0 =	sne.s32 s25, s6;
	[sflag:s10] =	ssyncadd.s32 $0xFFFFF800  }
.Ltmp4:
0xd5: {  	s26 =	sor.u32 $0x1C01, s31;
	[bflag:$0x0] =	sbarrier.arrive $0xFFFF;
	(pc) =	sbr.rel @p0 .LBB2_1-.Ltmp4, $4  }
0xd6: {  	[hbm:s5@s23], [sflag:s26] =	dma.strided [spmem:s22@s24], $0x30E0, s10, $0x2   }
0xd7: {  	_ =	swait.ge [sflag:s10], $0x30E0  }
0xd8: {  	[sflag:s10] =	ssyncset.done $0x0  }
0xd9: {  	[sflag:s10] =	ssyncadd.s32 $0xFFFFCF20  }
0xda: {  	_ =	sfence.sel $0x180000  }
0xdb: {  	[bflag:$0x0] =	sbarrier.arrive $0xFFFF  }
0xdc: {  	p0 =	sne.s32 s2, $0x0;
	_ =	strace $0x90000047  }
0xdd: {  	s0 =	sadd.s32 @!p0 $0x100000, s0;
	[bflag:$0x2] =	sbarrier.arrive $0xFFFF  }
0xde: {  	[sflag:s0] =	ssyncadd.tile.s32 @!p0 $0x1;
	_ =	shalt  }
.Lfunc_end2:
_tile_overlayer_lowered:
.L_overlay_start_2:
0xdf: {  	(tag) =	ssettag $0x2  }
0xe0: {  	s0 =	rddreg [dreg:$0x0];
	s2 =	stileid.u32  }
0xe1: {  	s1 =	rddreg [dreg:$0x1];
	p0 =	sne.s32 s2, $0x0  }
0xe2: {  	s3 =	rddreg [dreg:$0x2];
	[bflag:$0x3] =	sbarrier.arrive $0xFFFF;
	s2 =	simm.s32 @!p0 $0x1C01  }
0xe3: {  	[timem:s3], [sflag:s2] =	dma.local @!p0 [hbm:s0], s1  }
0xe4: {  	s0 =	simm.s32 @!p0 $0x1  }
0xe5: {  	_ =	swait.ge @!p0 [sflag:s0], s1  }
0xe6: {  	s1 =	ssub.s32 @!p0 $0x0, s1;
	[sflag:s0] =	ssyncset.done @!p0 $0x0  }
0xe7: {  	[sflag:s0] =	ssyncadd.s32 @!p0 s1  }
0xe8: {  	[bflag:$0x3] =	sbarrier.arrive $0xFFFF  }
0xe9: {  	_ =	shalt  }

</sc_bundles>
